<compile_context>
chip_gen: v7x
topology: tpu7x:2x2x1
jax: 0.10.2.dev20260603
libtpu: 0.0.44.dev20260713+nightly
codegen_flags: <defaults>
</compile_context>

<pallas_src>
import functools

import jax
import jax.numpy as jnp
from jax import lax
from jax.experimental import pallas as pl
from jax.experimental.pallas import tpu as pltpu
from jax.experimental.pallas import tpu_sc as plsc

N = 10000
E = 320000
D = 128
H = 128
O = 64
G = 64
EPS = 1e-5

NC = 2
NS = 16
CHUNK = 128
NCHUNKS = 80
HCH = NCHUNKS // 2
EPT = NCHUNKS * CHUNK
EPAD = EPT * NC * NS
NROW = 632
NACC = NROW * NS

@functools.cache
def _mesh():
  return plsc.VectorSubcoreMesh(
      core_axis_name="c", subcore_axis_name="s",
      num_cores=NC, num_subcores=NS)



@functools.cache
def _make_spmm(width):

  @functools.partial(
      pl.kernel,
      out_type=jax.ShapeDtypeStruct((NC, NACC, width), jnp.float32),
      mesh=_mesh(),
      scratch_types=[
          pltpu.VMEM((HCH, CHUNK), jnp.int32),
          pltpu.VMEM((HCH, CHUNK), jnp.int32),
          pltpu.VMEM((CHUNK, width), jnp.float32),
          pltpu.VMEM((CHUNK, width), jnp.float32),
          pltpu.VMEM_SHARED((NACC, width), jnp.float32),
          pltpu.SemaphoreType.DMA,
          pltpu.SemaphoreType.DMA,
      ],
  )
  def spmm(src_hbm, dst2_hbm, p_hbm, zeros_hbm, out_hbm,
           src_half, dst_half, rows0, rows1, acc, sem0, sem1):
    cid = lax.axis_index("c")
    sid = lax.axis_index("s")
    wid = cid * NS + sid
    pltpu.sync_copy(zeros_hbm.at[pl.ds(sid * NROW, NROW)],
                    acc.at[pl.ds(sid * NROW, NROW)])
    plsc.subcore_barrier()

    def gather(i, buf, sem):
      return pltpu.async_copy(p_hbm.at[src_half.at[i]], buf, sem)

    def wait(i, buf, sem):
      pltpu.make_async_copy(p_hbm.at[src_half.at[i]], buf, sem).wait()

    def scatter(i, buf):
      pltpu.sync_copy(buf, acc.at[dst_half.at[i]], add=True)

    for half in range(NCHUNKS // HCH):
      pltpu.sync_copy(
          src_hbm.at[pl.ds(wid * NCHUNKS + half * HCH, HCH)], src_half)
      pltpu.sync_copy(
          dst2_hbm.at[pl.ds(wid * NCHUNKS + half * HCH, HCH)], dst_half)
      gather(0, rows0, sem0)

      def body(j, carry):
        i0 = 2 * j
        i1 = 2 * j + 1
        i2 = lax.rem(2 * j + 2, HCH)
        gather(i1, rows1, sem1)
        wait(i0, rows0, sem0)
        scatter(i0, rows0)
        gather(i2, rows0, sem0)
        wait(i1, rows1, sem1)
        scatter(i1, rows1)
        return carry

      lax.fori_loop(0, HCH // 2, body, 0)
      wait(0, rows0, sem0)

    plsc.subcore_barrier()
    pltpu.sync_copy(acc.at[pl.ds(sid * NROW, NROW)],
                    out_hbm.at[cid, pl.ds(sid * NROW, NROW)])

  return spmm


@functools.cache
def _make_deg():

  @functools.partial(
      pl.kernel,
      out_type=jax.ShapeDtypeStruct((NC, NACC, H), jnp.float32),
      mesh=_mesh(),
      scratch_types=[
          pltpu.VMEM((NCHUNKS, CHUNK), jnp.int32),
          pltpu.VMEM((CHUNK, H), jnp.float32),
          pltpu.VMEM_SHARED((NACC, H), jnp.float32),
      ],
  )
  def deg_kernel(dst2_hbm, ones_hbm, zeros_hbm, out_hbm, dst_all, ones_v,
                 acc):
    cid = lax.axis_index("c")
    sid = lax.axis_index("s")
    wid = cid * NS + sid
    pltpu.sync_copy(ones_hbm, ones_v)
    pltpu.sync_copy(zeros_hbm.at[pl.ds(sid * NROW, NROW)],
                    acc.at[pl.ds(sid * NROW, NROW)])
    pltpu.sync_copy(dst2_hbm.at[pl.ds(wid * NCHUNKS, NCHUNKS)], dst_all)
    plsc.subcore_barrier()

    def body(i, carry):
      pltpu.sync_copy(ones_v, acc.at[dst_all.at[i]], add=True)
      return carry

    lax.fori_loop(0, NCHUNKS, body, 0)
    plsc.subcore_barrier()
    pltpu.sync_copy(acc.at[pl.ds(sid * NROW, NROW)],
                    out_hbm.at[cid, pl.ds(sid * NROW, NROW)])

  return deg_kernel



RB = 400
NB = N // RB
PB = 200
NPB = N // PB


def _tc1a_body(x_ref, w_ref, b_ref, h_ref):
  h = jnp.dot(x_ref[...], w_ref[...], preferred_element_type=jnp.float32)
  h_ref[...] = h + b_ref[...]


def _tc1a(x, w1, b1):
  return pl.pallas_call(
      _tc1a_body,
      grid=(NB,),
      in_specs=[
          pl.BlockSpec((RB, D), lambda i: (i, 0)),
          pl.BlockSpec((D, H), lambda i: (0, 0)),
          pl.BlockSpec((1, H), lambda i: (0, 0)),
      ],
      out_specs=pl.BlockSpec((RB, H), lambda i: (i, 0)),
      out_shape=jax.ShapeDtypeStruct((N, H), jnp.float32),
  )(x, w1, b1)


def _tc1b_body(dp_ref, h_ref, dinv_ref, p_ref):
  dp = dp_ref[...]
  deg = 1.0 + dp[0, :, 0:1] + dp[1, :, 0:1]
  dinv = lax.rsqrt(deg)
  dinv_ref[...] = dinv
  p_ref[...] = dinv * h_ref[...]


def _tc1b(degp, h1):
  return pl.pallas_call(
      _tc1b_body,
      grid=(NB,),
      in_specs=[
          pl.BlockSpec((NC, RB, H), lambda i: (0, i, 0)),
          pl.BlockSpec((RB, H), lambda i: (i, 0)),
      ],
      out_specs=[
          pl.BlockSpec((RB, 1), lambda i: (i, 0)),
          pl.BlockSpec((RB, H), lambda i: (i, 0)),
      ],
      out_shape=[
          jax.ShapeDtypeStruct((N, 1), jnp.float32),
          jax.ShapeDtypeStruct((N, H), jnp.float32),
      ],
  )(degp, h1)


def _mid_body(s_ref, pprev_ref, dinv_ref, g_ref, be_ref, w_ref, b_ref,
              pnext_ref):
  s = s_ref[...]
  dinv = dinv_ref[...]
  tot = (s[0] + s[1] + pprev_ref[...]) * dinv
  z = tot / jnp.sqrt(1.0 + EPS) * g_ref[...] + be_ref[...]
  z = jnp.where(z >= 0, z, 0.01 * z)
  h = jnp.dot(z, w_ref[...], preferred_element_type=jnp.float32)
  pnext_ref[...] = dinv * (h + b_ref[...])


def _mid(s, pprev, dinv, g, be, w, b, width_out):
  return pl.pallas_call(
      _mid_body,
      grid=(NB,),
      in_specs=[
          pl.BlockSpec((NC, RB, H), lambda i: (0, i, 0)),
          pl.BlockSpec((RB, H), lambda i: (i, 0)),
          pl.BlockSpec((RB, 1), lambda i: (i, 0)),
          pl.BlockSpec((1, H), lambda i: (0, 0)),
          pl.BlockSpec((1, H), lambda i: (0, 0)),
          pl.BlockSpec((H, width_out), lambda i: (0, 0)),
          pl.BlockSpec((1, width_out), lambda i: (0, 0)),
      ],
      out_specs=pl.BlockSpec((RB, width_out), lambda i: (i, 0)),
      out_shape=jax.ShapeDtypeStruct((N, width_out), jnp.float32),
  )(s, pprev, dinv, g, be, w, b)


def _pool_body(s_ref, p_ref, dinv_ref, batch_ref, g_ref, be_ref, wm_ref,
               bm_ref, out_ref, acc_ref):
  i = pl.program_id(0)

  @pl.when(i == 0)
  def _():
    acc_ref[...] = jnp.full((G, O), -jnp.inf, jnp.float32)

  s = s_ref[...]
  tot = (s[0, :, :O] + s[1, :, :O] + p_ref[..., :O]) * dinv_ref[...]
  z = tot / jnp.sqrt(1.0 + EPS) * g_ref[...] + be_ref[...]
  h = jnp.where(z >= 0, z, 0.01 * z)
  b = batch_ref[...]
  cols = [
      jnp.max(jnp.where(b == g, h, -jnp.inf), axis=0, keepdims=True)
      for g in range(G)
  ]
  contrib = jnp.concatenate(cols, axis=0)
  acc_ref[...] = jnp.maximum(acc_ref[...], contrib)

  @pl.when(i == NPB - 1)
  def _():
    pooled = acc_ref[...]
    out_ref[...] = (
        jnp.dot(pooled, wm_ref[...], preferred_element_type=jnp.float32)
        + bm_ref[...])


def _pool(s, p, dinv, batch2d, g, be, wm, bm):
  return pl.pallas_call(
      _pool_body,
      grid=(NPB,),
      in_specs=[
          pl.BlockSpec((NC, PB, H), lambda i: (0, i, 0)),
          pl.BlockSpec((PB, H), lambda i: (i, 0)),
          pl.BlockSpec((PB, 1), lambda i: (i, 0)),
          pl.BlockSpec((PB, 1), lambda i: (i, 0)),
          pl.BlockSpec((1, O), lambda i: (0, 0)),
          pl.BlockSpec((1, O), lambda i: (0, 0)),
          pl.BlockSpec((O, 1), lambda i: (0, 0)),
          pl.BlockSpec((1, 1), lambda i: (0, 0)),
      ],
      out_specs=pl.BlockSpec((G, 1), lambda i: (0, 0)),
      out_shape=jax.ShapeDtypeStruct((G, 1), jnp.float32),
      scratch_shapes=[pltpu.VMEM((G, O), jnp.float32)],
  )(s, p, dinv, batch2d, g, be, wm, bm)



def kernel(x, edge_index, batch, W1, b1, g1, be1, W2, b2, g2, be2,
           W3, b3, g3, be3, Wm, bm):
  pad = EPAD - E
  srcp = jnp.concatenate([edge_index[0], jnp.zeros((pad,), jnp.int32)])
  dstp = jnp.concatenate([edge_index[1], jnp.full((pad,), N, jnp.int32)])
  src2 = srcp.reshape(-1, CHUNK)
  dst2 = dstp.reshape(-1, CHUNK)

  zeros_h = jnp.zeros((NACC, H), jnp.float32)
  ones_c = jnp.ones((CHUNK, H), jnp.float32)
  w3p = jnp.pad(W3, ((0, 0), (0, H - O)))
  b3p = jnp.pad(b3, (0, H - O))

  degp = _make_deg()(dst2, ones_c, zeros_h)
  h1 = _tc1a(x, W1, b1.reshape(1, H))
  dinv, p1 = _tc1b(degp, h1)

  s1 = _make_spmm(H)(src2, dst2, p1, zeros_h)
  p2 = _mid(s1, p1, dinv, g1.reshape(1, H), be1.reshape(1, H),
            W2, b2.reshape(1, H), H)

  s2 = _make_spmm(H)(src2, dst2, p2, zeros_h)
  p3 = _mid(s2, p2, dinv, g2.reshape(1, H), be2.reshape(1, H),
            w3p, b3p.reshape(1, H), H)

  s3 = _make_spmm(H)(src2, dst2, p3, zeros_h)
  out = _pool(s3, p3, dinv, batch.reshape(N, 1),
              g3.reshape(1, O), be3.reshape(1, O), Wm, bm.reshape(1, 1))
  return out

# --- scband reference (transcript-rebuilt; emitter-appended) ---
"""Pipeline reference for scband-eeggcn-44624710205899 (READ-ONLY COPY).

The authoritative reference and input builder live on the scoring server;
editing this copy changes nothing except your own understanding.
"""

import jax, jax.numpy as jnp
import numpy as np

N = 10000
E = 320000
D = 128
H = 128
O = 64
G = 64
EPS = 1e-5


def setup_inputs(seed: int = 0) -> dict:
    key = jax.random.key(seed)
    ks = jax.random.split(key, 20)
    x = jax.random.normal(ks[0], (N, D), dtype=jnp.float32)
    edge_index = jax.random.randint(ks[1], (2, E), 0, N, dtype=jnp.int32)
    batch = jnp.sort(jax.random.randint(ks[2], (N,), 0, G, dtype=jnp.int32))
    def lin(k, fi, fo):
        s = 1.0 / np.sqrt(fi)
        return jax.random.uniform(k, (fi, fo), dtype=jnp.float32, minval=-s, maxval=s)
    W1 = lin(ks[3], D, H)
    b1 = jnp.zeros((H,), jnp.float32)
    g1 = jnp.ones((H,), jnp.float32)
    be1 = jnp.zeros((H,), jnp.float32)
    W2 = lin(ks[4], H, H)
    b2 = jnp.zeros((H,), jnp.float32)
    g2 = jnp.ones((H,), jnp.float32)
    be2 = jnp.zeros((H,), jnp.float32)
    W3 = lin(ks[5], H, O)
    b3 = jnp.zeros((O,), jnp.float32)
    g3 = jnp.ones((O,), jnp.float32)
    be3 = jnp.zeros((O,), jnp.float32)
    Wm = lin(ks[6], O, 1)
    bm = jnp.zeros((1,), jnp.float32)
    return {"x": x, "edge_index": edge_index, "batch": batch,
            "W1": W1, "b1": b1, "g1": g1, "be1": be1,
            "W2": W2, "b2": b2, "g2": g2, "be2": be2,
            "W3": W3, "b3": b3, "g3": g3, "be3": be3,
            "Wm": Wm, "bm": bm}


def _leaky(v):
    return jnp.where(v >= 0, v, 0.01 * v)


def _bn_eval(v, g, be):
    # BatchNorm1d in eval mode with fresh running stats (mean=0, var=1)
    return v / jnp.sqrt(1.0 + EPS) * g + be


def _gcn(h, W, b, src, dst, norm, n):
    # GCNConv: out = D^-1/2 (A + I) D^-1/2 X W + b
    h = h @ W + b
    msgs = h[src] * norm[:, None]
    return jax.ops.segment_sum(msgs, dst, num_segments=n)


def reference(x, edge_index, batch, W1, b1, g1, be1, W2, b2, g2, be2, W3, b3, g3, be3, Wm, bm):
    loop = jnp.arange(N, dtype=edge_index.dtype)
    src = jnp.concatenate([edge_index[0], loop])
    dst = jnp.concatenate([edge_index[1], loop])
    deg = jax.ops.segment_sum(jnp.ones_like(src, dtype=x.dtype), dst, num_segments=N)
    dinv = jnp.where(deg > 0, jax.lax.rsqrt(deg), 0.0)
    norm = dinv[src] * dinv[dst]
    # layer 1
    h = _gcn(x, W1, b1, src, dst, norm, N)
    h = _leaky(_bn_eval(h, g1, be1))  # dropout is identity in eval
    # layer 2
    h = _gcn(h, W2, b2, src, dst, norm, N)
    h = _leaky(_bn_eval(h, g2, be2))
    # layer 3 (final conv)
    h = _gcn(h, W3, b3, src, dst, norm, N)
    h = _leaky(_bn_eval(h, g3, be3))
    # global max pooling per graph
    pooled = jax.ops.segment_max(h, batch, num_segments=G)
    # MLP head (single linear)
    return pooled @ Wm + bm

if __name__ == "__main__":
    import jax
    _d = setup_inputs()
    print(jax.jit(kernel)(*tuple(_d.values())))

</pallas_src>

<mosaic_0001>
#map = affine_map<(d0, d1) -> (0, 0)>
#map1 = affine_map<(d0, d1) -> (0, 0, 0)>
module attributes {stable_mosaic.version = 14 : i64} {
  func.func @spmm(%arg0: i32, %arg1: i32, %arg2: memref<2560x128xi32, #tpu.memory_space<hbm>>, %arg3: memref<2560x128xi32, #tpu.memory_space<hbm>>, %arg4: memref<10000x128xf32, #tpu.memory_space<hbm>>, %arg5: memref<10112x128xf32, #tpu.memory_space<hbm>>, %arg6: memref<2x10112x128xf32, #tpu.memory_space<hbm>>, %arg7: memref<40x128xi32, #tpu.memory_space<vmem>>, %arg8: memref<40x128xi32, #tpu.memory_space<vmem>>, %arg9: memref<128x128xf32, #tpu.memory_space<vmem>>, %arg10: memref<128x128xf32, #tpu.memory_space<vmem>>, %arg11: memref<10112x128xf32, #tpu.memory_space<vmem_shared>>, %arg12: memref<!tpu.dma_semaphore, #tpu.memory_space<semaphore_mem>>, %arg13: memref<!tpu.dma_semaphore, #tpu.memory_space<semaphore_mem>>) attributes {dimension_semantics = [#tpu.dimension_semantics<core_parallel>, #tpu.dimension_semantics<subcore_parallel>], iteration_bounds = array<i64: 2, 16>, scalar_prefetch = 0 : i64, scratch_operands = 7 : i64, tpu.core_type = #tpu.core_type<sc_vector_subcore>, window_params = [{transform_indices = #map}, {transform_indices = #map}, {transform_indices = #map}, {transform_indices = #map}, {transform_indices = #map1}]} {
    %mul3A = arith.constant 16 : i32
    %mul3A_0 = arith.muli %arg0, %mul3A : i32
    %add3A = arith.addi %mul3A_0, %arg1 : i32
    %mul3A_1 = arith.constant 632 : i32
    %mul3A_2 = arith.muli %arg1, %mul3A_1 : i32
    %mul3A_3 = arith.constant 632 : i32
    %mul3A_4 = arith.muli %arg1, %mul3A_3 : i32
    "tpu.region"() ({
      %run_scoped3A = tpu.sem_alloc : memref<!tpu.dma_semaphore, #tpu.memory_space<semaphore_mem>>
      %dma_start3A_63 = arith.constant 0 : i32
      %dma_start3A_64 = tpu.memref_slice %arg11[%mul3A_4, %dma_start3A_63] : memref<10112x128xf32, #tpu.memory_space<vmem_shared>> -> memref<632x128xf32, #tpu.memory_space<vmem_shared>>
      %dma_start3A_65 = arith.constant 0 : i32
      %dma_start3A_66 = tpu.memref_slice %arg5[%mul3A_2, %dma_start3A_65] : memref<10112x128xf32, #tpu.memory_space<hbm>> -> memref<632x128xf32, #tpu.memory_space<hbm>>
      tpu.enqueue_dma source(%dma_start3A_66 : memref<632x128xf32, #tpu.memory_space<hbm>>) target(%dma_start3A_64 : memref<632x128xf32, #tpu.memory_space<vmem_shared>>) target_semaphore(%run_scoped3A : memref<!tpu.dma_semaphore, #tpu.memory_space<semaphore_mem>>)
      %dma_wait3A_67 = arith.constant 0 : i32
      %dma_wait3A_68 = tpu.memref_slice %arg11[%mul3A_4, %dma_wait3A_67] : memref<10112x128xf32, #tpu.memory_space<vmem_shared>> -> memref<632x128xf32, #tpu.memory_space<vmem_shared>>
      %dma_wait3A_69 = arith.constant 0 : i32
      %dma_wait3A_70 = tpu.memref_slice %arg5[%mul3A_2, %dma_wait3A_69] : memref<10112x128xf32, #tpu.memory_space<hbm>> -> memref<632x128xf32, #tpu.memory_space<hbm>>
      tpu.wait_dma2 semaphore(%run_scoped3A : memref<!tpu.dma_semaphore, #tpu.memory_space<semaphore_mem>>) src(%dma_wait3A_70 : memref<632x128xf32, #tpu.memory_space<hbm>>) dst(%dma_wait3A_68 : memref<632x128xf32, #tpu.memory_space<vmem_shared>>)
      tpu.yield
    }) : () -> ()
    %barrier3A = arith.constant 0 : index
    tpu.barrier barrier_id(%barrier3A)
    %mul3A_5 = arith.constant 80 : i32
    %mul3A_6 = arith.muli %add3A, %mul3A_5 : i32
    %add3A_7 = arith.constant 0 : i32
    %add3A_8 = arith.addi %mul3A_6, %add3A_7 : i32
    "tpu.region"() ({
      %run_scoped3A = tpu.sem_alloc : memref<!tpu.dma_semaphore, #tpu.memory_space<semaphore_mem>>
      %dma_start3A_63 = arith.constant 0 : i32
      %dma_start3A_64 = tpu.memref_slice %arg2[%add3A_8, %dma_start3A_63] : memref<2560x128xi32, #tpu.memory_space<hbm>> -> memref<40x128xi32, #tpu.memory_space<hbm>>
      %dma_start3A_65 = arith.constant 0 : i32
      %dma_start3A_66 = tpu.memref_slice %arg2[%add3A_8, %dma_start3A_65] : memref<2560x128xi32, #tpu.memory_space<hbm>> -> memref<40x128xi32, #tpu.memory_space<hbm>>
      tpu.enqueue_dma source(%dma_start3A_66 : memref<40x128xi32, #tpu.memory_space<hbm>>) target(%arg7 : memref<40x128xi32, #tpu.memory_space<vmem>>) target_semaphore(%run_scoped3A : memref<!tpu.dma_semaphore, #tpu.memory_space<semaphore_mem>>)
      %dma_wait3A_67 = arith.constant 0 : i32
      %dma_wait3A_68 = tpu.memref_slice %arg2[%add3A_8, %dma_wait3A_67] : memref<2560x128xi32, #tpu.memory_space<hbm>> -> memref<40x128xi32, #tpu.memory_space<hbm>>
      %dma_wait3A_69 = arith.constant 0 : i32
      %dma_wait3A_70 = tpu.memref_slice %arg2[%add3A_8, %dma_wait3A_69] : memref<2560x128xi32, #tpu.memory_space<hbm>> -> memref<40x128xi32, #tpu.memory_space<hbm>>
      tpu.wait_dma2 semaphore(%run_scoped3A : memref<!tpu.dma_semaphore, #tpu.memory_space<semaphore_mem>>) src(%dma_wait3A_70 : memref<40x128xi32, #tpu.memory_space<hbm>>) dst(%arg7 : memref<40x128xi32, #tpu.memory_space<vmem>>)
      tpu.yield
    }) : () -> ()
    %mul3A_9 = arith.constant 80 : i32
    %mul3A_10 = arith.muli %add3A, %mul3A_9 : i32
    %add3A_11 = arith.constant 0 : i32
    %add3A_12 = arith.addi %mul3A_10, %add3A_11 : i32
    "tpu.region"() ({
      %run_scoped3A = tpu.sem_alloc : memref<!tpu.dma_semaphore, #tpu.memory_space<semaphore_mem>>
      %dma_start3A_63 = arith.constant 0 : i32
      %dma_start3A_64 = tpu.memref_slice %arg3[%add3A_12, %dma_start3A_63] : memref<2560x128xi32, #tpu.memory_space<hbm>> -> memref<40x128xi32, #tpu.memory_space<hbm>>
      %dma_start3A_65 = arith.constant 0 : i32
      %dma_start3A_66 = tpu.memref_slice %arg3[%add3A_12, %dma_start3A_65] : memref<2560x128xi32, #tpu.memory_space<hbm>> -> memref<40x128xi32, #tpu.memory_space<hbm>>
      tpu.enqueue_dma source(%dma_start3A_66 : memref<40x128xi32, #tpu.memory_space<hbm>>) target(%arg8 : memref<40x128xi32, #tpu.memory_space<vmem>>) target_semaphore(%run_scoped3A : memref<!tpu.dma_semaphore, #tpu.memory_space<semaphore_mem>>)
      %dma_wait3A_67 = arith.constant 0 : i32
      %dma_wait3A_68 = tpu.memref_slice %arg3[%add3A_12, %dma_wait3A_67] : memref<2560x128xi32, #tpu.memory_space<hbm>> -> memref<40x128xi32, #tpu.memory_space<hbm>>
      %dma_wait3A_69 = arith.constant 0 : i32
      %dma_wait3A_70 = tpu.memref_slice %arg3[%add3A_12, %dma_wait3A_69] : memref<2560x128xi32, #tpu.memory_space<hbm>> -> memref<40x128xi32, #tpu.memory_space<hbm>>
      tpu.wait_dma2 semaphore(%run_scoped3A : memref<!tpu.dma_semaphore, #tpu.memory_space<semaphore_mem>>) src(%dma_wait3A_70 : memref<40x128xi32, #tpu.memory_space<hbm>>) dst(%arg8 : memref<40x128xi32, #tpu.memory_space<vmem>>)
      tpu.yield
    }) : () -> ()
    %dma_start3A = arith.constant 0 : i32
    %dma_start3A_13 = arith.constant 0 : i32
    %dma_start3A_14 = tpu.memref_slice %arg7[%dma_start3A, %dma_start3A_13] : memref<40x128xi32, #tpu.memory_space<vmem>> -> memref<1x128xi32, #tpu.memory_space<vmem>>
    %dma_start3A_15 = tpu.memref_squeeze %dma_start3A_14 : memref<1x128xi32, #tpu.memory_space<vmem>> -> memref<128xi32, #tpu.memory_space<vmem>>
    %dma_start3A_16 = arith.constant 0 : i32
    %dma_start3A_17 = arith.constant 0 : i32
    %dma_start3A_18 = tpu.memref_slice %arg4[%dma_start3A_16, %dma_start3A_17] : memref<10000x128xf32, #tpu.memory_space<hbm>> -> memref<10000x128xf32, #tpu.memory_space<hbm>>
    tpu.enqueue_indirect_dma source(%dma_start3A_18 : memref<10000x128xf32, #tpu.memory_space<hbm>>) target(%arg9 : memref<128x128xf32, #tpu.memory_space<vmem>>) offsets(%dma_start3A_15 : memref<128xi32, #tpu.memory_space<vmem>>) semaphore(%arg12 : memref<!tpu.dma_semaphore, #tpu.memory_space<semaphore_mem>>)
    %scan3A = arith.constant 0 : i32
    %scan3A_19 = arith.constant 0 : i32
    %scan3A_20 = arith.constant 20 : i32
    %scan3A_21 = arith.addi %scan3A_19, %scan3A_20 : i32
    %scan3A_22 = arith.constant 1 : i32
    scf.for %scan3A_63 = %scan3A_19 to %scan3A_21 step %scan3A_22  : i32 {
      %mul3A_64 = arith.constant 2 : i32
      %mul3A_65 = arith.muli %mul3A_64, %scan3A_63 : i32
      %mul3A_66 = arith.constant 2 : i32
      %mul3A_67 = arith.muli %mul3A_66, %scan3A_63 : i32
      %add3A_68 = arith.constant 1 : i32
      %add3A_69 = arith.addi %mul3A_67, %add3A_68 : i32
      %mul3A_70 = arith.constant 2 : i32
      %mul3A_71 = arith.muli %mul3A_70, %scan3A_63 : i32
      %add3A_72 = arith.constant 2 : i32
      %add3A_73 = arith.addi %mul3A_71, %add3A_72 : i32
      %rem3A = arith.constant 40 : i32
      %rem3A_74 = arith.remsi %add3A_73, %rem3A : i32
      %dma_start3A_75 = arith.constant 0 : i32
      %dma_start3A_76 = tpu.memref_slice %arg7[%add3A_69, %dma_start3A_75] : memref<40x128xi32, #tpu.memory_space<vmem>> -> memref<1x128xi32, #tpu.memory_space<vmem>>
      %dma_start3A_77 = tpu.memref_squeeze %dma_start3A_76 : memref<1x128xi32, #tpu.memory_space<vmem>> -> memref<128xi32, #tpu.memory_space<vmem>>
      %dma_start3A_78 = arith.constant 0 : i32
      %dma_start3A_79 = arith.constant 0 : i32
      %dma_start3A_80 = tpu.memref_slice %arg4[%dma_start3A_78, %dma_start3A_79] : memref<10000x128xf32, #tpu.memory_space<hbm>> -> memref<10000x128xf32, #tpu.memory_space<hbm>>
      tpu.enqueue_indirect_dma source(%dma_start3A_80 : memref<10000x128xf32, #tpu.memory_space<hbm>>) target(%arg10 : memref<128x128xf32, #tpu.memory_space<vmem>>) offsets(%dma_start3A_77 : memref<128xi32, #tpu.memory_space<vmem>>) semaphore(%arg13 : memref<!tpu.dma_semaphore, #tpu.memory_space<semaphore_mem>>)
      %dma_wait3A_81 = arith.constant 0 : i32
      %dma_wait3A_82 = tpu.memref_slice %arg7[%mul3A_65, %dma_wait3A_81] : memref<40x128xi32, #tpu.memory_space<vmem>> -> memref<1x128xi32, #tpu.memory_space<vmem>>
      %dma_wait3A_83 = tpu.memref_squeeze %dma_wait3A_82 : memref<1x128xi32, #tpu.memory_space<vmem>> -> memref<128xi32, #tpu.memory_space<vmem>>
      %dma_wait3A_84 = arith.constant 0 : i32
      %dma_wait3A_85 = arith.constant 0 : i32
      %dma_wait3A_86 = tpu.memref_slice %arg4[%dma_wait3A_84, %dma_wait3A_85] : memref<10000x128xf32, #tpu.memory_space<hbm>> -> memref<10000x128xf32, #tpu.memory_space<hbm>>
      tpu.wait_indirect_dma semaphore(%arg12 : memref<!tpu.dma_semaphore, #tpu.memory_space<semaphore_mem>>) src(%dma_wait3A_86 : memref<10000x128xf32, #tpu.memory_space<hbm>>) dst(%arg9 : memref<128x128xf32, #tpu.memory_space<vmem>>)
      "tpu.region"() ({
        %run_scoped3A = tpu.sem_alloc : memref<!tpu.dma_semaphore, #tpu.memory_space<semaphore_mem>>
        %dma_start3A_99 = arith.constant 0 : i32
        %dma_start3A_100 = tpu.memref_slice %arg8[%mul3A_65, %dma_start3A_99] : memref<40x128xi32, #tpu.memory_space<vmem>> -> memref<1x128xi32, #tpu.memory_space<vmem>>
        %dma_start3A_101 = tpu.memref_squeeze %dma_start3A_100 : memref<1x128xi32, #tpu.memory_space<vmem>> -> memref<128xi32, #tpu.memory_space<vmem>>
        %dma_start3A_102 = arith.constant 0 : i32
        %dma_start3A_103 = arith.constant 0 : i32
        %dma_start3A_104 = tpu.memref_slice %arg11[%dma_start3A_102, %dma_start3A_103] : memref<10112x128xf32, #tpu.memory_space<vmem_shared>> -> memref<10112x128xf32, #tpu.memory_space<vmem_shared>>
        tpu.enqueue_indirect_dma source(%arg9 : memref<128x128xf32, #tpu.memory_space<vmem>>) target(%dma_start3A_104 : memref<10112x128xf32, #tpu.memory_space<vmem_shared>>) offsets(%dma_start3A_101 : memref<128xi32, #tpu.memory_space<vmem>>) semaphore(%run_scoped3A : memref<!tpu.dma_semaphore, #tpu.memory_space<semaphore_mem>>) {add = true}
        %dma_wait3A_105 = arith.constant 0 : i32
        %dma_wait3A_106 = tpu.memref_slice %arg8[%mul3A_65, %dma_wait3A_105] : memref<40x128xi32, #tpu.memory_space<vmem>> -> memref<1x128xi32, #tpu.memory_space<vmem>>
        %dma_wait3A_107 = tpu.memref_squeeze %dma_wait3A_106 : memref<1x128xi32, #tpu.memory_space<vmem>> -> memref<128xi32, #tpu.memory_space<vmem>>
        %dma_wait3A_108 = arith.constant 0 : i32
        %dma_wait3A_109 = arith.constant 0 : i32
        %dma_wait3A_110 = tpu.memref_slice %arg11[%dma_wait3A_108, %dma_wait3A_109] : memref<10112x128xf32, #tpu.memory_space<vmem_shared>> -> memref<10112x128xf32, #tpu.memory_space<vmem_shared>>
        tpu.wait_indirect_dma semaphore(%run_scoped3A : memref<!tpu.dma_semaphore, #tpu.memory_space<semaphore_mem>>) src(%arg9 : memref<128x128xf32, #tpu.memory_space<vmem>>) dst(%dma_wait3A_110 : memref<10112x128xf32, #tpu.memory_space<vmem_shared>>)
        tpu.yield
      }) : () -> ()
      %dma_start3A_87 = arith.constant 0 : i32
      %dma_start3A_88 = tpu.memref_slice %arg7[%rem3A_74, %dma_start3A_87] : memref<40x128xi32, #tpu.memory_space<vmem>> -> memref<1x128xi32, #tpu.memory_space<vmem>>
      %dma_start3A_89 = tpu.memref_squeeze %dma_start3A_88 : memref<1x128xi32, #tpu.memory_space<vmem>> -> memref<128xi32, #tpu.memory_space<vmem>>
      %dma_start3A_90 = arith.constant 0 : i32
      %dma_start3A_91 = arith.constant 0 : i32
      %dma_start3A_92 = tpu.memref_slice %arg4[%dma_start3A_90, %dma_start3A_91] : memref<10000x128xf32, #tpu.memory_space<hbm>> -> memref<10000x128xf32, #tpu.memory_space<hbm>>
      tpu.enqueue_indirect_dma source(%dma_start3A_92 : memref<10000x128xf32, #tpu.memory_space<hbm>>) target(%arg9 : memref<128x128xf32, #tpu.memory_space<vmem>>) offsets(%dma_start3A_89 : memref<128xi32, #tpu.memory_space<vmem>>) semaphore(%arg12 : memref<!tpu.dma_semaphore, #tpu.memory_space<semaphore_mem>>)
      %dma_wait3A_93 = arith.constant 0 : i32
      %dma_wait3A_94 = tpu.memref_slice %arg7[%add3A_69, %dma_wait3A_93] : memref<40x128xi32, #tpu.memory_space<vmem>> -> memref<1x128xi32, #tpu.memory_space<vmem>>
      %dma_wait3A_95 = tpu.memref_squeeze %dma_wait3A_94 : memref<1x128xi32, #tpu.memory_space<vmem>> -> memref<128xi32, #tpu.memory_space<vmem>>
      %dma_wait3A_96 = arith.constant 0 : i32
      %dma_wait3A_97 = arith.constant 0 : i32
      %dma_wait3A_98 = tpu.memref_slice %arg4[%dma_wait3A_96, %dma_wait3A_97] : memref<10000x128xf32, #tpu.memory_space<hbm>> -> memref<10000x128xf32, #tpu.memory_space<hbm>>
      tpu.wait_indirect_dma semaphore(%arg13 : memref<!tpu.dma_semaphore, #tpu.memory_space<semaphore_mem>>) src(%dma_wait3A_98 : memref<10000x128xf32, #tpu.memory_space<hbm>>) dst(%arg10 : memref<128x128xf32, #tpu.memory_space<vmem>>)
      "tpu.region"() ({
        %run_scoped3A = tpu.sem_alloc : memref<!tpu.dma_semaphore, #tpu.memory_space<semaphore_mem>>
        %dma_start3A_99 = arith.constant 0 : i32
        %dma_start3A_100 = tpu.memref_slice %arg8[%add3A_69, %dma_start3A_99] : memref<40x128xi32, #tpu.memory_space<vmem>> -> memref<1x128xi32, #tpu.memory_space<vmem>>
        %dma_start3A_101 = tpu.memref_squeeze %dma_start3A_100 : memref<1x128xi32, #tpu.memory_space<vmem>> -> memref<128xi32, #tpu.memory_space<vmem>>
        %dma_start3A_102 = arith.constant 0 : i32
        %dma_start3A_103 = arith.constant 0 : i32
        %dma_start3A_104 = tpu.memref_slice %arg11[%dma_start3A_102, %dma_start3A_103] : memref<10112x128xf32, #tpu.memory_space<vmem_shared>> -> memref<10112x128xf32, #tpu.memory_space<vmem_shared>>
        tpu.enqueue_indirect_dma source(%arg10 : memref<128x128xf32, #tpu.memory_space<vmem>>) target(%dma_start3A_104 : memref<10112x128xf32, #tpu.memory_space<vmem_shared>>) offsets(%dma_start3A_101 : memref<128xi32, #tpu.memory_space<vmem>>) semaphore(%run_scoped3A : memref<!tpu.dma_semaphore, #tpu.memory_space<semaphore_mem>>) {add = true}
        %dma_wait3A_105 = arith.constant 0 : i32
        %dma_wait3A_106 = tpu.memref_slice %arg8[%add3A_69, %dma_wait3A_105] : memref<40x128xi32, #tpu.memory_space<vmem>> -> memref<1x128xi32, #tpu.memory_space<vmem>>
        %dma_wait3A_107 = tpu.memref_squeeze %dma_wait3A_106 : memref<1x128xi32, #tpu.memory_space<vmem>> -> memref<128xi32, #tpu.memory_space<vmem>>
        %dma_wait3A_108 = arith.constant 0 : i32
        %dma_wait3A_109 = arith.constant 0 : i32
        %dma_wait3A_110 = tpu.memref_slice %arg11[%dma_wait3A_108, %dma_wait3A_109] : memref<10112x128xf32, #tpu.memory_space<vmem_shared>> -> memref<10112x128xf32, #tpu.memory_space<vmem_shared>>
        tpu.wait_indirect_dma semaphore(%run_scoped3A : memref<!tpu.dma_semaphore, #tpu.memory_space<semaphore_mem>>) src(%arg10 : memref<128x128xf32, #tpu.memory_space<vmem>>) dst(%dma_wait3A_110 : memref<10112x128xf32, #tpu.memory_space<vmem_shared>>)
        tpu.yield
      }) : () -> ()
    }
    %scan3A_23 = arith.constant 20 : i32
    %dma_wait3A = arith.constant 0 : i32
    %dma_wait3A_24 = arith.constant 0 : i32
    %dma_wait3A_25 = tpu.memref_slice %arg7[%dma_wait3A, %dma_wait3A_24] : memref<40x128xi32, #tpu.memory_space<vmem>> -> memref<1x128xi32, #tpu.memory_space<vmem>>
    %dma_wait3A_26 = tpu.memref_squeeze %dma_wait3A_25 : memref<1x128xi32, #tpu.memory_space<vmem>> -> memref<128xi32, #tpu.memory_space<vmem>>
    %dma_wait3A_27 = arith.constant 0 : i32
    %dma_wait3A_28 = arith.constant 0 : i32
    %dma_wait3A_29 = tpu.memref_slice %arg4[%dma_wait3A_27, %dma_wait3A_28] : memref<10000x128xf32, #tpu.memory_space<hbm>> -> memref<10000x128xf32, #tpu.memory_space<hbm>>
    tpu.wait_indirect_dma semaphore(%arg12 : memref<!tpu.dma_semaphore, #tpu.memory_space<semaphore_mem>>) src(%dma_wait3A_29 : memref<10000x128xf32, #tpu.memory_space<hbm>>) dst(%arg9 : memref<128x128xf32, #tpu.memory_space<vmem>>)
    %mul3A_30 = arith.constant 80 : i32
    %mul3A_31 = arith.muli %add3A, %mul3A_30 : i32
    %add3A_32 = arith.constant 40 : i32
    %add3A_33 = arith.addi %mul3A_31, %add3A_32 : i32
    "tpu.region"() ({
      %run_scoped3A = tpu.sem_alloc : memref<!tpu.dma_semaphore, #tpu.memory_space<semaphore_mem>>
      %dma_start3A_63 = arith.constant 0 : i32
      %dma_start3A_64 = tpu.memref_slice %arg2[%add3A_33, %dma_start3A_63] : memref<2560x128xi32, #tpu.memory_space<hbm>> -> memref<40x128xi32, #tpu.memory_space<hbm>>
      %dma_start3A_65 = arith.constant 0 : i32
      %dma_start3A_66 = tpu.memref_slice %arg2[%add3A_33, %dma_start3A_65] : memref<2560x128xi32, #tpu.memory_space<hbm>> -> memref<40x128xi32, #tpu.memory_space<hbm>>
      tpu.enqueue_dma source(%dma_start3A_66 : memref<40x128xi32, #tpu.memory_space<hbm>>) target(%arg7 : memref<40x128xi32, #tpu.memory_space<vmem>>) target_semaphore(%run_scoped3A : memref<!tpu.dma_semaphore, #tpu.memory_space<semaphore_mem>>)
      %dma_wait3A_67 = arith.constant 0 : i32
      %dma_wait3A_68 = tpu.memref_slice %arg2[%add3A_33, %dma_wait3A_67] : memref<2560x128xi32, #tpu.memory_space<hbm>> -> memref<40x128xi32, #tpu.memory_space<hbm>>
      %dma_wait3A_69 = arith.constant 0 : i32
      %dma_wait3A_70 = tpu.memref_slice %arg2[%add3A_33, %dma_wait3A_69] : memref<2560x128xi32, #tpu.memory_space<hbm>> -> memref<40x128xi32, #tpu.memory_space<hbm>>
      tpu.wait_dma2 semaphore(%run_scoped3A : memref<!tpu.dma_semaphore, #tpu.memory_space<semaphore_mem>>) src(%dma_wait3A_70 : memref<40x128xi32, #tpu.memory_space<hbm>>) dst(%arg7 : memref<40x128xi32, #tpu.memory_space<vmem>>)
      tpu.yield
    }) : () -> ()
    %mul3A_34 = arith.constant 80 : i32
    %mul3A_35 = arith.muli %add3A, %mul3A_34 : i32
    %add3A_36 = arith.constant 40 : i32
    %add3A_37 = arith.addi %mul3A_35, %add3A_36 : i32
    "tpu.region"() ({
      %run_scoped3A = tpu.sem_alloc : memref<!tpu.dma_semaphore, #tpu.memory_space<semaphore_mem>>
      %dma_start3A_63 = arith.constant 0 : i32
      %dma_start3A_64 = tpu.memref_slice %arg3[%add3A_37, %dma_start3A_63] : memref<2560x128xi32, #tpu.memory_space<hbm>> -> memref<40x128xi32, #tpu.memory_space<hbm>>
      %dma_start3A_65 = arith.constant 0 : i32
      %dma_start3A_66 = tpu.memref_slice %arg3[%add3A_37, %dma_start3A_65] : memref<2560x128xi32, #tpu.memory_space<hbm>> -> memref<40x128xi32, #tpu.memory_space<hbm>>
      tpu.enqueue_dma source(%dma_start3A_66 : memref<40x128xi32, #tpu.memory_space<hbm>>) target(%arg8 : memref<40x128xi32, #tpu.memory_space<vmem>>) target_semaphore(%run_scoped3A : memref<!tpu.dma_semaphore, #tpu.memory_space<semaphore_mem>>)
      %dma_wait3A_67 = arith.constant 0 : i32
      %dma_wait3A_68 = tpu.memref_slice %arg3[%add3A_37, %dma_wait3A_67] : memref<2560x128xi32, #tpu.memory_space<hbm>> -> memref<40x128xi32, #tpu.memory_space<hbm>>
      %dma_wait3A_69 = arith.constant 0 : i32
      %dma_wait3A_70 = tpu.memref_slice %arg3[%add3A_37, %dma_wait3A_69] : memref<2560x128xi32, #tpu.memory_space<hbm>> -> memref<40x128xi32, #tpu.memory_space<hbm>>
      tpu.wait_dma2 semaphore(%run_scoped3A : memref<!tpu.dma_semaphore, #tpu.memory_space<semaphore_mem>>) src(%dma_wait3A_70 : memref<40x128xi32, #tpu.memory_space<hbm>>) dst(%arg8 : memref<40x128xi32, #tpu.memory_space<vmem>>)
      tpu.yield
    }) : () -> ()
    %dma_start3A_38 = arith.constant 0 : i32
    %dma_start3A_39 = arith.constant 0 : i32
    %dma_start3A_40 = tpu.memref_slice %arg7[%dma_start3A_38, %dma_start3A_39] : memref<40x128xi32, #tpu.memory_space<vmem>> -> memref<1x128xi32, #tpu.memory_space<vmem>>
    %dma_start3A_41 = tpu.memref_squeeze %dma_start3A_40 : memref<1x128xi32, #tpu.memory_space<vmem>> -> memref<128xi32, #tpu.memory_space<vmem>>
    %dma_start3A_42 = arith.constant 0 : i32
    %dma_start3A_43 = arith.constant 0 : i32
    %dma_start3A_44 = tpu.memref_slice %arg4[%dma_start3A_42, %dma_start3A_43] : memref<10000x128xf32, #tpu.memory_space<hbm>> -> memref<10000x128xf32, #tpu.memory_space<hbm>>
    tpu.enqueue_indirect_dma source(%dma_start3A_44 : memref<10000x128xf32, #tpu.memory_space<hbm>>) target(%arg9 : memref<128x128xf32, #tpu.memory_space<vmem>>) offsets(%dma_start3A_41 : memref<128xi32, #tpu.memory_space<vmem>>) semaphore(%arg12 : memref<!tpu.dma_semaphore, #tpu.memory_space<semaphore_mem>>)
    %scan3A_45 = arith.constant 0 : i32
    %scan3A_46 = arith.constant 0 : i32
    %scan3A_47 = arith.constant 20 : i32
    %scan3A_48 = arith.addi %scan3A_46, %scan3A_47 : i32
    %scan3A_49 = arith.constant 1 : i32
    scf.for %scan3A_63 = %scan3A_46 to %scan3A_48 step %scan3A_49  : i32 {
      %mul3A_64 = arith.constant 2 : i32
      %mul3A_65 = arith.muli %mul3A_64, %scan3A_63 : i32
      %mul3A_66 = arith.constant 2 : i32
      %mul3A_67 = arith.muli %mul3A_66, %scan3A_63 : i32
      %add3A_68 = arith.constant 1 : i32
      %add3A_69 = arith.addi %mul3A_67, %add3A_68 : i32
      %mul3A_70 = arith.constant 2 : i32
      %mul3A_71 = arith.muli %mul3A_70, %scan3A_63 : i32
      %add3A_72 = arith.constant 2 : i32
      %add3A_73 = arith.addi %mul3A_71, %add3A_72 : i32
      %rem3A = arith.constant 40 : i32
      %rem3A_74 = arith.remsi %add3A_73, %rem3A : i32
      %dma_start3A_75 = arith.constant 0 : i32
      %dma_start3A_76 = tpu.memref_slice %arg7[%add3A_69, %dma_start3A_75] : memref<40x128xi32, #tpu.memory_space<vmem>> -> memref<1x128xi32, #tpu.memory_space<vmem>>
      %dma_start3A_77 = tpu.memref_squeeze %dma_start3A_76 : memref<1x128xi32, #tpu.memory_space<vmem>> -> memref<128xi32, #tpu.memory_space<vmem>>
      %dma_start3A_78 = arith.constant 0 : i32
      %dma_start3A_79 = arith.constant 0 : i32
      %dma_start3A_80 = tpu.memref_slice %arg4[%dma_start3A_78, %dma_start3A_79] : memref<10000x128xf32, #tpu.memory_space<hbm>> -> memref<10000x128xf32, #tpu.memory_space<hbm>>
      tpu.enqueue_indirect_dma source(%dma_start3A_80 : memref<10000x128xf32, #tpu.memory_space<hbm>>) target(%arg10 : memref<128x128xf32, #tpu.memory_space<vmem>>) offsets(%dma_start3A_77 : memref<128xi32, #tpu.memory_space<vmem>>) semaphore(%arg13 : memref<!tpu.dma_semaphore, #tpu.memory_space<semaphore_mem>>)
      %dma_wait3A_81 = arith.constant 0 : i32
      %dma_wait3A_82 = tpu.memref_slice %arg7[%mul3A_65, %dma_wait3A_81] : memref<40x128xi32, #tpu.memory_space<vmem>> -> memref<1x128xi32, #tpu.memory_space<vmem>>
      %dma_wait3A_83 = tpu.memref_squeeze %dma_wait3A_82 : memref<1x128xi32, #tpu.memory_space<vmem>> -> memref<128xi32, #tpu.memory_space<vmem>>
      %dma_wait3A_84 = arith.constant 0 : i32
      %dma_wait3A_85 = arith.constant 0 : i32
      %dma_wait3A_86 = tpu.memref_slice %arg4[%dma_wait3A_84, %dma_wait3A_85] : memref<10000x128xf32, #tpu.memory_space<hbm>> -> memref<10000x128xf32, #tpu.memory_space<hbm>>
      tpu.wait_indirect_dma semaphore(%arg12 : memref<!tpu.dma_semaphore, #tpu.memory_space<semaphore_mem>>) src(%dma_wait3A_86 : memref<10000x128xf32, #tpu.memory_space<hbm>>) dst(%arg9 : memref<128x128xf32, #tpu.memory_space<vmem>>)
      "tpu.region"() ({
        %run_scoped3A = tpu.sem_alloc : memref<!tpu.dma_semaphore, #tpu.memory_space<semaphore_mem>>
        %dma_start3A_99 = arith.constant 0 : i32
        %dma_start3A_100 = tpu.memref_slice %arg8[%mul3A_65, %dma_start3A_99] : memref<40x128xi32, #tpu.memory_space<vmem>> -> memref<1x128xi32, #tpu.memory_space<vmem>>
        %dma_start3A_101 = tpu.memref_squeeze %dma_start3A_100 : memref<1x128xi32, #tpu.memory_space<vmem>> -> memref<128xi32, #tpu.memory_space<vmem>>
        %dma_start3A_102 = arith.constant 0 : i32
        %dma_start3A_103 = arith.constant 0 : i32
        %dma_start3A_104 = tpu.memref_slice %arg11[%dma_start3A_102, %dma_start3A_103] : memref<10112x128xf32, #tpu.memory_space<vmem_shared>> -> memref<10112x128xf32, #tpu.memory_space<vmem_shared>>
        tpu.enqueue_indirect_dma source(%arg9 : memref<128x128xf32, #tpu.memory_space<vmem>>) target(%dma_start3A_104 : memref<10112x128xf32, #tpu.memory_space<vmem_shared>>) offsets(%dma_start3A_101 : memref<128xi32, #tpu.memory_space<vmem>>) semaphore(%run_scoped3A : memref<!tpu.dma_semaphore, #tpu.memory_space<semaphore_mem>>) {add = true}
        %dma_wait3A_105 = arith.constant 0 : i32
        %dma_wait3A_106 = tpu.memref_slice %arg8[%mul3A_65, %dma_wait3A_105] : memref<40x128xi32, #tpu.memory_space<vmem>> -> memref<1x128xi32, #tpu.memory_space<vmem>>
        %dma_wait3A_107 = tpu.memref_squeeze %dma_wait3A_106 : memref<1x128xi32, #tpu.memory_space<vmem>> -> memref<128xi32, #tpu.memory_space<vmem>>
        %dma_wait3A_108 = arith.constant 0 : i32
        %dma_wait3A_109 = arith.constant 0 : i32
        %dma_wait3A_110 = tpu.memref_slice %arg11[%dma_wait3A_108, %dma_wait3A_109] : memref<10112x128xf32, #tpu.memory_space<vmem_shared>> -> memref<10112x128xf32, #tpu.memory_space<vmem_shared>>
        tpu.wait_indirect_dma semaphore(%run_scoped3A : memref<!tpu.dma_semaphore, #tpu.memory_space<semaphore_mem>>) src(%arg9 : memref<128x128xf32, #tpu.memory_space<vmem>>) dst(%dma_wait3A_110 : memref<10112x128xf32, #tpu.memory_space<vmem_shared>>)
        tpu.yield
      }) : () -> ()
      %dma_start3A_87 = arith.constant 0 : i32
      %dma_start3A_88 = tpu.memref_slice %arg7[%rem3A_74, %dma_start3A_87] : memref<40x128xi32, #tpu.memory_space<vmem>> -> memref<1x128xi32, #tpu.memory_space<vmem>>
      %dma_start3A_89 = tpu.memref_squeeze %dma_start3A_88 : memref<1x128xi32, #tpu.memory_space<vmem>> -> memref<128xi32, #tpu.memory_space<vmem>>
      %dma_start3A_90 = arith.constant 0 : i32
      %dma_start3A_91 = arith.constant 0 : i32
      %dma_start3A_92 = tpu.memref_slice %arg4[%dma_start3A_90, %dma_start3A_91] : memref<10000x128xf32, #tpu.memory_space<hbm>> -> memref<10000x128xf32, #tpu.memory_space<hbm>>
      tpu.enqueue_indirect_dma source(%dma_start3A_92 : memref<10000x128xf32, #tpu.memory_space<hbm>>) target(%arg9 : memref<128x128xf32, #tpu.memory_space<vmem>>) offsets(%dma_start3A_89 : memref<128xi32, #tpu.memory_space<vmem>>) semaphore(%arg12 : memref<!tpu.dma_semaphore, #tpu.memory_space<semaphore_mem>>)
      %dma_wait3A_93 = arith.constant 0 : i32
      %dma_wait3A_94 = tpu.memref_slice %arg7[%add3A_69, %dma_wait3A_93] : memref<40x128xi32, #tpu.memory_space<vmem>> -> memref<1x128xi32, #tpu.memory_space<vmem>>
      %dma_wait3A_95 = tpu.memref_squeeze %dma_wait3A_94 : memref<1x128xi32, #tpu.memory_space<vmem>> -> memref<128xi32, #tpu.memory_space<vmem>>
      %dma_wait3A_96 = arith.constant 0 : i32
      %dma_wait3A_97 = arith.constant 0 : i32
      %dma_wait3A_98 = tpu.memref_slice %arg4[%dma_wait3A_96, %dma_wait3A_97] : memref<10000x128xf32, #tpu.memory_space<hbm>> -> memref<10000x128xf32, #tpu.memory_space<hbm>>
      tpu.wait_indirect_dma semaphore(%arg13 : memref<!tpu.dma_semaphore, #tpu.memory_space<semaphore_mem>>) src(%dma_wait3A_98 : memref<10000x128xf32, #tpu.memory_space<hbm>>) dst(%arg10 : memref<128x128xf32, #tpu.memory_space<vmem>>)
      "tpu.region"() ({
        %run_scoped3A = tpu.sem_alloc : memref<!tpu.dma_semaphore, #tpu.memory_space<semaphore_mem>>
        %dma_start3A_99 = arith.constant 0 : i32
        %dma_start3A_100 = tpu.memref_slice %arg8[%add3A_69, %dma_start3A_99] : memref<40x128xi32, #tpu.memory_space<vmem>> -> memref<1x128xi32, #tpu.memory_space<vmem>>
        %dma_start3A_101 = tpu.memref_squeeze %dma_start3A_100 : memref<1x128xi32, #tpu.memory_space<vmem>> -> memref<128xi32, #tpu.memory_space<vmem>>
        %dma_start3A_102 = arith.constant 0 : i32
        %dma_start3A_103 = arith.constant 0 : i32
        %dma_start3A_104 = tpu.memref_slice %arg11[%dma_start3A_102, %dma_start3A_103] : memref<10112x128xf32, #tpu.memory_space<vmem_shared>> -> memref<10112x128xf32, #tpu.memory_space<vmem_shared>>
        tpu.enqueue_indirect_dma source(%arg10 : memref<128x128xf32, #tpu.memory_space<vmem>>) target(%dma_start3A_104 : memref<10112x128xf32, #tpu.memory_space<vmem_shared>>) offsets(%dma_start3A_101 : memref<128xi32, #tpu.memory_space<vmem>>) semaphore(%run_scoped3A : memref<!tpu.dma_semaphore, #tpu.memory_space<semaphore_mem>>) {add = true}
        %dma_wait3A_105 = arith.constant 0 : i32
        %dma_wait3A_106 = tpu.memref_slice %arg8[%add3A_69, %dma_wait3A_105] : memref<40x128xi32, #tpu.memory_space<vmem>> -> memref<1x128xi32, #tpu.memory_space<vmem>>
        %dma_wait3A_107 = tpu.memref_squeeze %dma_wait3A_106 : memref<1x128xi32, #tpu.memory_space<vmem>> -> memref<128xi32, #tpu.memory_space<vmem>>
        %dma_wait3A_108 = arith.constant 0 : i32
        %dma_wait3A_109 = arith.constant 0 : i32
        %dma_wait3A_110 = tpu.memref_slice %arg11[%dma_wait3A_108, %dma_wait3A_109] : memref<10112x128xf32, #tpu.memory_space<vmem_shared>> -> memref<10112x128xf32, #tpu.memory_space<vmem_shared>>
        tpu.wait_indirect_dma semaphore(%run_scoped3A : memref<!tpu.dma_semaphore, #tpu.memory_space<semaphore_mem>>) src(%arg10 : memref<128x128xf32, #tpu.memory_space<vmem>>) dst(%dma_wait3A_110 : memref<10112x128xf32, #tpu.memory_space<vmem_shared>>)
        tpu.yield
      }) : () -> ()
    }
    %scan3A_50 = arith.constant 20 : i32
    %dma_wait3A_51 = arith.constant 0 : i32
    %dma_wait3A_52 = arith.constant 0 : i32
    %dma_wait3A_53 = tpu.memref_slice %arg7[%dma_wait3A_51, %dma_wait3A_52] : memref<40x128xi32, #tpu.memory_space<vmem>> -> memref<1x128xi32, #tpu.memory_space<vmem>>
    %dma_wait3A_54 = tpu.memref_squeeze %dma_wait3A_53 : memref<1x128xi32, #tpu.memory_space<vmem>> -> memref<128xi32, #tpu.memory_space<vmem>>
    %dma_wait3A_55 = arith.constant 0 : i32
    %dma_wait3A_56 = arith.constant 0 : i32
    %dma_wait3A_57 = tpu.memref_slice %arg4[%dma_wait3A_55, %dma_wait3A_56] : memref<10000x128xf32, #tpu.memory_space<hbm>> -> memref<10000x128xf32, #tpu.memory_space<hbm>>
    tpu.wait_indirect_dma semaphore(%arg12 : memref<!tpu.dma_semaphore, #tpu.memory_space<semaphore_mem>>) src(%dma_wait3A_57 : memref<10000x128xf32, #tpu.memory_space<hbm>>) dst(%arg9 : memref<128x128xf32, #tpu.memory_space<vmem>>)
    %barrier3A_58 = arith.constant 0 : index
    tpu.barrier barrier_id(%barrier3A_58)
    %mul3A_59 = arith.constant 632 : i32
    %mul3A_60 = arith.muli %arg1, %mul3A_59 : i32
    %mul3A_61 = arith.constant 632 : i32
    %mul3A_62 = arith.muli %arg1, %mul3A_61 : i32
    "tpu.region"() ({
      %run_scoped3A = tpu.sem_alloc : memref<!tpu.dma_semaphore, #tpu.memory_space<semaphore_mem>>
      %dma_start3A_63 = arith.constant 0 : i32
      %dma_start3A_64 = tpu.memref_slice %arg6[%arg0, %mul3A_62, %dma_start3A_63] : memref<2x10112x128xf32, #tpu.memory_space<hbm>> -> memref<1x632x128xf32, #tpu.memory_space<hbm>>
      %dma_start3A_65 = tpu.memref_squeeze %dma_start3A_64 : memref<1x632x128xf32, #tpu.memory_space<hbm>> -> memref<632x128xf32, #tpu.memory_space<hbm>>
      %dma_start3A_66 = arith.constant 0 : i32
      %dma_start3A_67 = tpu.memref_slice %arg11[%mul3A_60, %dma_start3A_66] : memref<10112x128xf32, #tpu.memory_space<vmem_shared>> -> memref<632x128xf32, #tpu.memory_space<vmem_shared>>
      tpu.enqueue_dma source(%dma_start3A_67 : memref<632x128xf32, #tpu.memory_space<vmem_shared>>) target(%dma_start3A_65 : memref<632x128xf32, #tpu.memory_space<hbm>>) target_semaphore(%run_scoped3A : memref<!tpu.dma_semaphore, #tpu.memory_space<semaphore_mem>>)
      %dma_wait3A_68 = arith.constant 0 : i32
      %dma_wait3A_69 = tpu.memref_slice %arg6[%arg0, %mul3A_62, %dma_wait3A_68] : memref<2x10112x128xf32, #tpu.memory_space<hbm>> -> memref<1x632x128xf32, #tpu.memory_space<hbm>>
      %dma_wait3A_70 = tpu.memref_squeeze %dma_wait3A_69 : memref<1x632x128xf32, #tpu.memory_space<hbm>> -> memref<632x128xf32, #tpu.memory_space<hbm>>
      %dma_wait3A_71 = arith.constant 0 : i32
      %dma_wait3A_72 = tpu.memref_slice %arg11[%mul3A_60, %dma_wait3A_71] : memref<10112x128xf32, #tpu.memory_space<vmem_shared>> -> memref<632x128xf32, #tpu.memory_space<vmem_shared>>
      tpu.wait_dma2 semaphore(%run_scoped3A : memref<!tpu.dma_semaphore, #tpu.memory_space<semaphore_mem>>) src(%dma_wait3A_72 : memref<632x128xf32, #tpu.memory_space<vmem_shared>>) dst(%dma_wait3A_70 : memref<632x128xf32, #tpu.memory_space<hbm>>)
      tpu.yield
    }) : () -> ()
    return
  }
}

#map = affine_map<(d0, d1) -> (0, 0)>
#map1 = affine_map<(d0, d1) -> (0, 0, 0)>
module attributes {stable_mosaic.version = 14 : i64} {
  func.func @spmm(%arg0: i32, %arg1: i32, %arg2: memref<2560x128xi32, #tpu.memory_space<hbm>>, %arg3: memref<2560x128xi32, #tpu.memory_space<hbm>>, %arg4: memref<10000x128xf32, #tpu.memory_space<hbm>>, %arg5: memref<10112x128xf32, #tpu.memory_space<hbm>>, %arg6: memref<2x10112x128xf32, #tpu.memory_space<hbm>>, %arg7: memref<40x128xi32, #tpu.memory_space<vmem>>, %arg8: memref<40x128xi32, #tpu.memory_space<vmem>>, %arg9: memref<128x128xf32, #tpu.memory_space<vmem>>, %arg10: memref<128x128xf32, #tpu.memory_space<vmem>>, %arg11: memref<10112x128xf32, #tpu.memory_space<vmem_shared>>, %arg12: memref<!tpu.dma_semaphore, #tpu.memory_space<semaphore_mem>>, %arg13: memref<!tpu.dma_semaphore, #tpu.memory_space<semaphore_mem>>) attributes {dimension_semantics = [#tpu.dimension_semantics<core_parallel>, #tpu.dimension_semantics<subcore_parallel>], iteration_bounds = array<i64: 2, 16>, scalar_prefetch = 0 : i64, scratch_operands = 7 : i64, tpu.core_type = #tpu.core_type<sc_vector_subcore>, window_params = [{transform_indices = #map}, {transform_indices = #map}, {transform_indices = #map}, {transform_indices = #map}, {transform_indices = #map1}]} {
    %mul3A = arith.constant 16 : i32
    %mul3A_0 = arith.muli %arg0, %mul3A : i32
    %add3A = arith.addi %mul3A_0, %arg1 : i32
    %mul3A_1 = arith.constant 632 : i32
    %mul3A_2 = arith.muli %arg1, %mul3A_1 : i32
    %mul3A_3 = arith.constant 632 : i32
    %mul3A_4 = arith.muli %arg1, %mul3A_3 : i32
    "tpu.region"() ({
      %run_scoped3A = tpu.sem_alloc : memref<!tpu.dma_semaphore, #tpu.memory_space<semaphore_mem>>
      %dma_start3A_63 = arith.constant 0 : i32
      %dma_start3A_64 = tpu.memref_slice %arg11[%mul3A_4, %dma_start3A_63] : memref<10112x128xf32, #tpu.memory_space<vmem_shared>> -> memref<632x128xf32, #tpu.memory_space<vmem_shared>>
      %dma_start3A_65 = arith.constant 0 : i32
      %dma_start3A_66 = tpu.memref_slice %arg5[%mul3A_2, %dma_start3A_65] : memref<10112x128xf32, #tpu.memory_space<hbm>> -> memref<632x128xf32, #tpu.memory_space<hbm>>
      tpu.enqueue_dma source(%dma_start3A_66 : memref<632x128xf32, #tpu.memory_space<hbm>>) target(%dma_start3A_64 : memref<632x128xf32, #tpu.memory_space<vmem_shared>>) target_semaphore(%run_scoped3A : memref<!tpu.dma_semaphore, #tpu.memory_space<semaphore_mem>>)
      %dma_wait3A_67 = arith.constant 0 : i32
      %dma_wait3A_68 = tpu.memref_slice %arg11[%mul3A_4, %dma_wait3A_67] : memref<10112x128xf32, #tpu.memory_space<vmem_shared>> -> memref<632x128xf32, #tpu.memory_space<vmem_shared>>
      %dma_wait3A_69 = arith.constant 0 : i32
      %dma_wait3A_70 = tpu.memref_slice %arg5[%mul3A_2, %dma_wait3A_69] : memref<10112x128xf32, #tpu.memory_space<hbm>> -> memref<632x128xf32, #tpu.memory_space<hbm>>
      tpu.wait_dma2 semaphore(%run_scoped3A : memref<!tpu.dma_semaphore, #tpu.memory_space<semaphore_mem>>) src(%dma_wait3A_70 : memref<632x128xf32, #tpu.memory_space<hbm>>) dst(%dma_wait3A_68 : memref<632x128xf32, #tpu.memory_space<vmem_shared>>)
      tpu.yield
    }) : () -> ()
    %barrier3A = arith.constant 0 : index
    tpu.barrier barrier_id(%barrier3A)
    %mul3A_5 = arith.constant 80 : i32
    %mul3A_6 = arith.muli %add3A, %mul3A_5 : i32
    %add3A_7 = arith.constant 0 : i32
    %add3A_8 = arith.addi %mul3A_6, %add3A_7 : i32
    "tpu.region"() ({
      %run_scoped3A = tpu.sem_alloc : memref<!tpu.dma_semaphore, #tpu.memory_space<semaphore_mem>>
      %dma_start3A_63 = arith.constant 0 : i32
      %dma_start3A_64 = tpu.memref_slice %arg2[%add3A_8, %dma_start3A_63] : memref<2560x128xi32, #tpu.memory_space<hbm>> -> memref<40x128xi32, #tpu.memory_space<hbm>>
      %dma_start3A_65 = arith.constant 0 : i32
      %dma_start3A_66 = tpu.memref_slice %arg2[%add3A_8, %dma_start3A_65] : memref<2560x128xi32, #tpu.memory_space<hbm>> -> memref<40x128xi32, #tpu.memory_space<hbm>>
      tpu.enqueue_dma source(%dma_start3A_66 : memref<40x128xi32, #tpu.memory_space<hbm>>) target(%arg7 : memref<40x128xi32, #tpu.memory_space<vmem>>) target_semaphore(%run_scoped3A : memref<!tpu.dma_semaphore, #tpu.memory_space<semaphore_mem>>)
      %dma_wait3A_67 = arith.constant 0 : i32
      %dma_wait3A_68 = tpu.memref_slice %arg2[%add3A_8, %dma_wait3A_67] : memref<2560x128xi32, #tpu.memory_space<hbm>> -> memref<40x128xi32, #tpu.memory_space<hbm>>
      %dma_wait3A_69 = arith.constant 0 : i32
      %dma_wait3A_70 = tpu.memref_slice %arg2[%add3A_8, %dma_wait3A_69] : memref<2560x128xi32, #tpu.memory_space<hbm>> -> memref<40x128xi32, #tpu.memory_space<hbm>>
      tpu.wait_dma2 semaphore(%run_scoped3A : memref<!tpu.dma_semaphore, #tpu.memory_space<semaphore_mem>>) src(%dma_wait3A_70 : memref<40x128xi32, #tpu.memory_space<hbm>>) dst(%arg7 : memref<40x128xi32, #tpu.memory_space<vmem>>)
      tpu.yield
    }) : () -> ()
    %mul3A_9 = arith.constant 80 : i32
    %mul3A_10 = arith.muli %add3A, %mul3A_9 : i32
    %add3A_11 = arith.constant 0 : i32
    %add3A_12 = arith.addi %mul3A_10, %add3A_11 : i32
    "tpu.region"() ({
      %run_scoped3A = tpu.sem_alloc : memref<!tpu.dma_semaphore, #tpu.memory_space<semaphore_mem>>
      %dma_start3A_63 = arith.constant 0 : i32
      %dma_start3A_64 = tpu.memref_slice %arg3[%add3A_12, %dma_start3A_63] : memref<2560x128xi32, #tpu.memory_space<hbm>> -> memref<40x128xi32, #tpu.memory_space<hbm>>
      %dma_start3A_65 = arith.constant 0 : i32
      %dma_start3A_66 = tpu.memref_slice %arg3[%add3A_12, %dma_start3A_65] : memref<2560x128xi32, #tpu.memory_space<hbm>> -> memref<40x128xi32, #tpu.memory_space<hbm>>
      tpu.enqueue_dma source(%dma_start3A_66 : memref<40x128xi32, #tpu.memory_space<hbm>>) target(%arg8 : memref<40x128xi32, #tpu.memory_space<vmem>>) target_semaphore(%run_scoped3A : memref<!tpu.dma_semaphore, #tpu.memory_space<semaphore_mem>>)
      %dma_wait3A_67 = arith.constant 0 : i32
      %dma_wait3A_68 = tpu.memref_slice %arg3[%add3A_12, %dma_wait3A_67] : memref<2560x128xi32, #tpu.memory_space<hbm>> -> memref<40x128xi32, #tpu.memory_space<hbm>>
      %dma_wait3A_69 = arith.constant 0 : i32
      %dma_wait3A_70 = tpu.memref_slice %arg3[%add3A_12, %dma_wait3A_69] : memref<2560x128xi32, #tpu.memory_space<hbm>> -> memref<40x128xi32, #tpu.memory_space<hbm>>
      tpu.wait_dma2 semaphore(%run_scoped3A : memref<!tpu.dma_semaphore, #tpu.memory_space<semaphore_mem>>) src(%dma_wait3A_70 : memref<40x128xi32, #tpu.memory_space<hbm>>) dst(%arg8 : memref<40x128xi32, #tpu.memory_space<vmem>>)
      tpu.yield
    }) : () -> ()
    %dma_start3A = arith.constant 0 : i32
    %dma_start3A_13 = arith.constant 0 : i32
    %dma_start3A_14 = tpu.memref_slice %arg7[%dma_start3A, %dma_start3A_13] : memref<40x128xi32, #tpu.memory_space<vmem>> -> memref<1x128xi32, #tpu.memory_space<vmem>>
    %dma_start3A_15 = tpu.memref_squeeze %dma_start3A_14 : memref<1x128xi32, #tpu.memory_space<vmem>> -> memref<128xi32, #tpu.memory_space<vmem>>
    %dma_start3A_16 = arith.constant 0 : i32
    %dma_start3A_17 = arith.constant 0 : i32
    %dma_start3A_18 = tpu.memref_slice %arg4[%dma_start3A_16, %dma_start3A_17] : memref<10000x128xf32, #tpu.memory_space<hbm>> -> memref<10000x128xf32, #tpu.memory_space<hbm>>
    tpu.enqueue_indirect_dma source(%dma_start3A_18 : memref<10000x128xf32, #tpu.memory_space<hbm>>) target(%arg9 : memref<128x128xf32, #tpu.memory_space<vmem>>) offsets(%dma_start3A_15 : memref<128xi32, #tpu.memory_space<vmem>>) semaphore(%arg12 : memref<!tpu.dma_semaphore, #tpu.memory_space<semaphore_mem>>)
    %scan3A = arith.constant 0 : i32
    %scan3A_19 = arith.constant 0 : i32
    %scan3A_20 = arith.constant 20 : i32
    %scan3A_21 = arith.addi %scan3A_19, %scan3A_20 : i32
    %scan3A_22 = arith.constant 1 : i32
    scf.for %scan3A_63 = %scan3A_19 to %scan3A_21 step %scan3A_22  : i32 {
      %mul3A_64 = arith.constant 2 : i32
      %mul3A_65 = arith.muli %mul3A_64, %scan3A_63 : i32
      %mul3A_66 = arith.constant 2 : i32
      %mul3A_67 = arith.muli %mul3A_66, %scan3A_63 : i32
      %add3A_68 = arith.constant 1 : i32
      %add3A_69 = arith.addi %mul3A_67, %add3A_68 : i32
      %mul3A_70 = arith.constant 2 : i32
      %mul3A_71 = arith.muli %mul3A_70, %scan3A_63 : i32
      %add3A_72 = arith.constant 2 : i32
      %add3A_73 = arith.addi %mul3A_71, %add3A_72 : i32
      %rem3A = arith.constant 40 : i32
      %rem3A_74 = arith.remsi %add3A_73, %rem3A : i32
      %dma_start3A_75 = arith.constant 0 : i32
      %dma_start3A_76 = tpu.memref_slice %arg7[%add3A_69, %dma_start3A_75] : memref<40x128xi32, #tpu.memory_space<vmem>> -> memref<1x128xi32, #tpu.memory_space<vmem>>
      %dma_start3A_77 = tpu.memref_squeeze %dma_start3A_76 : memref<1x128xi32, #tpu.memory_space<vmem>> -> memref<128xi32, #tpu.memory_space<vmem>>
      %dma_start3A_78 = arith.constant 0 : i32
      %dma_start3A_79 = arith.constant 0 : i32
      %dma_start3A_80 = tpu.memref_slice %arg4[%dma_start3A_78, %dma_start3A_79] : memref<10000x128xf32, #tpu.memory_space<hbm>> -> memref<10000x128xf32, #tpu.memory_space<hbm>>
      tpu.enqueue_indirect_dma source(%dma_start3A_80 : memref<10000x128xf32, #tpu.memory_space<hbm>>) target(%arg10 : memref<128x128xf32, #tpu.memory_space<vmem>>) offsets(%dma_start3A_77 : memref<128xi32, #tpu.memory_space<vmem>>) semaphore(%arg13 : memref<!tpu.dma_semaphore, #tpu.memory_space<semaphore_mem>>)
      %dma_wait3A_81 = arith.constant 0 : i32
      %dma_wait3A_82 = tpu.memref_slice %arg7[%mul3A_65, %dma_wait3A_81] : memref<40x128xi32, #tpu.memory_space<vmem>> -> memref<1x128xi32, #tpu.memory_space<vmem>>
      %dma_wait3A_83 = tpu.memref_squeeze %dma_wait3A_82 : memref<1x128xi32, #tpu.memory_space<vmem>> -> memref<128xi32, #tpu.memory_space<vmem>>
      %dma_wait3A_84 = arith.constant 0 : i32
      %dma_wait3A_85 = arith.constant 0 : i32
      %dma_wait3A_86 = tpu.memref_slice %arg4[%dma_wait3A_84, %dma_wait3A_85] : memref<10000x128xf32, #tpu.memory_space<hbm>> -> memref<10000x128xf32, #tpu.memory_space<hbm>>
      tpu.wait_indirect_dma semaphore(%arg12 : memref<!tpu.dma_semaphore, #tpu.memory_space<semaphore_mem>>) src(%dma_wait3A_86 : memref<10000x128xf32, #tpu.memory_space<hbm>>) dst(%arg9 : memref<128x128xf32, #tpu.memory_space<vmem>>)
      "tpu.region"() ({
        %run_scoped3A = tpu.sem_alloc : memref<!tpu.dma_semaphore, #tpu.memory_space<semaphore_mem>>
        %dma_start3A_99 = arith.constant 0 : i32
        %dma_start3A_100 = tpu.memref_slice %arg8[%mul3A_65, %dma_start3A_99] : memref<40x128xi32, #tpu.memory_space<vmem>> -> memref<1x128xi32, #tpu.memory_space<vmem>>
        %dma_start3A_101 = tpu.memref_squeeze %dma_start3A_100 : memref<1x128xi32, #tpu.memory_space<vmem>> -> memref<128xi32, #tpu.memory_space<vmem>>
        %dma_start3A_102 = arith.constant 0 : i32
        %dma_start3A_103 = arith.constant 0 : i32
        %dma_start3A_104 = tpu.memref_slice %arg11[%dma_start3A_102, %dma_start3A_103] : memref<10112x128xf32, #tpu.memory_space<vmem_shared>> -> memref<10112x128xf32, #tpu.memory_space<vmem_shared>>
        tpu.enqueue_indirect_dma source(%arg9 : memref<128x128xf32, #tpu.memory_space<vmem>>) target(%dma_start3A_104 : memref<10112x128xf32, #tpu.memory_space<vmem_shared>>) offsets(%dma_start3A_101 : memref<128xi32, #tpu.memory_space<vmem>>) semaphore(%run_scoped3A : memref<!tpu.dma_semaphore, #tpu.memory_space<semaphore_mem>>) {add = true}
        %dma_wait3A_105 = arith.constant 0 : i32
        %dma_wait3A_106 = tpu.memref_slice %arg8[%mul3A_65, %dma_wait3A_105] : memref<40x128xi32, #tpu.memory_space<vmem>> -> memref<1x128xi32, #tpu.memory_space<vmem>>
        %dma_wait3A_107 = tpu.memref_squeeze %dma_wait3A_106 : memref<1x128xi32, #tpu.memory_space<vmem>> -> memref<128xi32, #tpu.memory_space<vmem>>
        %dma_wait3A_108 = arith.constant 0 : i32
        %dma_wait3A_109 = arith.constant 0 : i32
        %dma_wait3A_110 = tpu.memref_slice %arg11[%dma_wait3A_108, %dma_wait3A_109] : memref<10112x128xf32, #tpu.memory_space<vmem_shared>> -> memref<10112x128xf32, #tpu.memory_space<vmem_shared>>
        tpu.wait_indirect_dma semaphore(%run_scoped3A : memref<!tpu.dma_semaphore, #tpu.memory_space<semaphore_mem>>) src(%arg9 : memref<128x128xf32, #tpu.memory_space<vmem>>) dst(%dma_wait3A_110 : memref<10112x128xf32, #tpu.memory_space<vmem_shared>>)
        tpu.yield
      }) : () -> ()
      %dma_start3A_87 = arith.constant 0 : i32
      %dma_start3A_88 = tpu.memref_slice %arg7[%rem3A_74, %dma_start3A_87] : memref<40x128xi32, #tpu.memory_space<vmem>> -> memref<1x128xi32, #tpu.memory_space<vmem>>
      %dma_start3A_89 = tpu.memref_squeeze %dma_start3A_88 : memref<1x128xi32, #tpu.memory_space<vmem>> -> memref<128xi32, #tpu.memory_space<vmem>>
      %dma_start3A_90 = arith.constant 0 : i32
      %dma_start3A_91 = arith.constant 0 : i32
      %dma_start3A_92 = tpu.memref_slice %arg4[%dma_start3A_90, %dma_start3A_91] : memref<10000x128xf32, #tpu.memory_space<hbm>> -> memref<10000x128xf32, #tpu.memory_space<hbm>>
      tpu.enqueue_indirect_dma source(%dma_start3A_92 : memref<10000x128xf32, #tpu.memory_space<hbm>>) target(%arg9 : memref<128x128xf32, #tpu.memory_space<vmem>>) offsets(%dma_start3A_89 : memref<128xi32, #tpu.memory_space<vmem>>) semaphore(%arg12 : memref<!tpu.dma_semaphore, #tpu.memory_space<semaphore_mem>>)
      %dma_wait3A_93 = arith.constant 0 : i32
      %dma_wait3A_94 = tpu.memref_slice %arg7[%add3A_69, %dma_wait3A_93] : memref<40x128xi32, #tpu.memory_space<vmem>> -> memref<1x128xi32, #tpu.memory_space<vmem>>
      %dma_wait3A_95 = tpu.memref_squeeze %dma_wait3A_94 : memref<1x128xi32, #tpu.memory_space<vmem>> -> memref<128xi32, #tpu.memory_space<vmem>>
      %dma_wait3A_96 = arith.constant 0 : i32
      %dma_wait3A_97 = arith.constant 0 : i32
      %dma_wait3A_98 = tpu.memref_slice %arg4[%dma_wait3A_96, %dma_wait3A_97] : memref<10000x128xf32, #tpu.memory_space<hbm>> -> memref<10000x128xf32, #tpu.memory_space<hbm>>
      tpu.wait_indirect_dma semaphore(%arg13 : memref<!tpu.dma_semaphore, #tpu.memory_space<semaphore_mem>>) src(%dma_wait3A_98 : memref<10000x128xf32, #tpu.memory_space<hbm>>) dst(%arg10 : memref<128x128xf32, #tpu.memory_space<vmem>>)
      "tpu.region"() ({
        %run_scoped3A = tpu.sem_alloc : memref<!tpu.dma_semaphore, #tpu.memory_space<semaphore_mem>>
        %dma_start3A_99 = arith.constant 0 : i32
        %dma_start3A_100 = tpu.memref_slice %arg8[%add3A_69, %dma_start3A_99] : memref<40x128xi32, #tpu.memory_space<vmem>> -> memref<1x128xi32, #tpu.memory_space<vmem>>
        %dma_start3A_101 = tpu.memref_squeeze %dma_start3A_100 : memref<1x128xi32, #tpu.memory_space<vmem>> -> memref<128xi32, #tpu.memory_space<vmem>>
        %dma_start3A_102 = arith.constant 0 : i32
        %dma_start3A_103 = arith.constant 0 : i32
        %dma_start3A_104 = tpu.memref_slice %arg11[%dma_start3A_102, %dma_start3A_103] : memref<10112x128xf32, #tpu.memory_space<vmem_shared>> -> memref<10112x128xf32, #tpu.memory_space<vmem_shared>>
        tpu.enqueue_indirect_dma source(%arg10 : memref<128x128xf32, #tpu.memory_space<vmem>>) target(%dma_start3A_104 : memref<10112x128xf32, #tpu.memory_space<vmem_shared>>) offsets(%dma_start3A_101 : memref<128xi32, #tpu.memory_space<vmem>>) semaphore(%run_scoped3A : memref<!tpu.dma_semaphore, #tpu.memory_space<semaphore_mem>>) {add = true}
        %dma_wait3A_105 = arith.constant 0 : i32
        %dma_wait3A_106 = tpu.memref_slice %arg8[%add3A_69, %dma_wait3A_105] : memref<40x128xi32, #tpu.memory_space<vmem>> -> memref<1x128xi32, #tpu.memory_space<vmem>>
        %dma_wait3A_107 = tpu.memref_squeeze %dma_wait3A_106 : memref<1x128xi32, #tpu.memory_space<vmem>> -> memref<128xi32, #tpu.memory_space<vmem>>
        %dma_wait3A_108 = arith.constant 0 : i32
        %dma_wait3A_109 = arith.constant 0 : i32
        %dma_wait3A_110 = tpu.memref_slice %arg11[%dma_wait3A_108, %dma_wait3A_109] : memref<10112x128xf32, #tpu.memory_space<vmem_shared>> -> memref<10112x128xf32, #tpu.memory_space<vmem_shared>>
        tpu.wait_indirect_dma semaphore(%run_scoped3A : memref<!tpu.dma_semaphore, #tpu.memory_space<semaphore_mem>>) src(%arg10 : memref<128x128xf32, #tpu.memory_space<vmem>>) dst(%dma_wait3A_110 : memref<10112x128xf32, #tpu.memory_space<vmem_shared>>)
        tpu.yield
      }) : () -> ()
    }
    %scan3A_23 = arith.constant 20 : i32
    %dma_wait3A = arith.constant 0 : i32
    %dma_wait3A_24 = arith.constant 0 : i32
    %dma_wait3A_25 = tpu.memref_slice %arg7[%dma_wait3A, %dma_wait3A_24] : memref<40x128xi32, #tpu.memory_space<vmem>> -> memref<1x128xi32, #tpu.memory_space<vmem>>
    %dma_wait3A_26 = tpu.memref_squeeze %dma_wait3A_25 : memref<1x128xi32, #tpu.memory_space<vmem>> -> memref<128xi32, #tpu.memory_space<vmem>>
    %dma_wait3A_27 = arith.constant 0 : i32
    %dma_wait3A_28 = arith.constant 0 : i32
    %dma_wait3A_29 = tpu.memref_slice %arg4[%dma_wait3A_27, %dma_wait3A_28] : memref<10000x128xf32, #tpu.memory_space<hbm>> -> memref<10000x128xf32, #tpu.memory_space<hbm>>
    tpu.wait_indirect_dma semaphore(%arg12 : memref<!tpu.dma_semaphore, #tpu.memory_space<semaphore_mem>>) src(%dma_wait3A_29 : memref<10000x128xf32, #tpu.memory_space<hbm>>) dst(%arg9 : memref<128x128xf32, #tpu.memory_space<vmem>>)
    %mul3A_30 = arith.constant 80 : i32
    %mul3A_31 = arith.muli %add3A, %mul3A_30 : i32
    %add3A_32 = arith.constant 40 : i32
    %add3A_33 = arith.addi %mul3A_31, %add3A_32 : i32
    "tpu.region"() ({
      %run_scoped3A = tpu.sem_alloc : memref<!tpu.dma_semaphore, #tpu.memory_space<semaphore_mem>>
      %dma_start3A_63 = arith.constant 0 : i32
      %dma_start3A_64 = tpu.memref_slice %arg2[%add3A_33, %dma_start3A_63] : memref<2560x128xi32, #tpu.memory_space<hbm>> -> memref<40x128xi32, #tpu.memory_space<hbm>>
      %dma_start3A_65 = arith.constant 0 : i32
      %dma_start3A_66 = tpu.memref_slice %arg2[%add3A_33, %dma_start3A_65] : memref<2560x128xi32, #tpu.memory_space<hbm>> -> memref<40x128xi32, #tpu.memory_space<hbm>>
      tpu.enqueue_dma source(%dma_start3A_66 : memref<40x128xi32, #tpu.memory_space<hbm>>) target(%arg7 : memref<40x128xi32, #tpu.memory_space<vmem>>) target_semaphore(%run_scoped3A : memref<!tpu.dma_semaphore, #tpu.memory_space<semaphore_mem>>)
      %dma_wait3A_67 = arith.constant 0 : i32
      %dma_wait3A_68 = tpu.memref_slice %arg2[%add3A_33, %dma_wait3A_67] : memref<2560x128xi32, #tpu.memory_space<hbm>> -> memref<40x128xi32, #tpu.memory_space<hbm>>
      %dma_wait3A_69 = arith.constant 0 : i32
      %dma_wait3A_70 = tpu.memref_slice %arg2[%add3A_33, %dma_wait3A_69] : memref<2560x128xi32, #tpu.memory_space<hbm>> -> memref<40x128xi32, #tpu.memory_space<hbm>>
      tpu.wait_dma2 semaphore(%run_scoped3A : memref<!tpu.dma_semaphore, #tpu.memory_space<semaphore_mem>>) src(%dma_wait3A_70 : memref<40x128xi32, #tpu.memory_space<hbm>>) dst(%arg7 : memref<40x128xi32, #tpu.memory_space<vmem>>)
      tpu.yield
    }) : () -> ()
    %mul3A_34 = arith.constant 80 : i32
    %mul3A_35 = arith.muli %add3A, %mul3A_34 : i32
    %add3A_36 = arith.constant 40 : i32
    %add3A_37 = arith.addi %mul3A_35, %add3A_36 : i32
    "tpu.region"() ({
      %run_scoped3A = tpu.sem_alloc : memref<!tpu.dma_semaphore, #tpu.memory_space<semaphore_mem>>
      %dma_start3A_63 = arith.constant 0 : i32
      %dma_start3A_64 = tpu.memref_slice %arg3[%add3A_37, %dma_start3A_63] : memref<2560x128xi32, #tpu.memory_space<hbm>> -> memref<40x128xi32, #tpu.memory_space<hbm>>
      %dma_start3A_65 = arith.constant 0 : i32
      %dma_start3A_66 = tpu.memref_slice %arg3[%add3A_37, %dma_start3A_65] : memref<2560x128xi32, #tpu.memory_space<hbm>> -> memref<40x128xi32, #tpu.memory_space<hbm>>
      tpu.enqueue_dma source(%dma_start3A_66 : memref<40x128xi32, #tpu.memory_space<hbm>>) target(%arg8 : memref<40x128xi32, #tpu.memory_space<vmem>>) target_semaphore(%run_scoped3A : memref<!tpu.dma_semaphore, #tpu.memory_space<semaphore_mem>>)
      %dma_wait3A_67 = arith.constant 0 : i32
      %dma_wait3A_68 = tpu.memref_slice %arg3[%add3A_37, %dma_wait3A_67] : memref<2560x128xi32, #tpu.memory_space<hbm>> -> memref<40x128xi32, #tpu.memory_space<hbm>>
      %dma_wait3A_69 = arith.constant 0 : i32
      %dma_wait3A_70 = tpu.memref_slice %arg3[%add3A_37, %dma_wait3A_69] : memref<2560x128xi32, #tpu.memory_space<hbm>> -> memref<40x128xi32, #tpu.memory_space<hbm>>
      tpu.wait_dma2 semaphore(%run_scoped3A : memref<!tpu.dma_semaphore, #tpu.memory_space<semaphore_mem>>) src(%dma_wait3A_70 : memref<40x128xi32, #tpu.memory_space<hbm>>) dst(%arg8 : memref<40x128xi32, #tpu.memory_space<vmem>>)
      tpu.yield
    }) : () -> ()
    %dma_start3A_38 = arith.constant 0 : i32
    %dma_start3A_39 = arith.constant 0 : i32
    %dma_start3A_40 = tpu.memref_slice %arg7[%dma_start3A_38, %dma_start3A_39] : memref<40x128xi32, #tpu.memory_space<vmem>> -> memref<1x128xi32, #tpu.memory_space<vmem>>
    %dma_start3A_41 = tpu.memref_squeeze %dma_start3A_40 : memref<1x128xi32, #tpu.memory_space<vmem>> -> memref<128xi32, #tpu.memory_space<vmem>>
    %dma_start3A_42 = arith.constant 0 : i32
    %dma_start3A_43 = arith.constant 0 : i32
    %dma_start3A_44 = tpu.memref_slice %arg4[%dma_start3A_42, %dma_start3A_43] : memref<10000x128xf32, #tpu.memory_space<hbm>> -> memref<10000x128xf32, #tpu.memory_space<hbm>>
    tpu.enqueue_indirect_dma source(%dma_start3A_44 : memref<10000x128xf32, #tpu.memory_space<hbm>>) target(%arg9 : memref<128x128xf32, #tpu.memory_space<vmem>>) offsets(%dma_start3A_41 : memref<128xi32, #tpu.memory_space<vmem>>) semaphore(%arg12 : memref<!tpu.dma_semaphore, #tpu.memory_space<semaphore_mem>>)
    %scan3A_45 = arith.constant 0 : i32
    %scan3A_46 = arith.constant 0 : i32
    %scan3A_47 = arith.constant 20 : i32
    %scan3A_48 = arith.addi %scan3A_46, %scan3A_47 : i32
    %scan3A_49 = arith.constant 1 : i32
    scf.for %scan3A_63 = %scan3A_46 to %scan3A_48 step %scan3A_49  : i32 {
      %mul3A_64 = arith.constant 2 : i32
      %mul3A_65 = arith.muli %mul3A_64, %scan3A_63 : i32
      %mul3A_66 = arith.constant 2 : i32
      %mul3A_67 = arith.muli %mul3A_66, %scan3A_63 : i32
      %add3A_68 = arith.constant 1 : i32
      %add3A_69 = arith.addi %mul3A_67, %add3A_68 : i32
      %mul3A_70 = arith.constant 2 : i32
      %mul3A_71 = arith.muli %mul3A_70, %scan3A_63 : i32
      %add3A_72 = arith.constant 2 : i32
      %add3A_73 = arith.addi %mul3A_71, %add3A_72 : i32
      %rem3A = arith.constant 40 : i32
      %rem3A_74 = arith.remsi %add3A_73, %rem3A : i32
      %dma_start3A_75 = arith.constant 0 : i32
      %dma_start3A_76 = tpu.memref_slice %arg7[%add3A_69, %dma_start3A_75] : memref<40x128xi32, #tpu.memory_space<vmem>> -> memref<1x128xi32, #tpu.memory_space<vmem>>
      %dma_start3A_77 = tpu.memref_squeeze %dma_start3A_76 : memref<1x128xi32, #tpu.memory_space<vmem>> -> memref<128xi32, #tpu.memory_space<vmem>>
      %dma_start3A_78 = arith.constant 0 : i32
      %dma_start3A_79 = arith.constant 0 : i32
      %dma_start3A_80 = tpu.memref_slice %arg4[%dma_start3A_78, %dma_start3A_79] : memref<10000x128xf32, #tpu.memory_space<hbm>> -> memref<10000x128xf32, #tpu.memory_space<hbm>>
      tpu.enqueue_indirect_dma source(%dma_start3A_80 : memref<10000x128xf32, #tpu.memory_space<hbm>>) target(%arg10 : memref<128x128xf32, #tpu.memory_space<vmem>>) offsets(%dma_start3A_77 : memref<128xi32, #tpu.memory_space<vmem>>) semaphore(%arg13 : memref<!tpu.dma_semaphore, #tpu.memory_space<semaphore_mem>>)
      %dma_wait3A_81 = arith.constant 0 : i32
      %dma_wait3A_82 = tpu.memref_slice %arg7[%mul3A_65, %dma_wait3A_81] : memref<40x128xi32, #tpu.memory_space<vmem>> -> memref<1x128xi32, #tpu.memory_space<vmem>>
      %dma_wait3A_83 = tpu.memref_squeeze %dma_wait3A_82 : memref<1x128xi32, #tpu.memory_space<vmem>> -> memref<128xi32, #tpu.memory_space<vmem>>
      %dma_wait3A_84 = arith.constant 0 : i32
      %dma_wait3A_85 = arith.constant 0 : i32
      %dma_wait3A_86 = tpu.memref_slice %arg4[%dma_wait3A_84, %dma_wait3A_85] : memref<10000x128xf32, #tpu.memory_space<hbm>> -> memref<10000x128xf32, #tpu.memory_space<hbm>>
      tpu.wait_indirect_dma semaphore(%arg12 : memref<!tpu.dma_semaphore, #tpu.memory_space<semaphore_mem>>) src(%dma_wait3A_86 : memref<10000x128xf32, #tpu.memory_space<hbm>>) dst(%arg9 : memref<128x128xf32, #tpu.memory_space<vmem>>)
      "tpu.region"() ({
        %run_scoped3A = tpu.sem_alloc : memref<!tpu.dma_semaphore, #tpu.memory_space<semaphore_mem>>
        %dma_start3A_99 = arith.constant 0 : i32
        %dma_start3A_100 = tpu.memref_slice %arg8[%mul3A_65, %dma_start3A_99] : memref<40x128xi32, #tpu.memory_space<vmem>> -> memref<1x128xi32, #tpu.memory_space<vmem>>
        %dma_start3A_101 = tpu.memref_squeeze %dma_start3A_100 : memref<1x128xi32, #tpu.memory_space<vmem>> -> memref<128xi32, #tpu.memory_space<vmem>>
        %dma_start3A_102 = arith.constant 0 : i32
        %dma_start3A_103 = arith.constant 0 : i32
        %dma_start3A_104 = tpu.memref_slice %arg11[%dma_start3A_102, %dma_start3A_103] : memref<10112x128xf32, #tpu.memory_space<vmem_shared>> -> memref<10112x128xf32, #tpu.memory_space<vmem_shared>>
        tpu.enqueue_indirect_dma source(%arg9 : memref<128x128xf32, #tpu.memory_space<vmem>>) target(%dma_start3A_104 : memref<10112x128xf32, #tpu.memory_space<vmem_shared>>) offsets(%dma_start3A_101 : memref<128xi32, #tpu.memory_space<vmem>>) semaphore(%run_scoped3A : memref<!tpu.dma_semaphore, #tpu.memory_space<semaphore_mem>>) {add = true}
        %dma_wait3A_105 = arith.constant 0 : i32
        %dma_wait3A_106 = tpu.memref_slice %arg8[%mul3A_65, %dma_wait3A_105] : memref<40x128xi32, #tpu.memory_space<vmem>> -> memref<1x128xi32, #tpu.memory_space<vmem>>
        %dma_wait3A_107 = tpu.memref_squeeze %dma_wait3A_106 : memref<1x128xi32, #tpu.memory_space<vmem>> -> memref<128xi32, #tpu.memory_space<vmem>>
        %dma_wait3A_108 = arith.constant 0 : i32
        %dma_wait3A_109 = arith.constant 0 : i32
        %dma_wait3A_110 = tpu.memref_slice %arg11[%dma_wait3A_108, %dma_wait3A_109] : memref<10112x128xf32, #tpu.memory_space<vmem_shared>> -> memref<10112x128xf32, #tpu.memory_space<vmem_shared>>
        tpu.wait_indirect_dma semaphore(%run_scoped3A : memref<!tpu.dma_semaphore, #tpu.memory_space<semaphore_mem>>) src(%arg9 : memref<128x128xf32, #tpu.memory_space<vmem>>) dst(%dma_wait3A_110 : memref<10112x128xf32, #tpu.memory_space<vmem_shared>>)
        tpu.yield
      }) : () -> ()
      %dma_start3A_87 = arith.constant 0 : i32
      %dma_start3A_88 = tpu.memref_slice %arg7[%rem3A_74, %dma_start3A_87] : memref<40x128xi32, #tpu.memory_space<vmem>> -> memref<1x128xi32, #tpu.memory_space<vmem>>
      %dma_start3A_89 = tpu.memref_squeeze %dma_start3A_88 : memref<1x128xi32, #tpu.memory_space<vmem>> -> memref<128xi32, #tpu.memory_space<vmem>>
      %dma_start3A_90 = arith.constant 0 : i32
      %dma_start3A_91 = arith.constant 0 : i32
      %dma_start3A_92 = tpu.memref_slice %arg4[%dma_start3A_90, %dma_start3A_91] : memref<10000x128xf32, #tpu.memory_space<hbm>> -> memref<10000x128xf32, #tpu.memory_space<hbm>>
      tpu.enqueue_indirect_dma source(%dma_start3A_92 : memref<10000x128xf32, #tpu.memory_space<hbm>>) target(%arg9 : memref<128x128xf32, #tpu.memory_space<vmem>>) offsets(%dma_start3A_89 : memref<128xi32, #tpu.memory_space<vmem>>) semaphore(%arg12 : memref<!tpu.dma_semaphore, #tpu.memory_space<semaphore_mem>>)
      %dma_wait3A_93 = arith.constant 0 : i32
      %dma_wait3A_94 = tpu.memref_slice %arg7[%add3A_69, %dma_wait3A_93] : memref<40x128xi32, #tpu.memory_space<vmem>> -> memref<1x128xi32, #tpu.memory_space<vmem>>
      %dma_wait3A_95 = tpu.memref_squeeze %dma_wait3A_94 : memref<1x128xi32, #tpu.memory_space<vmem>> -> memref<128xi32, #tpu.memory_space<vmem>>
      %dma_wait3A_96 = arith.constant 0 : i32
      %dma_wait3A_97 = arith.constant 0 : i32
      %dma_wait3A_98 = tpu.memref_slice %arg4[%dma_wait3A_96, %dma_wait3A_97] : memref<10000x128xf32, #tpu.memory_space<hbm>> -> memref<10000x128xf32, #tpu.memory_space<hbm>>
      tpu.wait_indirect_dma semaphore(%arg13 : memref<!tpu.dma_semaphore, #tpu.memory_space<semaphore_mem>>) src(%dma_wait3A_98 : memref<10000x128xf32, #tpu.memory_space<hbm>>) dst(%arg10 : memref<128x128xf32, #tpu.memory_space<vmem>>)
      "tpu.region"() ({
        %run_scoped3A = tpu.sem_alloc : memref<!tpu.dma_semaphore, #tpu.memory_space<semaphore_mem>>
        %dma_start3A_99 = arith.constant 0 : i32
        %dma_start3A_100 = tpu.memref_slice %arg8[%add3A_69, %dma_start3A_99] : memref<40x128xi32, #tpu.memory_space<vmem>> -> memref<1x128xi32, #tpu.memory_space<vmem>>
        %dma_start3A_101 = tpu.memref_squeeze %dma_start3A_100 : memref<1x128xi32, #tpu.memory_space<vmem>> -> memref<128xi32, #tpu.memory_space<vmem>>
        %dma_start3A_102 = arith.constant 0 : i32
        %dma_start3A_103 = arith.constant 0 : i32
        %dma_start3A_104 = tpu.memref_slice %arg11[%dma_start3A_102, %dma_start3A_103] : memref<10112x128xf32, #tpu.memory_space<vmem_shared>> -> memref<10112x128xf32, #tpu.memory_space<vmem_shared>>
        tpu.enqueue_indirect_dma source(%arg10 : memref<128x128xf32, #tpu.memory_space<vmem>>) target(%dma_start3A_104 : memref<10112x128xf32, #tpu.memory_space<vmem_shared>>) offsets(%dma_start3A_101 : memref<128xi32, #tpu.memory_space<vmem>>) semaphore(%run_scoped3A : memref<!tpu.dma_semaphore, #tpu.memory_space<semaphore_mem>>) {add = true}
        %dma_wait3A_105 = arith.constant 0 : i32
        %dma_wait3A_106 = tpu.memref_slice %arg8[%add3A_69, %dma_wait3A_105] : memref<40x128xi32, #tpu.memory_space<vmem>> -> memref<1x128xi32, #tpu.memory_space<vmem>>
        %dma_wait3A_107 = tpu.memref_squeeze %dma_wait3A_106 : memref<1x128xi32, #tpu.memory_space<vmem>> -> memref<128xi32, #tpu.memory_space<vmem>>
        %dma_wait3A_108 = arith.constant 0 : i32
        %dma_wait3A_109 = arith.constant 0 : i32
        %dma_wait3A_110 = tpu.memref_slice %arg11[%dma_wait3A_108, %dma_wait3A_109] : memref<10112x128xf32, #tpu.memory_space<vmem_shared>> -> memref<10112x128xf32, #tpu.memory_space<vmem_shared>>
        tpu.wait_indirect_dma semaphore(%run_scoped3A : memref<!tpu.dma_semaphore, #tpu.memory_space<semaphore_mem>>) src(%arg10 : memref<128x128xf32, #tpu.memory_space<vmem>>) dst(%dma_wait3A_110 : memref<10112x128xf32, #tpu.memory_space<vmem_shared>>)
        tpu.yield
      }) : () -> ()
    }
    %scan3A_50 = arith.constant 20 : i32
    %dma_wait3A_51 = arith.constant 0 : i32
    %dma_wait3A_52 = arith.constant 0 : i32
    %dma_wait3A_53 = tpu.memref_slice %arg7[%dma_wait3A_51, %dma_wait3A_52] : memref<40x128xi32, #tpu.memory_space<vmem>> -> memref<1x128xi32, #tpu.memory_space<vmem>>
    %dma_wait3A_54 = tpu.memref_squeeze %dma_wait3A_53 : memref<1x128xi32, #tpu.memory_space<vmem>> -> memref<128xi32, #tpu.memory_space<vmem>>
    %dma_wait3A_55 = arith.constant 0 : i32
    %dma_wait3A_56 = arith.constant 0 : i32
    %dma_wait3A_57 = tpu.memref_slice %arg4[%dma_wait3A_55, %dma_wait3A_56] : memref<10000x128xf32, #tpu.memory_space<hbm>> -> memref<10000x128xf32, #tpu.memory_space<hbm>>
    tpu.wait_indirect_dma semaphore(%arg12 : memref<!tpu.dma_semaphore, #tpu.memory_space<semaphore_mem>>) src(%dma_wait3A_57 : memref<10000x128xf32, #tpu.memory_space<hbm>>) dst(%arg9 : memref<128x128xf32, #tpu.memory_space<vmem>>)
    %barrier3A_58 = arith.constant 0 : index
    tpu.barrier barrier_id(%barrier3A_58)
    %mul3A_59 = arith.constant 632 : i32
    %mul3A_60 = arith.muli %arg1, %mul3A_59 : i32
    %mul3A_61 = arith.constant 632 : i32
    %mul3A_62 = arith.muli %arg1, %mul3A_61 : i32
    "tpu.region"() ({
      %run_scoped3A = tpu.sem_alloc : memref<!tpu.dma_semaphore, #tpu.memory_space<semaphore_mem>>
      %dma_start3A_63 = arith.constant 0 : i32
      %dma_start3A_64 = tpu.memref_slice %arg6[%arg0, %mul3A_62, %dma_start3A_63] : memref<2x10112x128xf32, #tpu.memory_space<hbm>> -> memref<1x632x128xf32, #tpu.memory_space<hbm>>
      %dma_start3A_65 = tpu.memref_squeeze %dma_start3A_64 : memref<1x632x128xf32, #tpu.memory_space<hbm>> -> memref<632x128xf32, #tpu.memory_space<hbm>>
      %dma_start3A_66 = arith.constant 0 : i32
      %dma_start3A_67 = tpu.memref_slice %arg11[%mul3A_60, %dma_start3A_66] : memref<10112x128xf32, #tpu.memory_space<vmem_shared>> -> memref<632x128xf32, #tpu.memory_space<vmem_shared>>
      tpu.enqueue_dma source(%dma_start3A_67 : memref<632x128xf32, #tpu.memory_space<vmem_shared>>) target(%dma_start3A_65 : memref<632x128xf32, #tpu.memory_space<hbm>>) target_semaphore(%run_scoped3A : memref<!tpu.dma_semaphore, #tpu.memory_space<semaphore_mem>>)
      %dma_wait3A_68 = arith.constant 0 : i32
      %dma_wait3A_69 = tpu.memref_slice %arg6[%arg0, %mul3A_62, %dma_wait3A_68] : memref<2x10112x128xf32, #tpu.memory_space<hbm>> -> memref<1x632x128xf32, #tpu.memory_space<hbm>>
      %dma_wait3A_70 = tpu.memref_squeeze %dma_wait3A_69 : memref<1x632x128xf32, #tpu.memory_space<hbm>> -> memref<632x128xf32, #tpu.memory_space<hbm>>
      %dma_wait3A_71 = arith.constant 0 : i32
      %dma_wait3A_72 = tpu.memref_slice %arg11[%mul3A_60, %dma_wait3A_71] : memref<10112x128xf32, #tpu.memory_space<vmem_shared>> -> memref<632x128xf32, #tpu.memory_space<vmem_shared>>
      tpu.wait_dma2 semaphore(%run_scoped3A : memref<!tpu.dma_semaphore, #tpu.memory_space<semaphore_mem>>) src(%dma_wait3A_72 : memref<632x128xf32, #tpu.memory_space<vmem_shared>>) dst(%dma_wait3A_70 : memref<632x128xf32, #tpu.memory_space<hbm>>)
      tpu.yield
    }) : () -> ()
    return
  }
}

#map = affine_map<(d0, d1) -> (0, 0)>
#map1 = affine_map<(d0, d1) -> (0, 0, 0)>
module attributes {stable_mosaic.version = 14 : i64} {
  func.func @deg_kernel(%arg0: i32, %arg1: i32, %arg2: memref<2560x128xi32, #tpu.memory_space<hbm>>, %arg3: memref<128x128xf32, #tpu.memory_space<hbm>>, %arg4: memref<10112x128xf32, #tpu.memory_space<hbm>>, %arg5: memref<2x10112x128xf32, #tpu.memory_space<hbm>>, %arg6: memref<80x128xi32, #tpu.memory_space<vmem>>, %arg7: memref<128x128xf32, #tpu.memory_space<vmem>>, %arg8: memref<10112x128xf32, #tpu.memory_space<vmem_shared>>) attributes {dimension_semantics = [#tpu.dimension_semantics<core_parallel>, #tpu.dimension_semantics<subcore_parallel>], iteration_bounds = array<i64: 2, 16>, scalar_prefetch = 0 : i64, scratch_operands = 3 : i64, tpu.core_type = #tpu.core_type<sc_vector_subcore>, window_params = [{transform_indices = #map}, {transform_indices = #map}, {transform_indices = #map}, {transform_indices = #map1}]} {
    %mul3A = arith.constant 16 : i32
    %mul3A_0 = arith.muli %arg0, %mul3A : i32
    %add3A = arith.addi %mul3A_0, %arg1 : i32
    "tpu.region"() ({
      %run_scoped3A = tpu.sem_alloc : memref<!tpu.dma_semaphore, #tpu.memory_space<semaphore_mem>>
      tpu.enqueue_dma source(%arg3 : memref<128x128xf32, #tpu.memory_space<hbm>>) target(%arg7 : memref<128x128xf32, #tpu.memory_space<vmem>>) target_semaphore(%run_scoped3A : memref<!tpu.dma_semaphore, #tpu.memory_space<semaphore_mem>>)
      tpu.wait_dma2 semaphore(%run_scoped3A : memref<!tpu.dma_semaphore, #tpu.memory_space<semaphore_mem>>) src(%arg3 : memref<128x128xf32, #tpu.memory_space<hbm>>) dst(%arg7 : memref<128x128xf32, #tpu.memory_space<vmem>>)
      tpu.yield
    }) : () -> ()
    %mul3A_1 = arith.constant 632 : i32
    %mul3A_2 = arith.muli %arg1, %mul3A_1 : i32
    %mul3A_3 = arith.constant 632 : i32
    %mul3A_4 = arith.muli %arg1, %mul3A_3 : i32
    "tpu.region"() ({
      %run_scoped3A = tpu.sem_alloc : memref<!tpu.dma_semaphore, #tpu.memory_space<semaphore_mem>>
      %dma_start3A = arith.constant 0 : i32
      %dma_start3A_17 = tpu.memref_slice %arg8[%mul3A_4, %dma_start3A] : memref<10112x128xf32, #tpu.memory_space<vmem_shared>> -> memref<632x128xf32, #tpu.memory_space<vmem_shared>>
      %dma_start3A_18 = arith.constant 0 : i32
      %dma_start3A_19 = tpu.memref_slice %arg4[%mul3A_2, %dma_start3A_18] : memref<10112x128xf32, #tpu.memory_space<hbm>> -> memref<632x128xf32, #tpu.memory_space<hbm>>
      tpu.enqueue_dma source(%dma_start3A_19 : memref<632x128xf32, #tpu.memory_space<hbm>>) target(%dma_start3A_17 : memref<632x128xf32, #tpu.memory_space<vmem_shared>>) target_semaphore(%run_scoped3A : memref<!tpu.dma_semaphore, #tpu.memory_space<semaphore_mem>>)
      %dma_wait3A = arith.constant 0 : i32
      %dma_wait3A_20 = tpu.memref_slice %arg8[%mul3A_4, %dma_wait3A] : memref<10112x128xf32, #tpu.memory_space<vmem_shared>> -> memref<632x128xf32, #tpu.memory_space<vmem_shared>>
      %dma_wait3A_21 = arith.constant 0 : i32
      %dma_wait3A_22 = tpu.memref_slice %arg4[%mul3A_2, %dma_wait3A_21] : memref<10112x128xf32, #tpu.memory_space<hbm>> -> memref<632x128xf32, #tpu.memory_space<hbm>>
      tpu.wait_dma2 semaphore(%run_scoped3A : memref<!tpu.dma_semaphore, #tpu.memory_space<semaphore_mem>>) src(%dma_wait3A_22 : memref<632x128xf32, #tpu.memory_space<hbm>>) dst(%dma_wait3A_20 : memref<632x128xf32, #tpu.memory_space<vmem_shared>>)
      tpu.yield
    }) : () -> ()
    %mul3A_5 = arith.constant 80 : i32
    %mul3A_6 = arith.muli %add3A, %mul3A_5 : i32
    "tpu.region"() ({
      %run_scoped3A = tpu.sem_alloc : memref<!tpu.dma_semaphore, #tpu.memory_space<semaphore_mem>>
      %dma_start3A = arith.constant 0 : i32
      %dma_start3A_17 = tpu.memref_slice %arg2[%mul3A_6, %dma_start3A] : memref<2560x128xi32, #tpu.memory_space<hbm>> -> memref<80x128xi32, #tpu.memory_space<hbm>>
      %dma_start3A_18 = arith.constant 0 : i32
      %dma_start3A_19 = tpu.memref_slice %arg2[%mul3A_6, %dma_start3A_18] : memref<2560x128xi32, #tpu.memory_space<hbm>> -> memref<80x128xi32, #tpu.memory_space<hbm>>
      tpu.enqueue_dma source(%dma_start3A_19 : memref<80x128xi32, #tpu.memory_space<hbm>>) target(%arg6 : memref<80x128xi32, #tpu.memory_space<vmem>>) target_semaphore(%run_scoped3A : memref<!tpu.dma_semaphore, #tpu.memory_space<semaphore_mem>>)
      %dma_wait3A = arith.constant 0 : i32
      %dma_wait3A_20 = tpu.memref_slice %arg2[%mul3A_6, %dma_wait3A] : memref<2560x128xi32, #tpu.memory_space<hbm>> -> memref<80x128xi32, #tpu.memory_space<hbm>>
      %dma_wait3A_21 = arith.constant 0 : i32
      %dma_wait3A_22 = tpu.memref_slice %arg2[%mul3A_6, %dma_wait3A_21] : memref<2560x128xi32, #tpu.memory_space<hbm>> -> memref<80x128xi32, #tpu.memory_space<hbm>>
      tpu.wait_dma2 semaphore(%run_scoped3A : memref<!tpu.dma_semaphore, #tpu.memory_space<semaphore_mem>>) src(%dma_wait3A_22 : memref<80x128xi32, #tpu.memory_space<hbm>>) dst(%arg6 : memref<80x128xi32, #tpu.memory_space<vmem>>)
      tpu.yield
    }) : () -> ()
    %barrier3A = arith.constant 0 : index
    tpu.barrier barrier_id(%barrier3A)
    %scan3A = arith.constant 0 : i32
    %scan3A_7 = arith.constant 0 : i32
    %scan3A_8 = arith.constant 80 : i32
    %scan3A_9 = arith.addi %scan3A_7, %scan3A_8 : i32
    %scan3A_10 = arith.constant 1 : i32
    scf.for %scan3A_17 = %scan3A_7 to %scan3A_9 step %scan3A_10  : i32 {
      "tpu.region"() ({
        %run_scoped3A = tpu.sem_alloc : memref<!tpu.dma_semaphore, #tpu.memory_space<semaphore_mem>>
        %dma_start3A = arith.constant 0 : i32
        %dma_start3A_18 = tpu.memref_slice %arg6[%scan3A_17, %dma_start3A] : memref<80x128xi32, #tpu.memory_space<vmem>> -> memref<1x128xi32, #tpu.memory_space<vmem>>
        %dma_start3A_19 = tpu.memref_squeeze %dma_start3A_18 : memref<1x128xi32, #tpu.memory_space<vmem>> -> memref<128xi32, #tpu.memory_space<vmem>>
        %dma_start3A_20 = arith.constant 0 : i32
        %dma_start3A_21 = arith.constant 0 : i32
        %dma_start3A_22 = tpu.memref_slice %arg8[%dma_start3A_20, %dma_start3A_21] : memref<10112x128xf32, #tpu.memory_space<vmem_shared>> -> memref<10112x128xf32, #tpu.memory_space<vmem_shared>>
        tpu.enqueue_indirect_dma source(%arg7 : memref<128x128xf32, #tpu.memory_space<vmem>>) target(%dma_start3A_22 : memref<10112x128xf32, #tpu.memory_space<vmem_shared>>) offsets(%dma_start3A_19 : memref<128xi32, #tpu.memory_space<vmem>>) semaphore(%run_scoped3A : memref<!tpu.dma_semaphore, #tpu.memory_space<semaphore_mem>>) {add = true}
        %dma_wait3A = arith.constant 0 : i32
        %dma_wait3A_23 = tpu.memref_slice %arg6[%scan3A_17, %dma_wait3A] : memref<80x128xi32, #tpu.memory_space<vmem>> -> memref<1x128xi32, #tpu.memory_space<vmem>>
        %dma_wait3A_24 = tpu.memref_squeeze %dma_wait3A_23 : memref<1x128xi32, #tpu.memory_space<vmem>> -> memref<128xi32, #tpu.memory_space<vmem>>
        %dma_wait3A_25 = arith.constant 0 : i32
        %dma_wait3A_26 = arith.constant 0 : i32
        %dma_wait3A_27 = tpu.memref_slice %arg8[%dma_wait3A_25, %dma_wait3A_26] : memref<10112x128xf32, #tpu.memory_space<vmem_shared>> -> memref<10112x128xf32, #tpu.memory_space<vmem_shared>>
        tpu.wait_indirect_dma semaphore(%run_scoped3A : memref<!tpu.dma_semaphore, #tpu.memory_space<semaphore_mem>>) src(%arg7 : memref<128x128xf32, #tpu.memory_space<vmem>>) dst(%dma_wait3A_27 : memref<10112x128xf32, #tpu.memory_space<vmem_shared>>)
        tpu.yield
      }) : () -> ()
    }
    %scan3A_11 = arith.constant 80 : i32
    %barrier3A_12 = arith.constant 0 : index
    tpu.barrier barrier_id(%barrier3A_12)
    %mul3A_13 = arith.constant 632 : i32
    %mul3A_14 = arith.muli %arg1, %mul3A_13 : i32
    %mul3A_15 = arith.constant 632 : i32
    %mul3A_16 = arith.muli %arg1, %mul3A_15 : i32
    "tpu.region"() ({
      %run_scoped3A = tpu.sem_alloc : memref<!tpu.dma_semaphore, #tpu.memory_space<semaphore_mem>>
      %dma_start3A = arith.constant 0 : i32
      %dma_start3A_17 = tpu.memref_slice %arg5[%arg0, %mul3A_16, %dma_start3A] : memref<2x10112x128xf32, #tpu.memory_space<hbm>> -> memref<1x632x128xf32, #tpu.memory_space<hbm>>
      %dma_start3A_18 = tpu.memref_squeeze %dma_start3A_17 : memref<1x632x128xf32, #tpu.memory_space<hbm>> -> memref<632x128xf32, #tpu.memory_space<hbm>>
      %dma_start3A_19 = arith.constant 0 : i32
      %dma_start3A_20 = tpu.memref_slice %arg8[%mul3A_14, %dma_start3A_19] : memref<10112x128xf32, #tpu.memory_space<vmem_shared>> -> memref<632x128xf32, #tpu.memory_space<vmem_shared>>
      tpu.enqueue_dma source(%dma_start3A_20 : memref<632x128xf32, #tpu.memory_space<vmem_shared>>) target(%dma_start3A_18 : memref<632x128xf32, #tpu.memory_space<hbm>>) target_semaphore(%run_scoped3A : memref<!tpu.dma_semaphore, #tpu.memory_space<semaphore_mem>>)
      %dma_wait3A = arith.constant 0 : i32
      %dma_wait3A_21 = tpu.memref_slice %arg5[%arg0, %mul3A_16, %dma_wait3A] : memref<2x10112x128xf32, #tpu.memory_space<hbm>> -> memref<1x632x128xf32, #tpu.memory_space<hbm>>
      %dma_wait3A_22 = tpu.memref_squeeze %dma_wait3A_21 : memref<1x632x128xf32, #tpu.memory_space<hbm>> -> memref<632x128xf32, #tpu.memory_space<hbm>>
      %dma_wait3A_23 = arith.constant 0 : i32
      %dma_wait3A_24 = tpu.memref_slice %arg8[%mul3A_14, %dma_wait3A_23] : memref<10112x128xf32, #tpu.memory_space<vmem_shared>> -> memref<632x128xf32, #tpu.memory_space<vmem_shared>>
      tpu.wait_dma2 semaphore(%run_scoped3A : memref<!tpu.dma_semaphore, #tpu.memory_space<semaphore_mem>>) src(%dma_wait3A_24 : memref<632x128xf32, #tpu.memory_space<vmem_shared>>) dst(%dma_wait3A_22 : memref<632x128xf32, #tpu.memory_space<hbm>>)
      tpu.yield
    }) : () -> ()
    return
  }
}

#map = affine_map<(d0, d1) -> (0, 0)>
#map1 = affine_map<(d0, d1) -> (0, 0, 0)>
module attributes {stable_mosaic.version = 14 : i64} {
  func.func @spmm(%arg0: i32, %arg1: i32, %arg2: memref<2560x128xi32, #tpu.memory_space<hbm>>, %arg3: memref<2560x128xi32, #tpu.memory_space<hbm>>, %arg4: memref<10000x128xf32, #tpu.memory_space<hbm>>, %arg5: memref<10112x128xf32, #tpu.memory_space<hbm>>, %arg6: memref<2x10112x128xf32, #tpu.memory_space<hbm>>, %arg7: memref<40x128xi32, #tpu.memory_space<vmem>>, %arg8: memref<40x128xi32, #tpu.memory_space<vmem>>, %arg9: memref<128x128xf32, #tpu.memory_space<vmem>>, %arg10: memref<128x128xf32, #tpu.memory_space<vmem>>, %arg11: memref<10112x128xf32, #tpu.memory_space<vmem_shared>>, %arg12: memref<!tpu.dma_semaphore, #tpu.memory_space<semaphore_mem>>, %arg13: memref<!tpu.dma_semaphore, #tpu.memory_space<semaphore_mem>>) attributes {dimension_semantics = [#tpu.dimension_semantics<core_parallel>, #tpu.dimension_semantics<subcore_parallel>], iteration_bounds = array<i64: 2, 16>, scalar_prefetch = 0 : i64, scratch_operands = 7 : i64, tpu.core_type = #tpu.core_type<sc_vector_subcore>, window_params = [{transform_indices = #map}, {transform_indices = #map}, {transform_indices = #map}, {transform_indices = #map}, {transform_indices = #map1}]} {
    %mul3A = arith.constant 16 : i32
    %mul3A_0 = arith.muli %arg0, %mul3A : i32
    %add3A = arith.addi %mul3A_0, %arg1 : i32
    %mul3A_1 = arith.constant 632 : i32
    %mul3A_2 = arith.muli %arg1, %mul3A_1 : i32
    %mul3A_3 = arith.constant 632 : i32
    %mul3A_4 = arith.muli %arg1, %mul3A_3 : i32
    "tpu.region"() ({
      %run_scoped3A = tpu.sem_alloc : memref<!tpu.dma_semaphore, #tpu.memory_space<semaphore_mem>>
      %dma_start3A_63 = arith.constant 0 : i32
      %dma_start3A_64 = tpu.memref_slice %arg11[%mul3A_4, %dma_start3A_63] : memref<10112x128xf32, #tpu.memory_space<vmem_shared>> -> memref<632x128xf32, #tpu.memory_space<vmem_shared>>
      %dma_start3A_65 = arith.constant 0 : i32
      %dma_start3A_66 = tpu.memref_slice %arg5[%mul3A_2, %dma_start3A_65] : memref<10112x128xf32, #tpu.memory_space<hbm>> -> memref<632x128xf32, #tpu.memory_space<hbm>>
      tpu.enqueue_dma source(%dma_start3A_66 : memref<632x128xf32, #tpu.memory_space<hbm>>) target(%dma_start3A_64 : memref<632x128xf32, #tpu.memory_space<vmem_shared>>) target_semaphore(%run_scoped3A : memref<!tpu.dma_semaphore, #tpu.memory_space<semaphore_mem>>)
      %dma_wait3A_67 = arith.constant 0 : i32
      %dma_wait3A_68 = tpu.memref_slice %arg11[%mul3A_4, %dma_wait3A_67] : memref<10112x128xf32, #tpu.memory_space<vmem_shared>> -> memref<632x128xf32, #tpu.memory_space<vmem_shared>>
      %dma_wait3A_69 = arith.constant 0 : i32
      %dma_wait3A_70 = tpu.memref_slice %arg5[%mul3A_2, %dma_wait3A_69] : memref<10112x128xf32, #tpu.memory_space<hbm>> -> memref<632x128xf32, #tpu.memory_space<hbm>>
      tpu.wait_dma2 semaphore(%run_scoped3A : memref<!tpu.dma_semaphore, #tpu.memory_space<semaphore_mem>>) src(%dma_wait3A_70 : memref<632x128xf32, #tpu.memory_space<hbm>>) dst(%dma_wait3A_68 : memref<632x128xf32, #tpu.memory_space<vmem_shared>>)
      tpu.yield
    }) : () -> ()
    %barrier3A = arith.constant 0 : index
    tpu.barrier barrier_id(%barrier3A)
    %mul3A_5 = arith.constant 80 : i32
    %mul3A_6 = arith.muli %add3A, %mul3A_5 : i32
    %add3A_7 = arith.constant 0 : i32
    %add3A_8 = arith.addi %mul3A_6, %add3A_7 : i32
    "tpu.region"() ({
      %run_scoped3A = tpu.sem_alloc : memref<!tpu.dma_semaphore, #tpu.memory_space<semaphore_mem>>
      %dma_start3A_63 = arith.constant 0 : i32
      %dma_start3A_64 = tpu.memref_slice %arg2[%add3A_8, %dma_start3A_63] : memref<2560x128xi32, #tpu.memory_space<hbm>> -> memref<40x128xi32, #tpu.memory_space<hbm>>
      %dma_start3A_65 = arith.constant 0 : i32
      %dma_start3A_66 = tpu.memref_slice %arg2[%add3A_8, %dma_start3A_65] : memref<2560x128xi32, #tpu.memory_space<hbm>> -> memref<40x128xi32, #tpu.memory_space<hbm>>
      tpu.enqueue_dma source(%dma_start3A_66 : memref<40x128xi32, #tpu.memory_space<hbm>>) target(%arg7 : memref<40x128xi32, #tpu.memory_space<vmem>>) target_semaphore(%run_scoped3A : memref<!tpu.dma_semaphore, #tpu.memory_space<semaphore_mem>>)
      %dma_wait3A_67 = arith.constant 0 : i32
      %dma_wait3A_68 = tpu.memref_slice %arg2[%add3A_8, %dma_wait3A_67] : memref<2560x128xi32, #tpu.memory_space<hbm>> -> memref<40x128xi32, #tpu.memory_space<hbm>>
      %dma_wait3A_69 = arith.constant 0 : i32
      %dma_wait3A_70 = tpu.memref_slice %arg2[%add3A_8, %dma_wait3A_69] : memref<2560x128xi32, #tpu.memory_space<hbm>> -> memref<40x128xi32, #tpu.memory_space<hbm>>
      tpu.wait_dma2 semaphore(%run_scoped3A : memref<!tpu.dma_semaphore, #tpu.memory_space<semaphore_mem>>) src(%dma_wait3A_70 : memref<40x128xi32, #tpu.memory_space<hbm>>) dst(%arg7 : memref<40x128xi32, #tpu.memory_space<vmem>>)
      tpu.yield
    }) : () -> ()
    %mul3A_9 = arith.constant 80 : i32
    %mul3A_10 = arith.muli %add3A, %mul3A_9 : i32
    %add3A_11 = arith.constant 0 : i32
    %add3A_12 = arith.addi %mul3A_10, %add3A_11 : i32
    "tpu.region"() ({
      %run_scoped3A = tpu.sem_alloc : memref<!tpu.dma_semaphore, #tpu.memory_space<semaphore_mem>>
      %dma_start3A_63 = arith.constant 0 : i32
      %dma_start3A_64 = tpu.memref_slice %arg3[%add3A_12, %dma_start3A_63] : memref<2560x128xi32, #tpu.memory_space<hbm>> -> memref<40x128xi32, #tpu.memory_space<hbm>>
      %dma_start3A_65 = arith.constant 0 : i32
      %dma_start3A_66 = tpu.memref_slice %arg3[%add3A_12, %dma_start3A_65] : memref<2560x128xi32, #tpu.memory_space<hbm>> -> memref<40x128xi32, #tpu.memory_space<hbm>>
      tpu.enqueue_dma source(%dma_start3A_66 : memref<40x128xi32, #tpu.memory_space<hbm>>) target(%arg8 : memref<40x128xi32, #tpu.memory_space<vmem>>) target_semaphore(%run_scoped3A : memref<!tpu.dma_semaphore, #tpu.memory_space<semaphore_mem>>)
      %dma_wait3A_67 = arith.constant 0 : i32
      %dma_wait3A_68 = tpu.memref_slice %arg3[%add3A_12, %dma_wait3A_67] : memref<2560x128xi32, #tpu.memory_space<hbm>> -> memref<40x128xi32, #tpu.memory_space<hbm>>
      %dma_wait3A_69 = arith.constant 0 : i32
      %dma_wait3A_70 = tpu.memref_slice %arg3[%add3A_12, %dma_wait3A_69] : memref<2560x128xi32, #tpu.memory_space<hbm>> -> memref<40x128xi32, #tpu.memory_space<hbm>>
      tpu.wait_dma2 semaphore(%run_scoped3A : memref<!tpu.dma_semaphore, #tpu.memory_space<semaphore_mem>>) src(%dma_wait3A_70 : memref<40x128xi32, #tpu.memory_space<hbm>>) dst(%arg8 : memref<40x128xi32, #tpu.memory_space<vmem>>)
      tpu.yield
    }) : () -> ()
    %dma_start3A = arith.constant 0 : i32
    %dma_start3A_13 = arith.constant 0 : i32
    %dma_start3A_14 = tpu.memref_slice %arg7[%dma_start3A, %dma_start3A_13] : memref<40x128xi32, #tpu.memory_space<vmem>> -> memref<1x128xi32, #tpu.memory_space<vmem>>
    %dma_start3A_15 = tpu.memref_squeeze %dma_start3A_14 : memref<1x128xi32, #tpu.memory_space<vmem>> -> memref<128xi32, #tpu.memory_space<vmem>>
    %dma_start3A_16 = arith.constant 0 : i32
    %dma_start3A_17 = arith.constant 0 : i32
    %dma_start3A_18 = tpu.memref_slice %arg4[%dma_start3A_16, %dma_start3A_17] : memref<10000x128xf32, #tpu.memory_space<hbm>> -> memref<10000x128xf32, #tpu.memory_space<hbm>>
    tpu.enqueue_indirect_dma source(%dma_start3A_18 : memref<10000x128xf32, #tpu.memory_space<hbm>>) target(%arg9 : memref<128x128xf32, #tpu.memory_space<vmem>>) offsets(%dma_start3A_15 : memref<128xi32, #tpu.memory_space<vmem>>) semaphore(%arg12 : memref<!tpu.dma_semaphore, #tpu.memory_space<semaphore_mem>>)
    %scan3A = arith.constant 0 : i32
    %scan3A_19 = arith.constant 0 : i32
    %scan3A_20 = arith.constant 20 : i32
    %scan3A_21 = arith.addi %scan3A_19, %scan3A_20 : i32
    %scan3A_22 = arith.constant 1 : i32
    scf.for %scan3A_63 = %scan3A_19 to %scan3A_21 step %scan3A_22  : i32 {
      %mul3A_64 = arith.constant 2 : i32
      %mul3A_65 = arith.muli %mul3A_64, %scan3A_63 : i32
      %mul3A_66 = arith.constant 2 : i32
      %mul3A_67 = arith.muli %mul3A_66, %scan3A_63 : i32
      %add3A_68 = arith.constant 1 : i32
      %add3A_69 = arith.addi %mul3A_67, %add3A_68 : i32
      %mul3A_70 = arith.constant 2 : i32
      %mul3A_71 = arith.muli %mul3A_70, %scan3A_63 : i32
      %add3A_72 = arith.constant 2 : i32
      %add3A_73 = arith.addi %mul3A_71, %add3A_72 : i32
      %rem3A = arith.constant 40 : i32
      %rem3A_74 = arith.remsi %add3A_73, %rem3A : i32
      %dma_start3A_75 = arith.constant 0 : i32
      %dma_start3A_76 = tpu.memref_slice %arg7[%add3A_69, %dma_start3A_75] : memref<40x128xi32, #tpu.memory_space<vmem>> -> memref<1x128xi32, #tpu.memory_space<vmem>>
      %dma_start3A_77 = tpu.memref_squeeze %dma_start3A_76 : memref<1x128xi32, #tpu.memory_space<vmem>> -> memref<128xi32, #tpu.memory_space<vmem>>
      %dma_start3A_78 = arith.constant 0 : i32
      %dma_start3A_79 = arith.constant 0 : i32
      %dma_start3A_80 = tpu.memref_slice %arg4[%dma_start3A_78, %dma_start3A_79] : memref<10000x128xf32, #tpu.memory_space<hbm>> -> memref<10000x128xf32, #tpu.memory_space<hbm>>
      tpu.enqueue_indirect_dma source(%dma_start3A_80 : memref<10000x128xf32, #tpu.memory_space<hbm>>) target(%arg10 : memref<128x128xf32, #tpu.memory_space<vmem>>) offsets(%dma_start3A_77 : memref<128xi32, #tpu.memory_space<vmem>>) semaphore(%arg13 : memref<!tpu.dma_semaphore, #tpu.memory_space<semaphore_mem>>)
      %dma_wait3A_81 = arith.constant 0 : i32
      %dma_wait3A_82 = tpu.memref_slice %arg7[%mul3A_65, %dma_wait3A_81] : memref<40x128xi32, #tpu.memory_space<vmem>> -> memref<1x128xi32, #tpu.memory_space<vmem>>
      %dma_wait3A_83 = tpu.memref_squeeze %dma_wait3A_82 : memref<1x128xi32, #tpu.memory_space<vmem>> -> memref<128xi32, #tpu.memory_space<vmem>>
      %dma_wait3A_84 = arith.constant 0 : i32
      %dma_wait3A_85 = arith.constant 0 : i32
      %dma_wait3A_86 = tpu.memref_slice %arg4[%dma_wait3A_84, %dma_wait3A_85] : memref<10000x128xf32, #tpu.memory_space<hbm>> -> memref<10000x128xf32, #tpu.memory_space<hbm>>
      tpu.wait_indirect_dma semaphore(%arg12 : memref<!tpu.dma_semaphore, #tpu.memory_space<semaphore_mem>>) src(%dma_wait3A_86 : memref<10000x128xf32, #tpu.memory_space<hbm>>) dst(%arg9 : memref<128x128xf32, #tpu.memory_space<vmem>>)
      "tpu.region"() ({
        %run_scoped3A = tpu.sem_alloc : memref<!tpu.dma_semaphore, #tpu.memory_space<semaphore_mem>>
        %dma_start3A_99 = arith.constant 0 : i32
        %dma_start3A_100 = tpu.memref_slice %arg8[%mul3A_65, %dma_start3A_99] : memref<40x128xi32, #tpu.memory_space<vmem>> -> memref<1x128xi32, #tpu.memory_space<vmem>>
        %dma_start3A_101 = tpu.memref_squeeze %dma_start3A_100 : memref<1x128xi32, #tpu.memory_space<vmem>> -> memref<128xi32, #tpu.memory_space<vmem>>
        %dma_start3A_102 = arith.constant 0 : i32
        %dma_start3A_103 = arith.constant 0 : i32
        %dma_start3A_104 = tpu.memref_slice %arg11[%dma_start3A_102, %dma_start3A_103] : memref<10112x128xf32, #tpu.memory_space<vmem_shared>> -> memref<10112x128xf32, #tpu.memory_space<vmem_shared>>
        tpu.enqueue_indirect_dma source(%arg9 : memref<128x128xf32, #tpu.memory_space<vmem>>) target(%dma_start3A_104 : memref<10112x128xf32, #tpu.memory_space<vmem_shared>>) offsets(%dma_start3A_101 : memref<128xi32, #tpu.memory_space<vmem>>) semaphore(%run_scoped3A : memref<!tpu.dma_semaphore, #tpu.memory_space<semaphore_mem>>) {add = true}
        %dma_wait3A_105 = arith.constant 0 : i32
        %dma_wait3A_106 = tpu.memref_slice %arg8[%mul3A_65, %dma_wait3A_105] : memref<40x128xi32, #tpu.memory_space<vmem>> -> memref<1x128xi32, #tpu.memory_space<vmem>>
        %dma_wait3A_107 = tpu.memref_squeeze %dma_wait3A_106 : memref<1x128xi32, #tpu.memory_space<vmem>> -> memref<128xi32, #tpu.memory_space<vmem>>
        %dma_wait3A_108 = arith.constant 0 : i32
        %dma_wait3A_109 = arith.constant 0 : i32
        %dma_wait3A_110 = tpu.memref_slice %arg11[%dma_wait3A_108, %dma_wait3A_109] : memref<10112x128xf32, #tpu.memory_space<vmem_shared>> -> memref<10112x128xf32, #tpu.memory_space<vmem_shared>>
        tpu.wait_indirect_dma semaphore(%run_scoped3A : memref<!tpu.dma_semaphore, #tpu.memory_space<semaphore_mem>>) src(%arg9 : memref<128x128xf32, #tpu.memory_space<vmem>>) dst(%dma_wait3A_110 : memref<10112x128xf32, #tpu.memory_space<vmem_shared>>)
        tpu.yield
      }) : () -> ()
      %dma_start3A_87 = arith.constant 0 : i32
      %dma_start3A_88 = tpu.memref_slice %arg7[%rem3A_74, %dma_start3A_87] : memref<40x128xi32, #tpu.memory_space<vmem>> -> memref<1x128xi32, #tpu.memory_space<vmem>>
      %dma_start3A_89 = tpu.memref_squeeze %dma_start3A_88 : memref<1x128xi32, #tpu.memory_space<vmem>> -> memref<128xi32, #tpu.memory_space<vmem>>
      %dma_start3A_90 = arith.constant 0 : i32
      %dma_start3A_91 = arith.constant 0 : i32
      %dma_start3A_92 = tpu.memref_slice %arg4[%dma_start3A_90, %dma_start3A_91] : memref<10000x128xf32, #tpu.memory_space<hbm>> -> memref<10000x128xf32, #tpu.memory_space<hbm>>
      tpu.enqueue_indirect_dma source(%dma_start3A_92 : memref<10000x128xf32, #tpu.memory_space<hbm>>) target(%arg9 : memref<128x128xf32, #tpu.memory_space<vmem>>) offsets(%dma_start3A_89 : memref<128xi32, #tpu.memory_space<vmem>>) semaphore(%arg12 : memref<!tpu.dma_semaphore, #tpu.memory_space<semaphore_mem>>)
      %dma_wait3A_93 = arith.constant 0 : i32
      %dma_wait3A_94 = tpu.memref_slice %arg7[%add3A_69, %dma_wait3A_93] : memref<40x128xi32, #tpu.memory_space<vmem>> -> memref<1x128xi32, #tpu.memory_space<vmem>>
      %dma_wait3A_95 = tpu.memref_squeeze %dma_wait3A_94 : memref<1x128xi32, #tpu.memory_space<vmem>> -> memref<128xi32, #tpu.memory_space<vmem>>
      %dma_wait3A_96 = arith.constant 0 : i32
      %dma_wait3A_97 = arith.constant 0 : i32
      %dma_wait3A_98 = tpu.memref_slice %arg4[%dma_wait3A_96, %dma_wait3A_97] : memref<10000x128xf32, #tpu.memory_space<hbm>> -> memref<10000x128xf32, #tpu.memory_space<hbm>>
      tpu.wait_indirect_dma semaphore(%arg13 : memref<!tpu.dma_semaphore, #tpu.memory_space<semaphore_mem>>) src(%dma_wait3A_98 : memref<10000x128xf32, #tpu.memory_space<hbm>>) dst(%arg10 : memref<128x128xf32, #tpu.memory_space<vmem>>)
      "tpu.region"() ({
        %run_scoped3A = tpu.sem_alloc : memref<!tpu.dma_semaphore, #tpu.memory_space<semaphore_mem>>
        %dma_start3A_99 = arith.constant 0 : i32
        %dma_start3A_100 = tpu.memref_slice %arg8[%add3A_69, %dma_start3A_99] : memref<40x128xi32, #tpu.memory_space<vmem>> -> memref<1x128xi32, #tpu.memory_space<vmem>>
        %dma_start3A_101 = tpu.memref_squeeze %dma_start3A_100 : memref<1x128xi32, #tpu.memory_space<vmem>> -> memref<128xi32, #tpu.memory_space<vmem>>
        %dma_start3A_102 = arith.constant 0 : i32
        %dma_start3A_103 = arith.constant 0 : i32
        %dma_start3A_104 = tpu.memref_slice %arg11[%dma_start3A_102, %dma_start3A_103] : memref<10112x128xf32, #tpu.memory_space<vmem_shared>> -> memref<10112x128xf32, #tpu.memory_space<vmem_shared>>
        tpu.enqueue_indirect_dma source(%arg10 : memref<128x128xf32, #tpu.memory_space<vmem>>) target(%dma_start3A_104 : memref<10112x128xf32, #tpu.memory_space<vmem_shared>>) offsets(%dma_start3A_101 : memref<128xi32, #tpu.memory_space<vmem>>) semaphore(%run_scoped3A : memref<!tpu.dma_semaphore, #tpu.memory_space<semaphore_mem>>) {add = true}
        %dma_wait3A_105 = arith.constant 0 : i32
        %dma_wait3A_106 = tpu.memref_slice %arg8[%add3A_69, %dma_wait3A_105] : memref<40x128xi32, #tpu.memory_space<vmem>> -> memref<1x128xi32, #tpu.memory_space<vmem>>
        %dma_wait3A_107 = tpu.memref_squeeze %dma_wait3A_106 : memref<1x128xi32, #tpu.memory_space<vmem>> -> memref<128xi32, #tpu.memory_space<vmem>>
        %dma_wait3A_108 = arith.constant 0 : i32
        %dma_wait3A_109 = arith.constant 0 : i32
        %dma_wait3A_110 = tpu.memref_slice %arg11[%dma_wait3A_108, %dma_wait3A_109] : memref<10112x128xf32, #tpu.memory_space<vmem_shared>> -> memref<10112x128xf32, #tpu.memory_space<vmem_shared>>
        tpu.wait_indirect_dma semaphore(%run_scoped3A : memref<!tpu.dma_semaphore, #tpu.memory_space<semaphore_mem>>) src(%arg10 : memref<128x128xf32, #tpu.memory_space<vmem>>) dst(%dma_wait3A_110 : memref<10112x128xf32, #tpu.memory_space<vmem_shared>>)
        tpu.yield
      }) : () -> ()
    }
    %scan3A_23 = arith.constant 20 : i32
    %dma_wait3A = arith.constant 0 : i32
    %dma_wait3A_24 = arith.constant 0 : i32
    %dma_wait3A_25 = tpu.memref_slice %arg7[%dma_wait3A, %dma_wait3A_24] : memref<40x128xi32, #tpu.memory_space<vmem>> -> memref<1x128xi32, #tpu.memory_space<vmem>>
    %dma_wait3A_26 = tpu.memref_squeeze %dma_wait3A_25 : memref<1x128xi32, #tpu.memory_space<vmem>> -> memref<128xi32, #tpu.memory_space<vmem>>
    %dma_wait3A_27 = arith.constant 0 : i32
    %dma_wait3A_28 = arith.constant 0 : i32
    %dma_wait3A_29 = tpu.memref_slice %arg4[%dma_wait3A_27, %dma_wait3A_28] : memref<10000x128xf32, #tpu.memory_space<hbm>> -> memref<10000x128xf32, #tpu.memory_space<hbm>>
    tpu.wait_indirect_dma semaphore(%arg12 : memref<!tpu.dma_semaphore, #tpu.memory_space<semaphore_mem>>) src(%dma_wait3A_29 : memref<10000x128xf32, #tpu.memory_space<hbm>>) dst(%arg9 : memref<128x128xf32, #tpu.memory_space<vmem>>)
    %mul3A_30 = arith.constant 80 : i32
    %mul3A_31 = arith.muli %add3A, %mul3A_30 : i32
    %add3A_32 = arith.constant 40 : i32
    %add3A_33 = arith.addi %mul3A_31, %add3A_32 : i32
    "tpu.region"() ({
      %run_scoped3A = tpu.sem_alloc : memref<!tpu.dma_semaphore, #tpu.memory_space<semaphore_mem>>
      %dma_start3A_63 = arith.constant 0 : i32
      %dma_start3A_64 = tpu.memref_slice %arg2[%add3A_33, %dma_start3A_63] : memref<2560x128xi32, #tpu.memory_space<hbm>> -> memref<40x128xi32, #tpu.memory_space<hbm>>
      %dma_start3A_65 = arith.constant 0 : i32
      %dma_start3A_66 = tpu.memref_slice %arg2[%add3A_33, %dma_start3A_65] : memref<2560x128xi32, #tpu.memory_space<hbm>> -> memref<40x128xi32, #tpu.memory_space<hbm>>
      tpu.enqueue_dma source(%dma_start3A_66 : memref<40x128xi32, #tpu.memory_space<hbm>>) target(%arg7 : memref<40x128xi32, #tpu.memory_space<vmem>>) target_semaphore(%run_scoped3A : memref<!tpu.dma_semaphore, #tpu.memory_space<semaphore_mem>>)
      %dma_wait3A_67 = arith.constant 0 : i32
      %dma_wait3A_68 = tpu.memref_slice %arg2[%add3A_33, %dma_wait3A_67] : memref<2560x128xi32, #tpu.memory_space<hbm>> -> memref<40x128xi32, #tpu.memory_space<hbm>>
      %dma_wait3A_69 = arith.constant 0 : i32
      %dma_wait3A_70 = tpu.memref_slice %arg2[%add3A_33, %dma_wait3A_69] : memref<2560x128xi32, #tpu.memory_space<hbm>> -> memref<40x128xi32, #tpu.memory_space<hbm>>
      tpu.wait_dma2 semaphore(%run_scoped3A : memref<!tpu.dma_semaphore, #tpu.memory_space<semaphore_mem>>) src(%dma_wait3A_70 : memref<40x128xi32, #tpu.memory_space<hbm>>) dst(%arg7 : memref<40x128xi32, #tpu.memory_space<vmem>>)
      tpu.yield
    }) : () -> ()
    %mul3A_34 = arith.constant 80 : i32
    %mul3A_35 = arith.muli %add3A, %mul3A_34 : i32
    %add3A_36 = arith.constant 40 : i32
    %add3A_37 = arith.addi %mul3A_35, %add3A_36 : i32
    "tpu.region"() ({
      %run_scoped3A = tpu.sem_alloc : memref<!tpu.dma_semaphore, #tpu.memory_space<semaphore_mem>>
      %dma_start3A_63 = arith.constant 0 : i32
      %dma_start3A_64 = tpu.memref_slice %arg3[%add3A_37, %dma_start3A_63] : memref<2560x128xi32, #tpu.memory_space<hbm>> -> memref<40x128xi32, #tpu.memory_space<hbm>>
      %dma_start3A_65 = arith.constant 0 : i32
      %dma_start3A_66 = tpu.memref_slice %arg3[%add3A_37, %dma_start3A_65] : memref<2560x128xi32, #tpu.memory_space<hbm>> -> memref<40x128xi32, #tpu.memory_space<hbm>>
      tpu.enqueue_dma source(%dma_start3A_66 : memref<40x128xi32, #tpu.memory_space<hbm>>) target(%arg8 : memref<40x128xi32, #tpu.memory_space<vmem>>) target_semaphore(%run_scoped3A : memref<!tpu.dma_semaphore, #tpu.memory_space<semaphore_mem>>)
      %dma_wait3A_67 = arith.constant 0 : i32
      %dma_wait3A_68 = tpu.memref_slice %arg3[%add3A_37, %dma_wait3A_67] : memref<2560x128xi32, #tpu.memory_space<hbm>> -> memref<40x128xi32, #tpu.memory_space<hbm>>
      %dma_wait3A_69 = arith.constant 0 : i32
      %dma_wait3A_70 = tpu.memref_slice %arg3[%add3A_37, %dma_wait3A_69] : memref<2560x128xi32, #tpu.memory_space<hbm>> -> memref<40x128xi32, #tpu.memory_space<hbm>>
      tpu.wait_dma2 semaphore(%run_scoped3A : memref<!tpu.dma_semaphore, #tpu.memory_space<semaphore_mem>>) src(%dma_wait3A_70 : memref<40x128xi32, #tpu.memory_space<hbm>>) dst(%arg8 : memref<40x128xi32, #tpu.memory_space<vmem>>)
      tpu.yield
    }) : () -> ()
    %dma_start3A_38 = arith.constant 0 : i32
    %dma_start3A_39 = arith.constant 0 : i32
    %dma_start3A_40 = tpu.memref_slice %arg7[%dma_start3A_38, %dma_start3A_39] : memref<40x128xi32, #tpu.memory_space<vmem>> -> memref<1x128xi32, #tpu.memory_space<vmem>>
    %dma_start3A_41 = tpu.memref_squeeze %dma_start3A_40 : memref<1x128xi32, #tpu.memory_space<vmem>> -> memref<128xi32, #tpu.memory_space<vmem>>
    %dma_start3A_42 = arith.constant 0 : i32
    %dma_start3A_43 = arith.constant 0 : i32
    %dma_start3A_44 = tpu.memref_slice %arg4[%dma_start3A_42, %dma_start3A_43] : memref<10000x128xf32, #tpu.memory_space<hbm>> -> memref<10000x128xf32, #tpu.memory_space<hbm>>
    tpu.enqueue_indirect_dma source(%dma_start3A_44 : memref<10000x128xf32, #tpu.memory_space<hbm>>) target(%arg9 : memref<128x128xf32, #tpu.memory_space<vmem>>) offsets(%dma_start3A_41 : memref<128xi32, #tpu.memory_space<vmem>>) semaphore(%arg12 : memref<!tpu.dma_semaphore, #tpu.memory_space<semaphore_mem>>)
    %scan3A_45 = arith.constant 0 : i32
    %scan3A_46 = arith.constant 0 : i32
    %scan3A_47 = arith.constant 20 : i32
    %scan3A_48 = arith.addi %scan3A_46, %scan3A_47 : i32
    %scan3A_49 = arith.constant 1 : i32
    scf.for %scan3A_63 = %scan3A_46 to %scan3A_48 step %scan3A_49  : i32 {
      %mul3A_64 = arith.constant 2 : i32
      %mul3A_65 = arith.muli %mul3A_64, %scan3A_63 : i32
      %mul3A_66 = arith.constant 2 : i32
      %mul3A_67 = arith.muli %mul3A_66, %scan3A_63 : i32
      %add3A_68 = arith.constant 1 : i32
      %add3A_69 = arith.addi %mul3A_67, %add3A_68 : i32
      %mul3A_70 = arith.constant 2 : i32
      %mul3A_71 = arith.muli %mul3A_70, %scan3A_63 : i32
      %add3A_72 = arith.constant 2 : i32
      %add3A_73 = arith.addi %mul3A_71, %add3A_72 : i32
      %rem3A = arith.constant 40 : i32
      %rem3A_74 = arith.remsi %add3A_73, %rem3A : i32
      %dma_start3A_75 = arith.constant 0 : i32
      %dma_start3A_76 = tpu.memref_slice %arg7[%add3A_69, %dma_start3A_75] : memref<40x128xi32, #tpu.memory_space<vmem>> -> memref<1x128xi32, #tpu.memory_space<vmem>>
      %dma_start3A_77 = tpu.memref_squeeze %dma_start3A_76 : memref<1x128xi32, #tpu.memory_space<vmem>> -> memref<128xi32, #tpu.memory_space<vmem>>
      %dma_start3A_78 = arith.constant 0 : i32
      %dma_start3A_79 = arith.constant 0 : i32
      %dma_start3A_80 = tpu.memref_slice %arg4[%dma_start3A_78, %dma_start3A_79] : memref<10000x128xf32, #tpu.memory_space<hbm>> -> memref<10000x128xf32, #tpu.memory_space<hbm>>
      tpu.enqueue_indirect_dma source(%dma_start3A_80 : memref<10000x128xf32, #tpu.memory_space<hbm>>) target(%arg10 : memref<128x128xf32, #tpu.memory_space<vmem>>) offsets(%dma_start3A_77 : memref<128xi32, #tpu.memory_space<vmem>>) semaphore(%arg13 : memref<!tpu.dma_semaphore, #tpu.memory_space<semaphore_mem>>)
      %dma_wait3A_81 = arith.constant 0 : i32
      %dma_wait3A_82 = tpu.memref_slice %arg7[%mul3A_65, %dma_wait3A_81] : memref<40x128xi32, #tpu.memory_space<vmem>> -> memref<1x128xi32, #tpu.memory_space<vmem>>
      %dma_wait3A_83 = tpu.memref_squeeze %dma_wait3A_82 : memref<1x128xi32, #tpu.memory_space<vmem>> -> memref<128xi32, #tpu.memory_space<vmem>>
      %dma_wait3A_84 = arith.constant 0 : i32
      %dma_wait3A_85 = arith.constant 0 : i32
      %dma_wait3A_86 = tpu.memref_slice %arg4[%dma_wait3A_84, %dma_wait3A_85] : memref<10000x128xf32, #tpu.memory_space<hbm>> -> memref<10000x128xf32, #tpu.memory_space<hbm>>
      tpu.wait_indirect_dma semaphore(%arg12 : memref<!tpu.dma_semaphore, #tpu.memory_space<semaphore_mem>>) src(%dma_wait3A_86 : memref<10000x128xf32, #tpu.memory_space<hbm>>) dst(%arg9 : memref<128x128xf32, #tpu.memory_space<vmem>>)
      "tpu.region"() ({
        %run_scoped3A = tpu.sem_alloc : memref<!tpu.dma_semaphore, #tpu.memory_space<semaphore_mem>>
        %dma_start3A_99 = arith.constant 0 : i32
        %dma_start3A_100 = tpu.memref_slice %arg8[%mul3A_65, %dma_start3A_99] : memref<40x128xi32, #tpu.memory_space<vmem>> -> memref<1x128xi32, #tpu.memory_space<vmem>>
        %dma_start3A_101 = tpu.memref_squeeze %dma_start3A_100 : memref<1x128xi32, #tpu.memory_space<vmem>> -> memref<128xi32, #tpu.memory_space<vmem>>
        %dma_start3A_102 = arith.constant 0 : i32
        %dma_start3A_103 = arith.constant 0 : i32
        %dma_start3A_104 = tpu.memref_slice %arg11[%dma_start3A_102, %dma_start3A_103] : memref<10112x128xf32, #tpu.memory_space<vmem_shared>> -> memref<10112x128xf32, #tpu.memory_space<vmem_shared>>
        tpu.enqueue_indirect_dma source(%arg9 : memref<128x128xf32, #tpu.memory_space<vmem>>) target(%dma_start3A_104 : memref<10112x128xf32, #tpu.memory_space<vmem_shared>>) offsets(%dma_start3A_101 : memref<128xi32, #tpu.memory_space<vmem>>) semaphore(%run_scoped3A : memref<!tpu.dma_semaphore, #tpu.memory_space<semaphore_mem>>) {add = true}
        %dma_wait3A_105 = arith.constant 0 : i32
        %dma_wait3A_106 = tpu.memref_slice %arg8[%mul3A_65, %dma_wait3A_105] : memref<40x128xi32, #tpu.memory_space<vmem>> -> memref<1x128xi32, #tpu.memory_space<vmem>>
        %dma_wait3A_107 = tpu.memref_squeeze %dma_wait3A_106 : memref<1x128xi32, #tpu.memory_space<vmem>> -> memref<128xi32, #tpu.memory_space<vmem>>
        %dma_wait3A_108 = arith.constant 0 : i32
        %dma_wait3A_109 = arith.constant 0 : i32
        %dma_wait3A_110 = tpu.memref_slice %arg11[%dma_wait3A_108, %dma_wait3A_109] : memref<10112x128xf32, #tpu.memory_space<vmem_shared>> -> memref<10112x128xf32, #tpu.memory_space<vmem_shared>>
        tpu.wait_indirect_dma semaphore(%run_scoped3A : memref<!tpu.dma_semaphore, #tpu.memory_space<semaphore_mem>>) src(%arg9 : memref<128x128xf32, #tpu.memory_space<vmem>>) dst(%dma_wait3A_110 : memref<10112x128xf32, #tpu.memory_space<vmem_shared>>)
        tpu.yield
      }) : () -> ()
      %dma_start3A_87 = arith.constant 0 : i32
      %dma_start3A_88 = tpu.memref_slice %arg7[%rem3A_74, %dma_start3A_87] : memref<40x128xi32, #tpu.memory_space<vmem>> -> memref<1x128xi32, #tpu.memory_space<vmem>>
      %dma_start3A_89 = tpu.memref_squeeze %dma_start3A_88 : memref<1x128xi32, #tpu.memory_space<vmem>> -> memref<128xi32, #tpu.memory_space<vmem>>
      %dma_start3A_90 = arith.constant 0 : i32
      %dma_start3A_91 = arith.constant 0 : i32
      %dma_start3A_92 = tpu.memref_slice %arg4[%dma_start3A_90, %dma_start3A_91] : memref<10000x128xf32, #tpu.memory_space<hbm>> -> memref<10000x128xf32, #tpu.memory_space<hbm>>
      tpu.enqueue_indirect_dma source(%dma_start3A_92 : memref<10000x128xf32, #tpu.memory_space<hbm>>) target(%arg9 : memref<128x128xf32, #tpu.memory_space<vmem>>) offsets(%dma_start3A_89 : memref<128xi32, #tpu.memory_space<vmem>>) semaphore(%arg12 : memref<!tpu.dma_semaphore, #tpu.memory_space<semaphore_mem>>)
      %dma_wait3A_93 = arith.constant 0 : i32
      %dma_wait3A_94 = tpu.memref_slice %arg7[%add3A_69, %dma_wait3A_93] : memref<40x128xi32, #tpu.memory_space<vmem>> -> memref<1x128xi32, #tpu.memory_space<vmem>>
      %dma_wait3A_95 = tpu.memref_squeeze %dma_wait3A_94 : memref<1x128xi32, #tpu.memory_space<vmem>> -> memref<128xi32, #tpu.memory_space<vmem>>
      %dma_wait3A_96 = arith.constant 0 : i32
      %dma_wait3A_97 = arith.constant 0 : i32
      %dma_wait3A_98 = tpu.memref_slice %arg4[%dma_wait3A_96, %dma_wait3A_97] : memref<10000x128xf32, #tpu.memory_space<hbm>> -> memref<10000x128xf32, #tpu.memory_space<hbm>>
      tpu.wait_indirect_dma semaphore(%arg13 : memref<!tpu.dma_semaphore, #tpu.memory_space<semaphore_mem>>) src(%dma_wait3A_98 : memref<10000x128xf32, #tpu.memory_space<hbm>>) dst(%arg10 : memref<128x128xf32, #tpu.memory_space<vmem>>)
      "tpu.region"() ({
        %run_scoped3A = tpu.sem_alloc : memref<!tpu.dma_semaphore, #tpu.memory_space<semaphore_mem>>
        %dma_start3A_99 = arith.constant 0 : i32
        %dma_start3A_100 = tpu.memref_slice %arg8[%add3A_69, %dma_start3A_99] : memref<40x128xi32, #tpu.memory_space<vmem>> -> memref<1x128xi32, #tpu.memory_space<vmem>>
        %dma_start3A_101 = tpu.memref_squeeze %dma_start3A_100 : memref<1x128xi32, #tpu.memory_space<vmem>> -> memref<128xi32, #tpu.memory_space<vmem>>
        %dma_start3A_102 = arith.constant 0 : i32
        %dma_start3A_103 = arith.constant 0 : i32
        %dma_start3A_104 = tpu.memref_slice %arg11[%dma_start3A_102, %dma_start3A_103] : memref<10112x128xf32, #tpu.memory_space<vmem_shared>> -> memref<10112x128xf32, #tpu.memory_space<vmem_shared>>
        tpu.enqueue_indirect_dma source(%arg10 : memref<128x128xf32, #tpu.memory_space<vmem>>) target(%dma_start3A_104 : memref<10112x128xf32, #tpu.memory_space<vmem_shared>>) offsets(%dma_start3A_101 : memref<128xi32, #tpu.memory_space<vmem>>) semaphore(%run_scoped3A : memref<!tpu.dma_semaphore, #tpu.memory_space<semaphore_mem>>) {add = true}
        %dma_wait3A_105 = arith.constant 0 : i32
        %dma_wait3A_106 = tpu.memref_slice %arg8[%add3A_69, %dma_wait3A_105] : memref<40x128xi32, #tpu.memory_space<vmem>> -> memref<1x128xi32, #tpu.memory_space<vmem>>
        %dma_wait3A_107 = tpu.memref_squeeze %dma_wait3A_106 : memref<1x128xi32, #tpu.memory_space<vmem>> -> memref<128xi32, #tpu.memory_space<vmem>>
        %dma_wait3A_108 = arith.constant 0 : i32
        %dma_wait3A_109 = arith.constant 0 : i32
        %dma_wait3A_110 = tpu.memref_slice %arg11[%dma_wait3A_108, %dma_wait3A_109] : memref<10112x128xf32, #tpu.memory_space<vmem_shared>> -> memref<10112x128xf32, #tpu.memory_space<vmem_shared>>
        tpu.wait_indirect_dma semaphore(%run_scoped3A : memref<!tpu.dma_semaphore, #tpu.memory_space<semaphore_mem>>) src(%arg10 : memref<128x128xf32, #tpu.memory_space<vmem>>) dst(%dma_wait3A_110 : memref<10112x128xf32, #tpu.memory_space<vmem_shared>>)
        tpu.yield
      }) : () -> ()
    }
    %scan3A_50 = arith.constant 20 : i32
    %dma_wait3A_51 = arith.constant 0 : i32
    %dma_wait3A_52 = arith.constant 0 : i32
    %dma_wait3A_53 = tpu.memref_slice %arg7[%dma_wait3A_51, %dma_wait3A_52] : memref<40x128xi32, #tpu.memory_space<vmem>> -> memref<1x128xi32, #tpu.memory_space<vmem>>
    %dma_wait3A_54 = tpu.memref_squeeze %dma_wait3A_53 : memref<1x128xi32, #tpu.memory_space<vmem>> -> memref<128xi32, #tpu.memory_space<vmem>>
    %dma_wait3A_55 = arith.constant 0 : i32
    %dma_wait3A_56 = arith.constant 0 : i32
    %dma_wait3A_57 = tpu.memref_slice %arg4[%dma_wait3A_55, %dma_wait3A_56] : memref<10000x128xf32, #tpu.memory_space<hbm>> -> memref<10000x128xf32, #tpu.memory_space<hbm>>
    tpu.wait_indirect_dma semaphore(%arg12 : memref<!tpu.dma_semaphore, #tpu.memory_space<semaphore_mem>>) src(%dma_wait3A_57 : memref<10000x128xf32, #tpu.memory_space<hbm>>) dst(%arg9 : memref<128x128xf32, #tpu.memory_space<vmem>>)
    %barrier3A_58 = arith.constant 0 : index
    tpu.barrier barrier_id(%barrier3A_58)
    %mul3A_59 = arith.constant 632 : i32
    %mul3A_60 = arith.muli %arg1, %mul3A_59 : i32
    %mul3A_61 = arith.constant 632 : i32
    %mul3A_62 = arith.muli %arg1, %mul3A_61 : i32
    "tpu.region"() ({
      %run_scoped3A = tpu.sem_alloc : memref<!tpu.dma_semaphore, #tpu.memory_space<semaphore_mem>>
      %dma_start3A_63 = arith.constant 0 : i32
      %dma_start3A_64 = tpu.memref_slice %arg6[%arg0, %mul3A_62, %dma_start3A_63] : memref<2x10112x128xf32, #tpu.memory_space<hbm>> -> memref<1x632x128xf32, #tpu.memory_space<hbm>>
      %dma_start3A_65 = tpu.memref_squeeze %dma_start3A_64 : memref<1x632x128xf32, #tpu.memory_space<hbm>> -> memref<632x128xf32, #tpu.memory_space<hbm>>
      %dma_start3A_66 = arith.constant 0 : i32
      %dma_start3A_67 = tpu.memref_slice %arg11[%mul3A_60, %dma_start3A_66] : memref<10112x128xf32, #tpu.memory_space<vmem_shared>> -> memref<632x128xf32, #tpu.memory_space<vmem_shared>>
      tpu.enqueue_dma source(%dma_start3A_67 : memref<632x128xf32, #tpu.memory_space<vmem_shared>>) target(%dma_start3A_65 : memref<632x128xf32, #tpu.memory_space<hbm>>) target_semaphore(%run_scoped3A : memref<!tpu.dma_semaphore, #tpu.memory_space<semaphore_mem>>)
      %dma_wait3A_68 = arith.constant 0 : i32
      %dma_wait3A_69 = tpu.memref_slice %arg6[%arg0, %mul3A_62, %dma_wait3A_68] : memref<2x10112x128xf32, #tpu.memory_space<hbm>> -> memref<1x632x128xf32, #tpu.memory_space<hbm>>
      %dma_wait3A_70 = tpu.memref_squeeze %dma_wait3A_69 : memref<1x632x128xf32, #tpu.memory_space<hbm>> -> memref<632x128xf32, #tpu.memory_space<hbm>>
      %dma_wait3A_71 = arith.constant 0 : i32
      %dma_wait3A_72 = tpu.memref_slice %arg11[%mul3A_60, %dma_wait3A_71] : memref<10112x128xf32, #tpu.memory_space<vmem_shared>> -> memref<632x128xf32, #tpu.memory_space<vmem_shared>>
      tpu.wait_dma2 semaphore(%run_scoped3A : memref<!tpu.dma_semaphore, #tpu.memory_space<semaphore_mem>>) src(%dma_wait3A_72 : memref<632x128xf32, #tpu.memory_space<vmem_shared>>) dst(%dma_wait3A_70 : memref<632x128xf32, #tpu.memory_space<hbm>>)
      tpu.yield
    }) : () -> ()
    return
  }
}

module attributes {stable_mosaic.version = 14 : i64} {
  func.func @_tc1a_body(%arg0: i32, %arg1: memref<400x128xf32, #tpu.memory_space<vmem>>, %arg2: memref<128x128xf32, #tpu.memory_space<vmem>>, %arg3: memref<1x128xf32, #tpu.memory_space<vmem>>, %arg4: memref<400x128xf32, #tpu.memory_space<vmem>>) attributes {dimension_semantics = [#tpu.dimension_semantics<arbitrary>], iteration_bounds = array<i64: 25>, scalar_prefetch = 0 : i64, scratch_operands = 0 : i64, tpu.core_type = #tpu.core_type<tc>, window_params = [{transform_indices = @transform_0, window_bounds = array<i64: 400, 128>}, {pipeline_mode = #tpu.pipeline_mode<synchronous>, transform_indices = @transform_1, window_bounds = array<i64: 128, 128>}, {pipeline_mode = #tpu.pipeline_mode<synchronous>, transform_indices = @transform_2, window_bounds = array<i64: 1, 128>}, {transform_indices = @transform_3, window_bounds = array<i64: 400, 128>}]} {
    %get3A = arith.constant 0 : index
    %get3A_0 = arith.constant 0 : index
    %get3A_1 = vector.load %arg1[%get3A, %get3A_0] : memref<400x128xf32, #tpu.memory_space<vmem>>, vector<400x128xf32>
    %get3A_2 = arith.constant 0 : index
    %get3A_3 = arith.constant 0 : index
    %get3A_4 = vector.load %arg2[%get3A_2, %get3A_3] : memref<128x128xf32, #tpu.memory_space<vmem>>, vector<128x128xf32>
    %dot_general3A = arith.constant dense<0.000000e+00> : vector<400x128xf32>
    %dot_general3A_5 = tpu.matmul %get3A_1, %get3A_4, %dot_general3A {dimension_numbers = #tpu.dot_dimension_numbers<[1], [0], [0], [1], [0, 0, 1, 1], [], []>, transpose_lhs_hint = false} : vector<400x128xf32>, vector<128x128xf32>, vector<400x128xf32> -> vector<400x128xf32>
    %get3A_6 = arith.constant 0 : index
    %get3A_7 = arith.constant 0 : index
    %get3A_8 = vector.load %arg3[%get3A_6, %get3A_7] : memref<1x128xf32, #tpu.memory_space<vmem>>, vector<1x128xf32>
    %add3A = vector.broadcast %get3A_8 : vector<1x128xf32> to vector<400x128xf32>
    %add3A_9 = arith.addf %dot_general3A_5, %add3A : vector<400x128xf32>
    %swap3A = arith.constant 0 : index
    %swap3A_10 = arith.constant 0 : index
    %swap3A_11 = vector.load %arg4[%swap3A, %swap3A_10] : memref<400x128xf32, #tpu.memory_space<vmem>>, vector<400x128xf32>
    tpu.vector_store %arg4[%swap3A, %swap3A_10], %add3A_9 {strides = array<i32>} : memref<400x128xf32, #tpu.memory_space<vmem>>, vector<400x128xf32>,
    return
  }
  func.func @transform_0(%arg0: i32) -> (i32, i32) {
    %c0_i32 = arith.constant 0 : i32
    %c0_i32_0 = arith.constant 0 : i32
    return %arg0, %c0_i32 : i32, i32
  }
  func.func @transform_1(%arg0: i32) -> (i32, i32) {
    %c0_i32 = arith.constant 0 : i32
    %c0_i32_0 = arith.constant 0 : i32
    %c0_i32_1 = arith.constant 0 : i32
    return %c0_i32, %c0_i32_0 : i32, i32
  }
  func.func @transform_2(%arg0: i32) -> (i32, i32) {
    %c0_i32 = arith.constant 0 : i32
    %c0_i32_0 = arith.constant 0 : i32
    %c0_i32_1 = arith.constant 0 : i32
    return %c0_i32, %c0_i32_0 : i32, i32
  }
  func.func @transform_3(%arg0: i32) -> (i32, i32) {
    %c0_i32 = arith.constant 0 : i32
    %c0_i32_0 = arith.constant 0 : i32
    return %arg0, %c0_i32 : i32, i32
  }
}

module attributes {stable_mosaic.version = 14 : i64} {
  func.func @_tc1b_body(%arg0: i32, %arg1: memref<2x400x128xf32, #tpu.memory_space<vmem>>, %arg2: memref<400x128xf32, #tpu.memory_space<vmem>>, %arg3: memref<400x1xf32, #tpu.memory_space<vmem>>, %arg4: memref<400x128xf32, #tpu.memory_space<vmem>>) attributes {dimension_semantics = [#tpu.dimension_semantics<arbitrary>], iteration_bounds = array<i64: 25>, scalar_prefetch = 0 : i64, scratch_operands = 0 : i64, tpu.core_type = #tpu.core_type<tc>, window_params = [{transform_indices = @transform_0, window_bounds = array<i64: 2, 400, 128>}, {transform_indices = @transform_1, window_bounds = array<i64: 400, 128>}, {transform_indices = @transform_2, window_bounds = array<i64: 400, 1>}, {transform_indices = @transform_3, window_bounds = array<i64: 400, 128>}]} {
    %get3A = arith.constant 0 : index
    %get3A_0 = arith.constant 0 : index
    %get3A_1 = arith.constant 0 : index
    %get3A_2 = vector.load %arg1[%get3A, %get3A_0, %get3A_1] : memref<2x400x128xf32, #tpu.memory_space<vmem>>, vector<2x400x128xf32>
    %slice3A = vector.extract_strided_slice %get3A_2 {offsets = [0, 0, 0], sizes = [1, 400, 1], strides = [1, 1, 1]} : vector<2x400x128xf32> to vector<1x400x1xf32>
    %squeeze3A = vector.shape_cast %slice3A : vector<1x400x1xf32> to vector<400x1xf32>
    %add3A = arith.constant 1.000000e+00 : f32
    %add3A_3 = vector.broadcast %add3A : f32 to vector<400x1xf32>
    %add3A_4 = arith.addf %add3A_3, %squeeze3A : vector<400x1xf32>
    %slice3A_5 = vector.extract_strided_slice %get3A_2 {offsets = [1, 0, 0], sizes = [1, 400, 1], strides = [1, 1, 1]} : vector<2x400x128xf32> to vector<1x400x1xf32>
    %squeeze3A_6 = vector.shape_cast %slice3A_5 : vector<1x400x1xf32> to vector<400x1xf32>
    %add3A_7 = arith.addf %add3A_4, %squeeze3A_6 : vector<400x1xf32>
    %rsqrt3A = math.rsqrt %add3A_7 : vector<400x1xf32>
    %swap3A = arith.constant 0 : index
    %swap3A_8 = arith.constant 0 : index
    %swap3A_9 = vector.load %arg3[%swap3A, %swap3A_8] : memref<400x1xf32, #tpu.memory_space<vmem>>, vector<400x1xf32>
    tpu.vector_store %arg3[%swap3A, %swap3A_8], %rsqrt3A {strides = array<i32>} : memref<400x1xf32, #tpu.memory_space<vmem>>, vector<400x1xf32>,
    %get3A_10 = arith.constant 0 : index
    %get3A_11 = arith.constant 0 : index
    %get3A_12 = vector.load %arg2[%get3A_10, %get3A_11] : memref<400x128xf32, #tpu.memory_space<vmem>>, vector<400x128xf32>
    %mul3A = vector.broadcast %rsqrt3A : vector<400x1xf32> to vector<400x128xf32>
    %mul3A_13 = arith.mulf %mul3A, %get3A_12 : vector<400x128xf32>
    %swap3A_14 = arith.constant 0 : index
    %swap3A_15 = arith.constant 0 : index
    %swap3A_16 = vector.load %arg4[%swap3A_14, %swap3A_15] : memref<400x128xf32, #tpu.memory_space<vmem>>, vector<400x128xf32>
    tpu.vector_store %arg4[%swap3A_14, %swap3A_15], %mul3A_13 {strides = array<i32>} : memref<400x128xf32, #tpu.memory_space<vmem>>, vector<400x128xf32>,
    return
  }
  func.func @transform_0(%arg0: i32) -> (i32, i32, i32) {
    %c0_i32 = arith.constant 0 : i32
    %c0_i32_0 = arith.constant 0 : i32
    %c0_i32_1 = arith.constant 0 : i32
    return %c0_i32, %arg0, %c0_i32_0 : i32, i32, i32
  }
  func.func @transform_1(%arg0: i32) -> (i32, i32) {
    %c0_i32 = arith.constant 0 : i32
    %c0_i32_0 = arith.constant 0 : i32
    return %arg0, %c0_i32 : i32, i32
  }
  func.func @transform_2(%arg0: i32) -> (i32, i32) {
    %c0_i32 = arith.constant 0 : i32
    %c0_i32_0 = arith.constant 0 : i32
    return %arg0, %c0_i32 : i32, i32
  }
  func.func @transform_3(%arg0: i32) -> (i32, i32) {
    %c0_i32 = arith.constant 0 : i32
    %c0_i32_0 = arith.constant 0 : i32
    return %arg0, %c0_i32 : i32, i32
  }
}

module attributes {stable_mosaic.version = 14 : i64} {
  func.func @_mid_body(%arg0: i32, %arg1: memref<2x400x128xf32, #tpu.memory_space<vmem>>, %arg2: memref<400x128xf32, #tpu.memory_space<vmem>>, %arg3: memref<400x1xf32, #tpu.memory_space<vmem>>, %arg4: memref<1x128xf32, #tpu.memory_space<vmem>>, %arg5: memref<1x128xf32, #tpu.memory_space<vmem>>, %arg6: memref<128x128xf32, #tpu.memory_space<vmem>>, %arg7: memref<1x128xf32, #tpu.memory_space<vmem>>, %arg8: memref<400x128xf32, #tpu.memory_space<vmem>>) attributes {dimension_semantics = [#tpu.dimension_semantics<arbitrary>], iteration_bounds = array<i64: 25>, scalar_prefetch = 0 : i64, scratch_operands = 0 : i64, tpu.core_type = #tpu.core_type<tc>, window_params = [{transform_indices = @transform_0, window_bounds = array<i64: 2, 400, 128>}, {transform_indices = @transform_1, window_bounds = array<i64: 400, 128>}, {transform_indices = @transform_2, window_bounds = array<i64: 400, 1>}, {pipeline_mode = #tpu.pipeline_mode<synchronous>, transform_indices = @transform_3, window_bounds = array<i64: 1, 128>}, {pipeline_mode = #tpu.pipeline_mode<synchronous>, transform_indices = @transform_4, window_bounds = array<i64: 1, 128>}, {pipeline_mode = #tpu.pipeline_mode<synchronous>, transform_indices = @transform_5, window_bounds = array<i64: 128, 128>}, {pipeline_mode = #tpu.pipeline_mode<synchronous>, transform_indices = @transform_6, window_bounds = array<i64: 1, 128>}, {transform_indices = @transform_7, window_bounds = array<i64: 400, 128>}]} {
    %get3A = arith.constant 0 : index
    %get3A_0 = arith.constant 0 : index
    %get3A_1 = arith.constant 0 : index
    %get3A_2 = vector.load %arg1[%get3A, %get3A_0, %get3A_1] : memref<2x400x128xf32, #tpu.memory_space<vmem>>, vector<2x400x128xf32>
    %get3A_3 = arith.constant 0 : index
    %get3A_4 = arith.constant 0 : index
    %get3A_5 = vector.load %arg3[%get3A_3, %get3A_4] : memref<400x1xf32, #tpu.memory_space<vmem>>, vector<400x1xf32>
    %slice3A = vector.extract_strided_slice %get3A_2 {offsets = [0, 0, 0], sizes = [1, 400, 128], strides = [1, 1, 1]} : vector<2x400x128xf32> to vector<1x400x128xf32>
    %squeeze3A = vector.shape_cast %slice3A : vector<1x400x128xf32> to vector<400x128xf32>
    %slice3A_6 = vector.extract_strided_slice %get3A_2 {offsets = [1, 0, 0], sizes = [1, 400, 128], strides = [1, 1, 1]} : vector<2x400x128xf32> to vector<1x400x128xf32>
    %squeeze3A_7 = vector.shape_cast %slice3A_6 : vector<1x400x128xf32> to vector<400x128xf32>
    %add3A = arith.addf %squeeze3A, %squeeze3A_7 : vector<400x128xf32>
    %get3A_8 = arith.constant 0 : index
    %get3A_9 = arith.constant 0 : index
    %get3A_10 = vector.load %arg2[%get3A_8, %get3A_9] : memref<400x128xf32, #tpu.memory_space<vmem>>, vector<400x128xf32>
    %add3A_11 = arith.addf %add3A, %get3A_10 : vector<400x128xf32>
    %mul3A = vector.broadcast %get3A_5 : vector<400x1xf32> to vector<400x128xf32>
    %mul3A_12 = arith.mulf %add3A_11, %mul3A : vector<400x128xf32>
    %sqrt3A = arith.constant 1.000010e+00 : f32
    %sqrt3A_13 = math.sqrt %sqrt3A : f32
    %div3A = vector.broadcast %sqrt3A_13 : f32 to vector<400x128xf32>
    %div3A_14 = arith.divf %mul3A_12, %div3A : vector<400x128xf32>
    %get3A_15 = arith.constant 0 : index
    %get3A_16 = arith.constant 0 : index
    %get3A_17 = vector.load %arg4[%get3A_15, %get3A_16] : memref<1x128xf32, #tpu.memory_space<vmem>>, vector<1x128xf32>
    %mul3A_18 = vector.broadcast %get3A_17 : vector<1x128xf32> to vector<400x128xf32>
    %mul3A_19 = arith.mulf %div3A_14, %mul3A_18 : vector<400x128xf32>
    %get3A_20 = arith.constant 0 : index
    %get3A_21 = arith.constant 0 : index
    %get3A_22 = vector.load %arg5[%get3A_20, %get3A_21] : memref<1x128xf32, #tpu.memory_space<vmem>>, vector<1x128xf32>
    %add3A_23 = vector.broadcast %get3A_22 : vector<1x128xf32> to vector<400x128xf32>
    %add3A_24 = arith.addf %mul3A_19, %add3A_23 : vector<400x128xf32>
    %ge3A = arith.constant 0.000000e+00 : f32
    %ge3A_25 = vector.broadcast %ge3A : f32 to vector<400x128xf32>
    %ge3A_26 = arith.cmpf oge, %add3A_24, %ge3A_25 : vector<400x128xf32>
    %mul3A_27 = arith.constant 0.00999999977 : f32
    %mul3A_28 = vector.broadcast %mul3A_27 : f32 to vector<400x128xf32>
    %mul3A_29 = arith.mulf %mul3A_28, %add3A_24 : vector<400x128xf32>
    %select_n3A = arith.select %ge3A_26, %add3A_24, %mul3A_29 : vector<400x128xi1>, vector<400x128xf32>
    %get3A_30 = arith.constant 0 : index
    %get3A_31 = arith.constant 0 : index
    %get3A_32 = vector.load %arg6[%get3A_30, %get3A_31] : memref<128x128xf32, #tpu.memory_space<vmem>>, vector<128x128xf32>
    %dot_general3A = arith.constant dense<0.000000e+00> : vector<400x128xf32>
    %dot_general3A_33 = tpu.matmul %select_n3A, %get3A_32, %dot_general3A {dimension_numbers = #tpu.dot_dimension_numbers<[1], [0], [0], [1], [0, 0, 1, 1], [], []>, transpose_lhs_hint = false} : vector<400x128xf32>, vector<128x128xf32>, vector<400x128xf32> -> vector<400x128xf32>
    %get3A_34 = arith.constant 0 : index
    %get3A_35 = arith.constant 0 : index
    %get3A_36 = vector.load %arg7[%get3A_34, %get3A_35] : memref<1x128xf32, #tpu.memory_space<vmem>>, vector<1x128xf32>
    %add3A_37 = vector.broadcast %get3A_36 : vector<1x128xf32> to vector<400x128xf32>
    %add3A_38 = arith.addf %dot_general3A_33, %add3A_37 : vector<400x128xf32>
    %mul3A_39 = vector.broadcast %get3A_5 : vector<400x1xf32> to vector<400x128xf32>
    %mul3A_40 = arith.mulf %mul3A_39, %add3A_38 : vector<400x128xf32>
    %swap3A = arith.constant 0 : index
    %swap3A_41 = arith.constant 0 : index
    %swap3A_42 = vector.load %arg8[%swap3A, %swap3A_41] : memref<400x128xf32, #tpu.memory_space<vmem>>, vector<400x128xf32>
    tpu.vector_store %arg8[%swap3A, %swap3A_41], %mul3A_40 {strides = array<i32>} : memref<400x128xf32, #tpu.memory_space<vmem>>, vector<400x128xf32>,
    return
  }
  func.func @transform_0(%arg0: i32) -> (i32, i32, i32) {
    %c0_i32 = arith.constant 0 : i32
    %c0_i32_0 = arith.constant 0 : i32
    %c0_i32_1 = arith.constant 0 : i32
    return %c0_i32, %arg0, %c0_i32_0 : i32, i32, i32
  }
  func.func @transform_1(%arg0: i32) -> (i32, i32) {
    %c0_i32 = arith.constant 0 : i32
    %c0_i32_0 = arith.constant 0 : i32
    return %arg0, %c0_i32 : i32, i32
  }
  func.func @transform_2(%arg0: i32) -> (i32, i32) {
    %c0_i32 = arith.constant 0 : i32
    %c0_i32_0 = arith.constant 0 : i32
    return %arg0, %c0_i32 : i32, i32
  }
  func.func @transform_3(%arg0: i32) -> (i32, i32) {
    %c0_i32 = arith.constant 0 : i32
    %c0_i32_0 = arith.constant 0 : i32
    %c0_i32_1 = arith.constant 0 : i32
    return %c0_i32, %c0_i32_0 : i32, i32
  }
  func.func @transform_4(%arg0: i32) -> (i32, i32) {
    %c0_i32 = arith.constant 0 : i32
    %c0_i32_0 = arith.constant 0 : i32
    %c0_i32_1 = arith.constant 0 : i32
    return %c0_i32, %c0_i32_0 : i32, i32
  }
  func.func @transform_5(%arg0: i32) -> (i32, i32) {
    %c0_i32 = arith.constant 0 : i32
    %c0_i32_0 = arith.constant 0 : i32
    %c0_i32_1 = arith.constant 0 : i32
    return %c0_i32, %c0_i32_0 : i32, i32
  }
  func.func @transform_6(%arg0: i32) -> (i32, i32) {
    %c0_i32 = arith.constant 0 : i32
    %c0_i32_0 = arith.constant 0 : i32
    %c0_i32_1 = arith.constant 0 : i32
    return %c0_i32, %c0_i32_0 : i32, i32
  }
  func.func @transform_7(%arg0: i32) -> (i32, i32) {
    %c0_i32 = arith.constant 0 : i32
    %c0_i32_0 = arith.constant 0 : i32
    return %arg0, %c0_i32 : i32, i32
  }
}

module attributes {stable_mosaic.version = 14 : i64} {
  func.func @_pool_body(%arg0: i32, %arg1: memref<2x200x128xf32, #tpu.memory_space<vmem>>, %arg2: memref<200x128xf32, #tpu.memory_space<vmem>>, %arg3: memref<200x1xf32, #tpu.memory_space<vmem>>, %arg4: memref<200x1xi32, #tpu.memory_space<vmem>>, %arg5: memref<1x64xf32, #tpu.memory_space<vmem>>, %arg6: memref<1x64xf32, #tpu.memory_space<vmem>>, %arg7: memref<64x1xf32, #tpu.memory_space<vmem>>, %arg8: memref<1x1xf32, #tpu.memory_space<vmem>>, %arg9: memref<64x1xf32, #tpu.memory_space<vmem>>, %arg10: memref<64x64xf32, #tpu.memory_space<vmem>>) attributes {dimension_semantics = [#tpu.dimension_semantics<arbitrary>], iteration_bounds = array<i64: 50>, scalar_prefetch = 0 : i64, scratch_operands = 1 : i64, tpu.core_type = #tpu.core_type<tc>, window_params = [{transform_indices = @transform_0, window_bounds = array<i64: 2, 200, 128>}, {transform_indices = @transform_1, window_bounds = array<i64: 200, 128>}, {transform_indices = @transform_2, window_bounds = array<i64: 200, 1>}, {transform_indices = @transform_3, window_bounds = array<i64: 200, 1>}, {pipeline_mode = #tpu.pipeline_mode<synchronous>, transform_indices = @transform_4, window_bounds = array<i64: 1, 64>}, {pipeline_mode = #tpu.pipeline_mode<synchronous>, transform_indices = @transform_5, window_bounds = array<i64: 1, 64>}, {pipeline_mode = #tpu.pipeline_mode<synchronous>, transform_indices = @transform_6, window_bounds = array<i64: 64, 1>}, {pipeline_mode = #tpu.pipeline_mode<synchronous>, transform_indices = @transform_7, window_bounds = array<i64: 1, 1>}, {pipeline_mode = #tpu.pipeline_mode<synchronous>, transform_indices = @transform_8, window_bounds = array<i64: 64, 1>}]} {
    %eq3A = arith.constant 0 : i32
    %eq3A_0 = arith.cmpi eq, %arg0, %eq3A : i32
    %convert_element_type3A = arith.extui %eq3A_0 : i1 to i32
    %cond3A = arith.constant 0 : i32
    %cond3A_1 = arith.cmpi ne, %convert_element_type3A, %cond3A : i32
    scf.if %cond3A_1 {
      %broadcast_in_dim3A_746 = arith.constant 0xFF800000 : f32
      %broadcast_in_dim3A_747 = vector.broadcast %broadcast_in_dim3A_746 : f32 to vector<64x64xf32>
      %swap3A_748 = arith.constant 0 : index
      %swap3A_749 = arith.constant 0 : index
      %swap3A_750 = vector.load %arg10[%swap3A_748, %swap3A_749] : memref<64x64xf32, #tpu.memory_space<vmem>>, vector<64x64xf32>
      tpu.vector_store %arg10[%swap3A_748, %swap3A_749], %broadcast_in_dim3A_747 {strides = array<i32>} : memref<64x64xf32, #tpu.memory_space<vmem>>, vector<64x64xf32>,
    } else {
    }
    %get3A = arith.constant 0 : index
    %get3A_2 = arith.constant 0 : index
    %get3A_3 = arith.constant 0 : index
    %get3A_4 = vector.load %arg1[%get3A, %get3A_2, %get3A_3] : memref<2x200x128xf32, #tpu.memory_space<vmem>>, vector<2x200x128xf32>
    %slice3A = vector.extract_strided_slice %get3A_4 {offsets = [0, 0, 0], sizes = [1, 200, 64], strides = [1, 1, 1]} : vector<2x200x128xf32> to vector<1x200x64xf32>
    %squeeze3A = vector.shape_cast %slice3A : vector<1x200x64xf32> to vector<200x64xf32>
    %slice3A_5 = vector.extract_strided_slice %get3A_4 {offsets = [1, 0, 0], sizes = [1, 200, 64], strides = [1, 1, 1]} : vector<2x200x128xf32> to vector<1x200x64xf32>
    %squeeze3A_6 = vector.shape_cast %slice3A_5 : vector<1x200x64xf32> to vector<200x64xf32>
    %add3A = arith.addf %squeeze3A, %squeeze3A_6 : vector<200x64xf32>
    %get3A_7 = arith.constant 0 : index
    %get3A_8 = arith.constant 0 : index
    %get3A_9 = vector.load %arg2[%get3A_7, %get3A_8] : memref<200x128xf32, #tpu.memory_space<vmem>>, vector<200x64xf32>
    %add3A_10 = arith.addf %add3A, %get3A_9 : vector<200x64xf32>
    %get3A_11 = arith.constant 0 : index
    %get3A_12 = arith.constant 0 : index
    %get3A_13 = vector.load %arg3[%get3A_11, %get3A_12] : memref<200x1xf32, #tpu.memory_space<vmem>>, vector<200x1xf32>
    %mul3A = vector.broadcast %get3A_13 : vector<200x1xf32> to vector<200x64xf32>
    %mul3A_14 = arith.mulf %add3A_10, %mul3A : vector<200x64xf32>
    %sqrt3A = arith.constant 1.000010e+00 : f32
    %sqrt3A_15 = math.sqrt %sqrt3A : f32
    %div3A = vector.broadcast %sqrt3A_15 : f32 to vector<200x64xf32>
    %div3A_16 = arith.divf %mul3A_14, %div3A : vector<200x64xf32>
    %get3A_17 = arith.constant 0 : index
    %get3A_18 = arith.constant 0 : index
    %get3A_19 = vector.load %arg5[%get3A_17, %get3A_18] : memref<1x64xf32, #tpu.memory_space<vmem>>, vector<1x64xf32>
    %mul3A_20 = vector.broadcast %get3A_19 : vector<1x64xf32> to vector<200x64xf32>
    %mul3A_21 = arith.mulf %div3A_16, %mul3A_20 : vector<200x64xf32>
    %get3A_22 = arith.constant 0 : index
    %get3A_23 = arith.constant 0 : index
    %get3A_24 = vector.load %arg6[%get3A_22, %get3A_23] : memref<1x64xf32, #tpu.memory_space<vmem>>, vector<1x64xf32>
    %add3A_25 = vector.broadcast %get3A_24 : vector<1x64xf32> to vector<200x64xf32>
    %add3A_26 = arith.addf %mul3A_21, %add3A_25 : vector<200x64xf32>
    %ge3A = arith.constant 0.000000e+00 : f32
    %ge3A_27 = vector.broadcast %ge3A : f32 to vector<200x64xf32>
    %ge3A_28 = arith.cmpf oge, %add3A_26, %ge3A_27 : vector<200x64xf32>
    %mul3A_29 = arith.constant 0.00999999977 : f32
    %mul3A_30 = vector.broadcast %mul3A_29 : f32 to vector<200x64xf32>
    %mul3A_31 = arith.mulf %mul3A_30, %add3A_26 : vector<200x64xf32>
    %select_n3A = arith.select %ge3A_28, %add3A_26, %mul3A_31 : vector<200x64xi1>, vector<200x64xf32>
    %get3A_32 = arith.constant 0 : index
    %get3A_33 = arith.constant 0 : index
    %get3A_34 = vector.load %arg4[%get3A_32, %get3A_33] : memref<200x1xi32, #tpu.memory_space<vmem>>, vector<200x1xi32>
    %eq3A_35 = arith.constant 0 : i32
    %eq3A_36 = vector.broadcast %eq3A_35 : i32 to vector<200x1xi32>
    %eq3A_37 = arith.cmpi eq, %get3A_34, %eq3A_36 : vector<200x1xi32>
    %jit3A = arith.constant 0xFF800000 : f32
    %broadcast_in_dim3A = vector.shape_cast %eq3A_37 : vector<200x1xi1> to vector<200x1xi1>
    %broadcast_in_dim3A_38 = vector.broadcast %broadcast_in_dim3A : vector<200x1xi1> to vector<200x64xi1>
    %broadcast_in_dim3A_39 = vector.broadcast %jit3A : f32 to vector<200x64xf32>
    %select_n3A_40 = arith.select %broadcast_in_dim3A_38, %select_n3A, %broadcast_in_dim3A_39 : vector<200x64xi1>, vector<200x64xf32>
    %reduce_max3A = arith.constant dense<0xFF800000> : vector<64xf32>
    %reduce_max3A_41 = vector.multi_reduction <maximumf>, %select_n3A_40, %reduce_max3A [0] : vector<200x64xf32> to vector<64xf32>
    %broadcast_in_dim3A_42 = vector.shape_cast %reduce_max3A_41 : vector<64xf32> to vector<1x64xf32>
    %eq3A_43 = arith.constant 1 : i32
    %eq3A_44 = vector.broadcast %eq3A_43 : i32 to vector<200x1xi32>
    %eq3A_45 = arith.cmpi eq, %get3A_34, %eq3A_44 : vector<200x1xi32>
    %jit3A_46 = arith.constant 0xFF800000 : f32
    %broadcast_in_dim3A_47 = vector.shape_cast %eq3A_45 : vector<200x1xi1> to vector<200x1xi1>
    %broadcast_in_dim3A_48 = vector.broadcast %broadcast_in_dim3A_47 : vector<200x1xi1> to vector<200x64xi1>
    %broadcast_in_dim3A_49 = vector.broadcast %jit3A_46 : f32 to vector<200x64xf32>
    %select_n3A_50 = arith.select %broadcast_in_dim3A_48, %select_n3A, %broadcast_in_dim3A_49 : vector<200x64xi1>, vector<200x64xf32>
    %reduce_max3A_51 = arith.constant dense<0xFF800000> : vector<64xf32>
    %reduce_max3A_52 = vector.multi_reduction <maximumf>, %select_n3A_50, %reduce_max3A_51 [0] : vector<200x64xf32> to vector<64xf32>
    %broadcast_in_dim3A_53 = vector.shape_cast %reduce_max3A_52 : vector<64xf32> to vector<1x64xf32>
    %eq3A_54 = arith.constant 2 : i32
    %eq3A_55 = vector.broadcast %eq3A_54 : i32 to vector<200x1xi32>
    %eq3A_56 = arith.cmpi eq, %get3A_34, %eq3A_55 : vector<200x1xi32>
    %jit3A_57 = arith.constant 0xFF800000 : f32
    %broadcast_in_dim3A_58 = vector.shape_cast %eq3A_56 : vector<200x1xi1> to vector<200x1xi1>
    %broadcast_in_dim3A_59 = vector.broadcast %broadcast_in_dim3A_58 : vector<200x1xi1> to vector<200x64xi1>
    %broadcast_in_dim3A_60 = vector.broadcast %jit3A_57 : f32 to vector<200x64xf32>
    %select_n3A_61 = arith.select %broadcast_in_dim3A_59, %select_n3A, %broadcast_in_dim3A_60 : vector<200x64xi1>, vector<200x64xf32>
    %reduce_max3A_62 = arith.constant dense<0xFF800000> : vector<64xf32>
    %reduce_max3A_63 = vector.multi_reduction <maximumf>, %select_n3A_61, %reduce_max3A_62 [0] : vector<200x64xf32> to vector<64xf32>
    %broadcast_in_dim3A_64 = vector.shape_cast %reduce_max3A_63 : vector<64xf32> to vector<1x64xf32>
    %eq3A_65 = arith.constant 3 : i32
    %eq3A_66 = vector.broadcast %eq3A_65 : i32 to vector<200x1xi32>
    %eq3A_67 = arith.cmpi eq, %get3A_34, %eq3A_66 : vector<200x1xi32>
    %jit3A_68 = arith.constant 0xFF800000 : f32
    %broadcast_in_dim3A_69 = vector.shape_cast %eq3A_67 : vector<200x1xi1> to vector<200x1xi1>
    %broadcast_in_dim3A_70 = vector.broadcast %broadcast_in_dim3A_69 : vector<200x1xi1> to vector<200x64xi1>
    %broadcast_in_dim3A_71 = vector.broadcast %jit3A_68 : f32 to vector<200x64xf32>
    %select_n3A_72 = arith.select %broadcast_in_dim3A_70, %select_n3A, %broadcast_in_dim3A_71 : vector<200x64xi1>, vector<200x64xf32>
    %reduce_max3A_73 = arith.constant dense<0xFF800000> : vector<64xf32>
    %reduce_max3A_74 = vector.multi_reduction <maximumf>, %select_n3A_72, %reduce_max3A_73 [0] : vector<200x64xf32> to vector<64xf32>
    %broadcast_in_dim3A_75 = vector.shape_cast %reduce_max3A_74 : vector<64xf32> to vector<1x64xf32>
    %eq3A_76 = arith.constant 4 : i32
    %eq3A_77 = vector.broadcast %eq3A_76 : i32 to vector<200x1xi32>
    %eq3A_78 = arith.cmpi eq, %get3A_34, %eq3A_77 : vector<200x1xi32>
    %jit3A_79 = arith.constant 0xFF800000 : f32
    %broadcast_in_dim3A_80 = vector.shape_cast %eq3A_78 : vector<200x1xi1> to vector<200x1xi1>
    %broadcast_in_dim3A_81 = vector.broadcast %broadcast_in_dim3A_80 : vector<200x1xi1> to vector<200x64xi1>
    %broadcast_in_dim3A_82 = vector.broadcast %jit3A_79 : f32 to vector<200x64xf32>
    %select_n3A_83 = arith.select %broadcast_in_dim3A_81, %select_n3A, %broadcast_in_dim3A_82 : vector<200x64xi1>, vector<200x64xf32>
    %reduce_max3A_84 = arith.constant dense<0xFF800000> : vector<64xf32>
    %reduce_max3A_85 = vector.multi_reduction <maximumf>, %select_n3A_83, %reduce_max3A_84 [0] : vector<200x64xf32> to vector<64xf32>
    %broadcast_in_dim3A_86 = vector.shape_cast %reduce_max3A_85 : vector<64xf32> to vector<1x64xf32>
    %eq3A_87 = arith.constant 5 : i32
    %eq3A_88 = vector.broadcast %eq3A_87 : i32 to vector<200x1xi32>
    %eq3A_89 = arith.cmpi eq, %get3A_34, %eq3A_88 : vector<200x1xi32>
    %jit3A_90 = arith.constant 0xFF800000 : f32
    %broadcast_in_dim3A_91 = vector.shape_cast %eq3A_89 : vector<200x1xi1> to vector<200x1xi1>
    %broadcast_in_dim3A_92 = vector.broadcast %broadcast_in_dim3A_91 : vector<200x1xi1> to vector<200x64xi1>
    %broadcast_in_dim3A_93 = vector.broadcast %jit3A_90 : f32 to vector<200x64xf32>
    %select_n3A_94 = arith.select %broadcast_in_dim3A_92, %select_n3A, %broadcast_in_dim3A_93 : vector<200x64xi1>, vector<200x64xf32>
    %reduce_max3A_95 = arith.constant dense<0xFF800000> : vector<64xf32>
    %reduce_max3A_96 = vector.multi_reduction <maximumf>, %select_n3A_94, %reduce_max3A_95 [0] : vector<200x64xf32> to vector<64xf32>
    %broadcast_in_dim3A_97 = vector.shape_cast %reduce_max3A_96 : vector<64xf32> to vector<1x64xf32>
    %eq3A_98 = arith.constant 6 : i32
    %eq3A_99 = vector.broadcast %eq3A_98 : i32 to vector<200x1xi32>
    %eq3A_100 = arith.cmpi eq, %get3A_34, %eq3A_99 : vector<200x1xi32>
    %jit3A_101 = arith.constant 0xFF800000 : f32
    %broadcast_in_dim3A_102 = vector.shape_cast %eq3A_100 : vector<200x1xi1> to vector<200x1xi1>
    %broadcast_in_dim3A_103 = vector.broadcast %broadcast_in_dim3A_102 : vector<200x1xi1> to vector<200x64xi1>
    %broadcast_in_dim3A_104 = vector.broadcast %jit3A_101 : f32 to vector<200x64xf32>
    %select_n3A_105 = arith.select %broadcast_in_dim3A_103, %select_n3A, %broadcast_in_dim3A_104 : vector<200x64xi1>, vector<200x64xf32>
    %reduce_max3A_106 = arith.constant dense<0xFF800000> : vector<64xf32>
    %reduce_max3A_107 = vector.multi_reduction <maximumf>, %select_n3A_105, %reduce_max3A_106 [0] : vector<200x64xf32> to vector<64xf32>
    %broadcast_in_dim3A_108 = vector.shape_cast %reduce_max3A_107 : vector<64xf32> to vector<1x64xf32>
    %eq3A_109 = arith.constant 7 : i32
    %eq3A_110 = vector.broadcast %eq3A_109 : i32 to vector<200x1xi32>
    %eq3A_111 = arith.cmpi eq, %get3A_34, %eq3A_110 : vector<200x1xi32>
    %jit3A_112 = arith.constant 0xFF800000 : f32
    %broadcast_in_dim3A_113 = vector.shape_cast %eq3A_111 : vector<200x1xi1> to vector<200x1xi1>
    %broadcast_in_dim3A_114 = vector.broadcast %broadcast_in_dim3A_113 : vector<200x1xi1> to vector<200x64xi1>
    %broadcast_in_dim3A_115 = vector.broadcast %jit3A_112 : f32 to vector<200x64xf32>
    %select_n3A_116 = arith.select %broadcast_in_dim3A_114, %select_n3A, %broadcast_in_dim3A_115 : vector<200x64xi1>, vector<200x64xf32>
    %reduce_max3A_117 = arith.constant dense<0xFF800000> : vector<64xf32>
    %reduce_max3A_118 = vector.multi_reduction <maximumf>, %select_n3A_116, %reduce_max3A_117 [0] : vector<200x64xf32> to vector<64xf32>
    %broadcast_in_dim3A_119 = vector.shape_cast %reduce_max3A_118 : vector<64xf32> to vector<1x64xf32>
    %eq3A_120 = arith.constant 8 : i32
    %eq3A_121 = vector.broadcast %eq3A_120 : i32 to vector<200x1xi32>
    %eq3A_122 = arith.cmpi eq, %get3A_34, %eq3A_121 : vector<200x1xi32>
    %jit3A_123 = arith.constant 0xFF800000 : f32
    %broadcast_in_dim3A_124 = vector.shape_cast %eq3A_122 : vector<200x1xi1> to vector<200x1xi1>
    %broadcast_in_dim3A_125 = vector.broadcast %broadcast_in_dim3A_124 : vector<200x1xi1> to vector<200x64xi1>
    %broadcast_in_dim3A_126 = vector.broadcast %jit3A_123 : f32 to vector<200x64xf32>
    %select_n3A_127 = arith.select %broadcast_in_dim3A_125, %select_n3A, %broadcast_in_dim3A_126 : vector<200x64xi1>, vector<200x64xf32>
    %reduce_max3A_128 = arith.constant dense<0xFF800000> : vector<64xf32>
    %reduce_max3A_129 = vector.multi_reduction <maximumf>, %select_n3A_127, %reduce_max3A_128 [0] : vector<200x64xf32> to vector<64xf32>
    %broadcast_in_dim3A_130 = vector.shape_cast %reduce_max3A_129 : vector<64xf32> to vector<1x64xf32>
    %eq3A_131 = arith.constant 9 : i32
    %eq3A_132 = vector.broadcast %eq3A_131 : i32 to vector<200x1xi32>
    %eq3A_133 = arith.cmpi eq, %get3A_34, %eq3A_132 : vector<200x1xi32>
    %jit3A_134 = arith.constant 0xFF800000 : f32
    %broadcast_in_dim3A_135 = vector.shape_cast %eq3A_133 : vector<200x1xi1> to vector<200x1xi1>
    %broadcast_in_dim3A_136 = vector.broadcast %broadcast_in_dim3A_135 : vector<200x1xi1> to vector<200x64xi1>
    %broadcast_in_dim3A_137 = vector.broadcast %jit3A_134 : f32 to vector<200x64xf32>
    %select_n3A_138 = arith.select %broadcast_in_dim3A_136, %select_n3A, %broadcast_in_dim3A_137 : vector<200x64xi1>, vector<200x64xf32>
    %reduce_max3A_139 = arith.constant dense<0xFF800000> : vector<64xf32>
    %reduce_max3A_140 = vector.multi_reduction <maximumf>, %select_n3A_138, %reduce_max3A_139 [0] : vector<200x64xf32> to vector<64xf32>
    %broadcast_in_dim3A_141 = vector.shape_cast %reduce_max3A_140 : vector<64xf32> to vector<1x64xf32>
    %eq3A_142 = arith.constant 10 : i32
    %eq3A_143 = vector.broadcast %eq3A_142 : i32 to vector<200x1xi32>
    %eq3A_144 = arith.cmpi eq, %get3A_34, %eq3A_143 : vector<200x1xi32>
    %jit3A_145 = arith.constant 0xFF800000 : f32
    %broadcast_in_dim3A_146 = vector.shape_cast %eq3A_144 : vector<200x1xi1> to vector<200x1xi1>
    %broadcast_in_dim3A_147 = vector.broadcast %broadcast_in_dim3A_146 : vector<200x1xi1> to vector<200x64xi1>
    %broadcast_in_dim3A_148 = vector.broadcast %jit3A_145 : f32 to vector<200x64xf32>
    %select_n3A_149 = arith.select %broadcast_in_dim3A_147, %select_n3A, %broadcast_in_dim3A_148 : vector<200x64xi1>, vector<200x64xf32>
    %reduce_max3A_150 = arith.constant dense<0xFF800000> : vector<64xf32>
    %reduce_max3A_151 = vector.multi_reduction <maximumf>, %select_n3A_149, %reduce_max3A_150 [0] : vector<200x64xf32> to vector<64xf32>
    %broadcast_in_dim3A_152 = vector.shape_cast %reduce_max3A_151 : vector<64xf32> to vector<1x64xf32>
    %eq3A_153 = arith.constant 11 : i32
    %eq3A_154 = vector.broadcast %eq3A_153 : i32 to vector<200x1xi32>
    %eq3A_155 = arith.cmpi eq, %get3A_34, %eq3A_154 : vector<200x1xi32>
    %jit3A_156 = arith.constant 0xFF800000 : f32
    %broadcast_in_dim3A_157 = vector.shape_cast %eq3A_155 : vector<200x1xi1> to vector<200x1xi1>
    %broadcast_in_dim3A_158 = vector.broadcast %broadcast_in_dim3A_157 : vector<200x1xi1> to vector<200x64xi1>
    %broadcast_in_dim3A_159 = vector.broadcast %jit3A_156 : f32 to vector<200x64xf32>
    %select_n3A_160 = arith.select %broadcast_in_dim3A_158, %select_n3A, %broadcast_in_dim3A_159 : vector<200x64xi1>, vector<200x64xf32>
    %reduce_max3A_161 = arith.constant dense<0xFF800000> : vector<64xf32>
    %reduce_max3A_162 = vector.multi_reduction <maximumf>, %select_n3A_160, %reduce_max3A_161 [0] : vector<200x64xf32> to vector<64xf32>
    %broadcast_in_dim3A_163 = vector.shape_cast %reduce_max3A_162 : vector<64xf32> to vector<1x64xf32>
    %eq3A_164 = arith.constant 12 : i32
    %eq3A_165 = vector.broadcast %eq3A_164 : i32 to vector<200x1xi32>
    %eq3A_166 = arith.cmpi eq, %get3A_34, %eq3A_165 : vector<200x1xi32>
    %jit3A_167 = arith.constant 0xFF800000 : f32
    %broadcast_in_dim3A_168 = vector.shape_cast %eq3A_166 : vector<200x1xi1> to vector<200x1xi1>
    %broadcast_in_dim3A_169 = vector.broadcast %broadcast_in_dim3A_168 : vector<200x1xi1> to vector<200x64xi1>
    %broadcast_in_dim3A_170 = vector.broadcast %jit3A_167 : f32 to vector<200x64xf32>
    %select_n3A_171 = arith.select %broadcast_in_dim3A_169, %select_n3A, %broadcast_in_dim3A_170 : vector<200x64xi1>, vector<200x64xf32>
    %reduce_max3A_172 = arith.constant dense<0xFF800000> : vector<64xf32>
    %reduce_max3A_173 = vector.multi_reduction <maximumf>, %select_n3A_171, %reduce_max3A_172 [0] : vector<200x64xf32> to vector<64xf32>
    %broadcast_in_dim3A_174 = vector.shape_cast %reduce_max3A_173 : vector<64xf32> to vector<1x64xf32>
    %eq3A_175 = arith.constant 13 : i32
    %eq3A_176 = vector.broadcast %eq3A_175 : i32 to vector<200x1xi32>
    %eq3A_177 = arith.cmpi eq, %get3A_34, %eq3A_176 : vector<200x1xi32>
    %jit3A_178 = arith.constant 0xFF800000 : f32
    %broadcast_in_dim3A_179 = vector.shape_cast %eq3A_177 : vector<200x1xi1> to vector<200x1xi1>
    %broadcast_in_dim3A_180 = vector.broadcast %broadcast_in_dim3A_179 : vector<200x1xi1> to vector<200x64xi1>
    %broadcast_in_dim3A_181 = vector.broadcast %jit3A_178 : f32 to vector<200x64xf32>
    %select_n3A_182 = arith.select %broadcast_in_dim3A_180, %select_n3A, %broadcast_in_dim3A_181 : vector<200x64xi1>, vector<200x64xf32>
    %reduce_max3A_183 = arith.constant dense<0xFF800000> : vector<64xf32>
    %reduce_max3A_184 = vector.multi_reduction <maximumf>, %select_n3A_182, %reduce_max3A_183 [0] : vector<200x64xf32> to vector<64xf32>
    %broadcast_in_dim3A_185 = vector.shape_cast %reduce_max3A_184 : vector<64xf32> to vector<1x64xf32>
    %eq3A_186 = arith.constant 14 : i32
    %eq3A_187 = vector.broadcast %eq3A_186 : i32 to vector<200x1xi32>
    %eq3A_188 = arith.cmpi eq, %get3A_34, %eq3A_187 : vector<200x1xi32>
    %jit3A_189 = arith.constant 0xFF800000 : f32
    %broadcast_in_dim3A_190 = vector.shape_cast %eq3A_188 : vector<200x1xi1> to vector<200x1xi1>
    %broadcast_in_dim3A_191 = vector.broadcast %broadcast_in_dim3A_190 : vector<200x1xi1> to vector<200x64xi1>
    %broadcast_in_dim3A_192 = vector.broadcast %jit3A_189 : f32 to vector<200x64xf32>
    %select_n3A_193 = arith.select %broadcast_in_dim3A_191, %select_n3A, %broadcast_in_dim3A_192 : vector<200x64xi1>, vector<200x64xf32>
    %reduce_max3A_194 = arith.constant dense<0xFF800000> : vector<64xf32>
    %reduce_max3A_195 = vector.multi_reduction <maximumf>, %select_n3A_193, %reduce_max3A_194 [0] : vector<200x64xf32> to vector<64xf32>
    %broadcast_in_dim3A_196 = vector.shape_cast %reduce_max3A_195 : vector<64xf32> to vector<1x64xf32>
    %eq3A_197 = arith.constant 15 : i32
    %eq3A_198 = vector.broadcast %eq3A_197 : i32 to vector<200x1xi32>
    %eq3A_199 = arith.cmpi eq, %get3A_34, %eq3A_198 : vector<200x1xi32>
    %jit3A_200 = arith.constant 0xFF800000 : f32
    %broadcast_in_dim3A_201 = vector.shape_cast %eq3A_199 : vector<200x1xi1> to vector<200x1xi1>
    %broadcast_in_dim3A_202 = vector.broadcast %broadcast_in_dim3A_201 : vector<200x1xi1> to vector<200x64xi1>
    %broadcast_in_dim3A_203 = vector.broadcast %jit3A_200 : f32 to vector<200x64xf32>
    %select_n3A_204 = arith.select %broadcast_in_dim3A_202, %select_n3A, %broadcast_in_dim3A_203 : vector<200x64xi1>, vector<200x64xf32>
    %reduce_max3A_205 = arith.constant dense<0xFF800000> : vector<64xf32>
    %reduce_max3A_206 = vector.multi_reduction <maximumf>, %select_n3A_204, %reduce_max3A_205 [0] : vector<200x64xf32> to vector<64xf32>
    %broadcast_in_dim3A_207 = vector.shape_cast %reduce_max3A_206 : vector<64xf32> to vector<1x64xf32>
    %eq3A_208 = arith.constant 16 : i32
    %eq3A_209 = vector.broadcast %eq3A_208 : i32 to vector<200x1xi32>
    %eq3A_210 = arith.cmpi eq, %get3A_34, %eq3A_209 : vector<200x1xi32>
    %jit3A_211 = arith.constant 0xFF800000 : f32
    %broadcast_in_dim3A_212 = vector.shape_cast %eq3A_210 : vector<200x1xi1> to vector<200x1xi1>
    %broadcast_in_dim3A_213 = vector.broadcast %broadcast_in_dim3A_212 : vector<200x1xi1> to vector<200x64xi1>
    %broadcast_in_dim3A_214 = vector.broadcast %jit3A_211 : f32 to vector<200x64xf32>
    %select_n3A_215 = arith.select %broadcast_in_dim3A_213, %select_n3A, %broadcast_in_dim3A_214 : vector<200x64xi1>, vector<200x64xf32>
    %reduce_max3A_216 = arith.constant dense<0xFF800000> : vector<64xf32>
    %reduce_max3A_217 = vector.multi_reduction <maximumf>, %select_n3A_215, %reduce_max3A_216 [0] : vector<200x64xf32> to vector<64xf32>
    %broadcast_in_dim3A_218 = vector.shape_cast %reduce_max3A_217 : vector<64xf32> to vector<1x64xf32>
    %eq3A_219 = arith.constant 17 : i32
    %eq3A_220 = vector.broadcast %eq3A_219 : i32 to vector<200x1xi32>
    %eq3A_221 = arith.cmpi eq, %get3A_34, %eq3A_220 : vector<200x1xi32>
    %jit3A_222 = arith.constant 0xFF800000 : f32
    %broadcast_in_dim3A_223 = vector.shape_cast %eq3A_221 : vector<200x1xi1> to vector<200x1xi1>
    %broadcast_in_dim3A_224 = vector.broadcast %broadcast_in_dim3A_223 : vector<200x1xi1> to vector<200x64xi1>
    %broadcast_in_dim3A_225 = vector.broadcast %jit3A_222 : f32 to vector<200x64xf32>
    %select_n3A_226 = arith.select %broadcast_in_dim3A_224, %select_n3A, %broadcast_in_dim3A_225 : vector<200x64xi1>, vector<200x64xf32>
    %reduce_max3A_227 = arith.constant dense<0xFF800000> : vector<64xf32>
    %reduce_max3A_228 = vector.multi_reduction <maximumf>, %select_n3A_226, %reduce_max3A_227 [0] : vector<200x64xf32> to vector<64xf32>
    %broadcast_in_dim3A_229 = vector.shape_cast %reduce_max3A_228 : vector<64xf32> to vector<1x64xf32>
    %eq3A_230 = arith.constant 18 : i32
    %eq3A_231 = vector.broadcast %eq3A_230 : i32 to vector<200x1xi32>
    %eq3A_232 = arith.cmpi eq, %get3A_34, %eq3A_231 : vector<200x1xi32>
    %jit3A_233 = arith.constant 0xFF800000 : f32
    %broadcast_in_dim3A_234 = vector.shape_cast %eq3A_232 : vector<200x1xi1> to vector<200x1xi1>
    %broadcast_in_dim3A_235 = vector.broadcast %broadcast_in_dim3A_234 : vector<200x1xi1> to vector<200x64xi1>
    %broadcast_in_dim3A_236 = vector.broadcast %jit3A_233 : f32 to vector<200x64xf32>
    %select_n3A_237 = arith.select %broadcast_in_dim3A_235, %select_n3A, %broadcast_in_dim3A_236 : vector<200x64xi1>, vector<200x64xf32>
    %reduce_max3A_238 = arith.constant dense<0xFF800000> : vector<64xf32>
    %reduce_max3A_239 = vector.multi_reduction <maximumf>, %select_n3A_237, %reduce_max3A_238 [0] : vector<200x64xf32> to vector<64xf32>
    %broadcast_in_dim3A_240 = vector.shape_cast %reduce_max3A_239 : vector<64xf32> to vector<1x64xf32>
    %eq3A_241 = arith.constant 19 : i32
    %eq3A_242 = vector.broadcast %eq3A_241 : i32 to vector<200x1xi32>
    %eq3A_243 = arith.cmpi eq, %get3A_34, %eq3A_242 : vector<200x1xi32>
    %jit3A_244 = arith.constant 0xFF800000 : f32
    %broadcast_in_dim3A_245 = vector.shape_cast %eq3A_243 : vector<200x1xi1> to vector<200x1xi1>
    %broadcast_in_dim3A_246 = vector.broadcast %broadcast_in_dim3A_245 : vector<200x1xi1> to vector<200x64xi1>
    %broadcast_in_dim3A_247 = vector.broadcast %jit3A_244 : f32 to vector<200x64xf32>
    %select_n3A_248 = arith.select %broadcast_in_dim3A_246, %select_n3A, %broadcast_in_dim3A_247 : vector<200x64xi1>, vector<200x64xf32>
    %reduce_max3A_249 = arith.constant dense<0xFF800000> : vector<64xf32>
    %reduce_max3A_250 = vector.multi_reduction <maximumf>, %select_n3A_248, %reduce_max3A_249 [0] : vector<200x64xf32> to vector<64xf32>
    %broadcast_in_dim3A_251 = vector.shape_cast %reduce_max3A_250 : vector<64xf32> to vector<1x64xf32>
    %eq3A_252 = arith.constant 20 : i32
    %eq3A_253 = vector.broadcast %eq3A_252 : i32 to vector<200x1xi32>
    %eq3A_254 = arith.cmpi eq, %get3A_34, %eq3A_253 : vector<200x1xi32>
    %jit3A_255 = arith.constant 0xFF800000 : f32
    %broadcast_in_dim3A_256 = vector.shape_cast %eq3A_254 : vector<200x1xi1> to vector<200x1xi1>
    %broadcast_in_dim3A_257 = vector.broadcast %broadcast_in_dim3A_256 : vector<200x1xi1> to vector<200x64xi1>
    %broadcast_in_dim3A_258 = vector.broadcast %jit3A_255 : f32 to vector<200x64xf32>
    %select_n3A_259 = arith.select %broadcast_in_dim3A_257, %select_n3A, %broadcast_in_dim3A_258 : vector<200x64xi1>, vector<200x64xf32>
    %reduce_max3A_260 = arith.constant dense<0xFF800000> : vector<64xf32>
    %reduce_max3A_261 = vector.multi_reduction <maximumf>, %select_n3A_259, %reduce_max3A_260 [0] : vector<200x64xf32> to vector<64xf32>
    %broadcast_in_dim3A_262 = vector.shape_cast %reduce_max3A_261 : vector<64xf32> to vector<1x64xf32>
    %eq3A_263 = arith.constant 21 : i32
    %eq3A_264 = vector.broadcast %eq3A_263 : i32 to vector<200x1xi32>
    %eq3A_265 = arith.cmpi eq, %get3A_34, %eq3A_264 : vector<200x1xi32>
    %jit3A_266 = arith.constant 0xFF800000 : f32
    %broadcast_in_dim3A_267 = vector.shape_cast %eq3A_265 : vector<200x1xi1> to vector<200x1xi1>
    %broadcast_in_dim3A_268 = vector.broadcast %broadcast_in_dim3A_267 : vector<200x1xi1> to vector<200x64xi1>
    %broadcast_in_dim3A_269 = vector.broadcast %jit3A_266 : f32 to vector<200x64xf32>
    %select_n3A_270 = arith.select %broadcast_in_dim3A_268, %select_n3A, %broadcast_in_dim3A_269 : vector<200x64xi1>, vector<200x64xf32>
    %reduce_max3A_271 = arith.constant dense<0xFF800000> : vector<64xf32>
    %reduce_max3A_272 = vector.multi_reduction <maximumf>, %select_n3A_270, %reduce_max3A_271 [0] : vector<200x64xf32> to vector<64xf32>
    %broadcast_in_dim3A_273 = vector.shape_cast %reduce_max3A_272 : vector<64xf32> to vector<1x64xf32>
    %eq3A_274 = arith.constant 22 : i32
    %eq3A_275 = vector.broadcast %eq3A_274 : i32 to vector<200x1xi32>
    %eq3A_276 = arith.cmpi eq, %get3A_34, %eq3A_275 : vector<200x1xi32>
    %jit3A_277 = arith.constant 0xFF800000 : f32
    %broadcast_in_dim3A_278 = vector.shape_cast %eq3A_276 : vector<200x1xi1> to vector<200x1xi1>
    %broadcast_in_dim3A_279 = vector.broadcast %broadcast_in_dim3A_278 : vector<200x1xi1> to vector<200x64xi1>
    %broadcast_in_dim3A_280 = vector.broadcast %jit3A_277 : f32 to vector<200x64xf32>
    %select_n3A_281 = arith.select %broadcast_in_dim3A_279, %select_n3A, %broadcast_in_dim3A_280 : vector<200x64xi1>, vector<200x64xf32>
    %reduce_max3A_282 = arith.constant dense<0xFF800000> : vector<64xf32>
    %reduce_max3A_283 = vector.multi_reduction <maximumf>, %select_n3A_281, %reduce_max3A_282 [0] : vector<200x64xf32> to vector<64xf32>
    %broadcast_in_dim3A_284 = vector.shape_cast %reduce_max3A_283 : vector<64xf32> to vector<1x64xf32>
    %eq3A_285 = arith.constant 23 : i32
    %eq3A_286 = vector.broadcast %eq3A_285 : i32 to vector<200x1xi32>
    %eq3A_287 = arith.cmpi eq, %get3A_34, %eq3A_286 : vector<200x1xi32>
    %jit3A_288 = arith.constant 0xFF800000 : f32
    %broadcast_in_dim3A_289 = vector.shape_cast %eq3A_287 : vector<200x1xi1> to vector<200x1xi1>
    %broadcast_in_dim3A_290 = vector.broadcast %broadcast_in_dim3A_289 : vector<200x1xi1> to vector<200x64xi1>
    %broadcast_in_dim3A_291 = vector.broadcast %jit3A_288 : f32 to vector<200x64xf32>
    %select_n3A_292 = arith.select %broadcast_in_dim3A_290, %select_n3A, %broadcast_in_dim3A_291 : vector<200x64xi1>, vector<200x64xf32>
    %reduce_max3A_293 = arith.constant dense<0xFF800000> : vector<64xf32>
    %reduce_max3A_294 = vector.multi_reduction <maximumf>, %select_n3A_292, %reduce_max3A_293 [0] : vector<200x64xf32> to vector<64xf32>
    %broadcast_in_dim3A_295 = vector.shape_cast %reduce_max3A_294 : vector<64xf32> to vector<1x64xf32>
    %eq3A_296 = arith.constant 24 : i32
    %eq3A_297 = vector.broadcast %eq3A_296 : i32 to vector<200x1xi32>
    %eq3A_298 = arith.cmpi eq, %get3A_34, %eq3A_297 : vector<200x1xi32>
    %jit3A_299 = arith.constant 0xFF800000 : f32
    %broadcast_in_dim3A_300 = vector.shape_cast %eq3A_298 : vector<200x1xi1> to vector<200x1xi1>
    %broadcast_in_dim3A_301 = vector.broadcast %broadcast_in_dim3A_300 : vector<200x1xi1> to vector<200x64xi1>
    %broadcast_in_dim3A_302 = vector.broadcast %jit3A_299 : f32 to vector<200x64xf32>
    %select_n3A_303 = arith.select %broadcast_in_dim3A_301, %select_n3A, %broadcast_in_dim3A_302 : vector<200x64xi1>, vector<200x64xf32>
    %reduce_max3A_304 = arith.constant dense<0xFF800000> : vector<64xf32>
    %reduce_max3A_305 = vector.multi_reduction <maximumf>, %select_n3A_303, %reduce_max3A_304 [0] : vector<200x64xf32> to vector<64xf32>
    %broadcast_in_dim3A_306 = vector.shape_cast %reduce_max3A_305 : vector<64xf32> to vector<1x64xf32>
    %eq3A_307 = arith.constant 25 : i32
    %eq3A_308 = vector.broadcast %eq3A_307 : i32 to vector<200x1xi32>
    %eq3A_309 = arith.cmpi eq, %get3A_34, %eq3A_308 : vector<200x1xi32>
    %jit3A_310 = arith.constant 0xFF800000 : f32
    %broadcast_in_dim3A_311 = vector.shape_cast %eq3A_309 : vector<200x1xi1> to vector<200x1xi1>
    %broadcast_in_dim3A_312 = vector.broadcast %broadcast_in_dim3A_311 : vector<200x1xi1> to vector<200x64xi1>
    %broadcast_in_dim3A_313 = vector.broadcast %jit3A_310 : f32 to vector<200x64xf32>
    %select_n3A_314 = arith.select %broadcast_in_dim3A_312, %select_n3A, %broadcast_in_dim3A_313 : vector<200x64xi1>, vector<200x64xf32>
    %reduce_max3A_315 = arith.constant dense<0xFF800000> : vector<64xf32>
    %reduce_max3A_316 = vector.multi_reduction <maximumf>, %select_n3A_314, %reduce_max3A_315 [0] : vector<200x64xf32> to vector<64xf32>
    %broadcast_in_dim3A_317 = vector.shape_cast %reduce_max3A_316 : vector<64xf32> to vector<1x64xf32>
    %eq3A_318 = arith.constant 26 : i32
    %eq3A_319 = vector.broadcast %eq3A_318 : i32 to vector<200x1xi32>
    %eq3A_320 = arith.cmpi eq, %get3A_34, %eq3A_319 : vector<200x1xi32>
    %jit3A_321 = arith.constant 0xFF800000 : f32
    %broadcast_in_dim3A_322 = vector.shape_cast %eq3A_320 : vector<200x1xi1> to vector<200x1xi1>
    %broadcast_in_dim3A_323 = vector.broadcast %broadcast_in_dim3A_322 : vector<200x1xi1> to vector<200x64xi1>
    %broadcast_in_dim3A_324 = vector.broadcast %jit3A_321 : f32 to vector<200x64xf32>
    %select_n3A_325 = arith.select %broadcast_in_dim3A_323, %select_n3A, %broadcast_in_dim3A_324 : vector<200x64xi1>, vector<200x64xf32>
    %reduce_max3A_326 = arith.constant dense<0xFF800000> : vector<64xf32>
    %reduce_max3A_327 = vector.multi_reduction <maximumf>, %select_n3A_325, %reduce_max3A_326 [0] : vector<200x64xf32> to vector<64xf32>
    %broadcast_in_dim3A_328 = vector.shape_cast %reduce_max3A_327 : vector<64xf32> to vector<1x64xf32>
    %eq3A_329 = arith.constant 27 : i32
    %eq3A_330 = vector.broadcast %eq3A_329 : i32 to vector<200x1xi32>
    %eq3A_331 = arith.cmpi eq, %get3A_34, %eq3A_330 : vector<200x1xi32>
    %jit3A_332 = arith.constant 0xFF800000 : f32
    %broadcast_in_dim3A_333 = vector.shape_cast %eq3A_331 : vector<200x1xi1> to vector<200x1xi1>
    %broadcast_in_dim3A_334 = vector.broadcast %broadcast_in_dim3A_333 : vector<200x1xi1> to vector<200x64xi1>
    %broadcast_in_dim3A_335 = vector.broadcast %jit3A_332 : f32 to vector<200x64xf32>
    %select_n3A_336 = arith.select %broadcast_in_dim3A_334, %select_n3A, %broadcast_in_dim3A_335 : vector<200x64xi1>, vector<200x64xf32>
    %reduce_max3A_337 = arith.constant dense<0xFF800000> : vector<64xf32>
    %reduce_max3A_338 = vector.multi_reduction <maximumf>, %select_n3A_336, %reduce_max3A_337 [0] : vector<200x64xf32> to vector<64xf32>
    %broadcast_in_dim3A_339 = vector.shape_cast %reduce_max3A_338 : vector<64xf32> to vector<1x64xf32>
    %eq3A_340 = arith.constant 28 : i32
    %eq3A_341 = vector.broadcast %eq3A_340 : i32 to vector<200x1xi32>
    %eq3A_342 = arith.cmpi eq, %get3A_34, %eq3A_341 : vector<200x1xi32>
    %jit3A_343 = arith.constant 0xFF800000 : f32
    %broadcast_in_dim3A_344 = vector.shape_cast %eq3A_342 : vector<200x1xi1> to vector<200x1xi1>
    %broadcast_in_dim3A_345 = vector.broadcast %broadcast_in_dim3A_344 : vector<200x1xi1> to vector<200x64xi1>
    %broadcast_in_dim3A_346 = vector.broadcast %jit3A_343 : f32 to vector<200x64xf32>
    %select_n3A_347 = arith.select %broadcast_in_dim3A_345, %select_n3A, %broadcast_in_dim3A_346 : vector<200x64xi1>, vector<200x64xf32>
    %reduce_max3A_348 = arith.constant dense<0xFF800000> : vector<64xf32>
    %reduce_max3A_349 = vector.multi_reduction <maximumf>, %select_n3A_347, %reduce_max3A_348 [0] : vector<200x64xf32> to vector<64xf32>
    %broadcast_in_dim3A_350 = vector.shape_cast %reduce_max3A_349 : vector<64xf32> to vector<1x64xf32>
    %eq3A_351 = arith.constant 29 : i32
    %eq3A_352 = vector.broadcast %eq3A_351 : i32 to vector<200x1xi32>
    %eq3A_353 = arith.cmpi eq, %get3A_34, %eq3A_352 : vector<200x1xi32>
    %jit3A_354 = arith.constant 0xFF800000 : f32
    %broadcast_in_dim3A_355 = vector.shape_cast %eq3A_353 : vector<200x1xi1> to vector<200x1xi1>
    %broadcast_in_dim3A_356 = vector.broadcast %broadcast_in_dim3A_355 : vector<200x1xi1> to vector<200x64xi1>
    %broadcast_in_dim3A_357 = vector.broadcast %jit3A_354 : f32 to vector<200x64xf32>
    %select_n3A_358 = arith.select %broadcast_in_dim3A_356, %select_n3A, %broadcast_in_dim3A_357 : vector<200x64xi1>, vector<200x64xf32>
    %reduce_max3A_359 = arith.constant dense<0xFF800000> : vector<64xf32>
    %reduce_max3A_360 = vector.multi_reduction <maximumf>, %select_n3A_358, %reduce_max3A_359 [0] : vector<200x64xf32> to vector<64xf32>
    %broadcast_in_dim3A_361 = vector.shape_cast %reduce_max3A_360 : vector<64xf32> to vector<1x64xf32>
    %eq3A_362 = arith.constant 30 : i32
    %eq3A_363 = vector.broadcast %eq3A_362 : i32 to vector<200x1xi32>
    %eq3A_364 = arith.cmpi eq, %get3A_34, %eq3A_363 : vector<200x1xi32>
    %jit3A_365 = arith.constant 0xFF800000 : f32
    %broadcast_in_dim3A_366 = vector.shape_cast %eq3A_364 : vector<200x1xi1> to vector<200x1xi1>
    %broadcast_in_dim3A_367 = vector.broadcast %broadcast_in_dim3A_366 : vector<200x1xi1> to vector<200x64xi1>
    %broadcast_in_dim3A_368 = vector.broadcast %jit3A_365 : f32 to vector<200x64xf32>
    %select_n3A_369 = arith.select %broadcast_in_dim3A_367, %select_n3A, %broadcast_in_dim3A_368 : vector<200x64xi1>, vector<200x64xf32>
    %reduce_max3A_370 = arith.constant dense<0xFF800000> : vector<64xf32>
    %reduce_max3A_371 = vector.multi_reduction <maximumf>, %select_n3A_369, %reduce_max3A_370 [0] : vector<200x64xf32> to vector<64xf32>
    %broadcast_in_dim3A_372 = vector.shape_cast %reduce_max3A_371 : vector<64xf32> to vector<1x64xf32>
    %eq3A_373 = arith.constant 31 : i32
    %eq3A_374 = vector.broadcast %eq3A_373 : i32 to vector<200x1xi32>
    %eq3A_375 = arith.cmpi eq, %get3A_34, %eq3A_374 : vector<200x1xi32>
    %jit3A_376 = arith.constant 0xFF800000 : f32
    %broadcast_in_dim3A_377 = vector.shape_cast %eq3A_375 : vector<200x1xi1> to vector<200x1xi1>
    %broadcast_in_dim3A_378 = vector.broadcast %broadcast_in_dim3A_377 : vector<200x1xi1> to vector<200x64xi1>
    %broadcast_in_dim3A_379 = vector.broadcast %jit3A_376 : f32 to vector<200x64xf32>
    %select_n3A_380 = arith.select %broadcast_in_dim3A_378, %select_n3A, %broadcast_in_dim3A_379 : vector<200x64xi1>, vector<200x64xf32>
    %reduce_max3A_381 = arith.constant dense<0xFF800000> : vector<64xf32>
    %reduce_max3A_382 = vector.multi_reduction <maximumf>, %select_n3A_380, %reduce_max3A_381 [0] : vector<200x64xf32> to vector<64xf32>
    %broadcast_in_dim3A_383 = vector.shape_cast %reduce_max3A_382 : vector<64xf32> to vector<1x64xf32>
    %eq3A_384 = arith.constant 32 : i32
    %eq3A_385 = vector.broadcast %eq3A_384 : i32 to vector<200x1xi32>
    %eq3A_386 = arith.cmpi eq, %get3A_34, %eq3A_385 : vector<200x1xi32>
    %jit3A_387 = arith.constant 0xFF800000 : f32
    %broadcast_in_dim3A_388 = vector.shape_cast %eq3A_386 : vector<200x1xi1> to vector<200x1xi1>
    %broadcast_in_dim3A_389 = vector.broadcast %broadcast_in_dim3A_388 : vector<200x1xi1> to vector<200x64xi1>
    %broadcast_in_dim3A_390 = vector.broadcast %jit3A_387 : f32 to vector<200x64xf32>
    %select_n3A_391 = arith.select %broadcast_in_dim3A_389, %select_n3A, %broadcast_in_dim3A_390 : vector<200x64xi1>, vector<200x64xf32>
    %reduce_max3A_392 = arith.constant dense<0xFF800000> : vector<64xf32>
    %reduce_max3A_393 = vector.multi_reduction <maximumf>, %select_n3A_391, %reduce_max3A_392 [0] : vector<200x64xf32> to vector<64xf32>
    %broadcast_in_dim3A_394 = vector.shape_cast %reduce_max3A_393 : vector<64xf32> to vector<1x64xf32>
    %eq3A_395 = arith.constant 33 : i32
    %eq3A_396 = vector.broadcast %eq3A_395 : i32 to vector<200x1xi32>
    %eq3A_397 = arith.cmpi eq, %get3A_34, %eq3A_396 : vector<200x1xi32>
    %jit3A_398 = arith.constant 0xFF800000 : f32
    %broadcast_in_dim3A_399 = vector.shape_cast %eq3A_397 : vector<200x1xi1> to vector<200x1xi1>
    %broadcast_in_dim3A_400 = vector.broadcast %broadcast_in_dim3A_399 : vector<200x1xi1> to vector<200x64xi1>
    %broadcast_in_dim3A_401 = vector.broadcast %jit3A_398 : f32 to vector<200x64xf32>
    %select_n3A_402 = arith.select %broadcast_in_dim3A_400, %select_n3A, %broadcast_in_dim3A_401 : vector<200x64xi1>, vector<200x64xf32>
    %reduce_max3A_403 = arith.constant dense<0xFF800000> : vector<64xf32>
    %reduce_max3A_404 = vector.multi_reduction <maximumf>, %select_n3A_402, %reduce_max3A_403 [0] : vector<200x64xf32> to vector<64xf32>
    %broadcast_in_dim3A_405 = vector.shape_cast %reduce_max3A_404 : vector<64xf32> to vector<1x64xf32>
    %eq3A_406 = arith.constant 34 : i32
    %eq3A_407 = vector.broadcast %eq3A_406 : i32 to vector<200x1xi32>
    %eq3A_408 = arith.cmpi eq, %get3A_34, %eq3A_407 : vector<200x1xi32>
    %jit3A_409 = arith.constant 0xFF800000 : f32
    %broadcast_in_dim3A_410 = vector.shape_cast %eq3A_408 : vector<200x1xi1> to vector<200x1xi1>
    %broadcast_in_dim3A_411 = vector.broadcast %broadcast_in_dim3A_410 : vector<200x1xi1> to vector<200x64xi1>
    %broadcast_in_dim3A_412 = vector.broadcast %jit3A_409 : f32 to vector<200x64xf32>
    %select_n3A_413 = arith.select %broadcast_in_dim3A_411, %select_n3A, %broadcast_in_dim3A_412 : vector<200x64xi1>, vector<200x64xf32>
    %reduce_max3A_414 = arith.constant dense<0xFF800000> : vector<64xf32>
    %reduce_max3A_415 = vector.multi_reduction <maximumf>, %select_n3A_413, %reduce_max3A_414 [0] : vector<200x64xf32> to vector<64xf32>
    %broadcast_in_dim3A_416 = vector.shape_cast %reduce_max3A_415 : vector<64xf32> to vector<1x64xf32>
    %eq3A_417 = arith.constant 35 : i32
    %eq3A_418 = vector.broadcast %eq3A_417 : i32 to vector<200x1xi32>
    %eq3A_419 = arith.cmpi eq, %get3A_34, %eq3A_418 : vector<200x1xi32>
    %jit3A_420 = arith.constant 0xFF800000 : f32
    %broadcast_in_dim3A_421 = vector.shape_cast %eq3A_419 : vector<200x1xi1> to vector<200x1xi1>
    %broadcast_in_dim3A_422 = vector.broadcast %broadcast_in_dim3A_421 : vector<200x1xi1> to vector<200x64xi1>
    %broadcast_in_dim3A_423 = vector.broadcast %jit3A_420 : f32 to vector<200x64xf32>
    %select_n3A_424 = arith.select %broadcast_in_dim3A_422, %select_n3A, %broadcast_in_dim3A_423 : vector<200x64xi1>, vector<200x64xf32>
    %reduce_max3A_425 = arith.constant dense<0xFF800000> : vector<64xf32>
    %reduce_max3A_426 = vector.multi_reduction <maximumf>, %select_n3A_424, %reduce_max3A_425 [0] : vector<200x64xf32> to vector<64xf32>
    %broadcast_in_dim3A_427 = vector.shape_cast %reduce_max3A_426 : vector<64xf32> to vector<1x64xf32>
    %eq3A_428 = arith.constant 36 : i32
    %eq3A_429 = vector.broadcast %eq3A_428 : i32 to vector<200x1xi32>
    %eq3A_430 = arith.cmpi eq, %get3A_34, %eq3A_429 : vector<200x1xi32>
    %jit3A_431 = arith.constant 0xFF800000 : f32
    %broadcast_in_dim3A_432 = vector.shape_cast %eq3A_430 : vector<200x1xi1> to vector<200x1xi1>
    %broadcast_in_dim3A_433 = vector.broadcast %broadcast_in_dim3A_432 : vector<200x1xi1> to vector<200x64xi1>
    %broadcast_in_dim3A_434 = vector.broadcast %jit3A_431 : f32 to vector<200x64xf32>
    %select_n3A_435 = arith.select %broadcast_in_dim3A_433, %select_n3A, %broadcast_in_dim3A_434 : vector<200x64xi1>, vector<200x64xf32>
    %reduce_max3A_436 = arith.constant dense<0xFF800000> : vector<64xf32>
    %reduce_max3A_437 = vector.multi_reduction <maximumf>, %select_n3A_435, %reduce_max3A_436 [0] : vector<200x64xf32> to vector<64xf32>
    %broadcast_in_dim3A_438 = vector.shape_cast %reduce_max3A_437 : vector<64xf32> to vector<1x64xf32>
    %eq3A_439 = arith.constant 37 : i32
    %eq3A_440 = vector.broadcast %eq3A_439 : i32 to vector<200x1xi32>
    %eq3A_441 = arith.cmpi eq, %get3A_34, %eq3A_440 : vector<200x1xi32>
    %jit3A_442 = arith.constant 0xFF800000 : f32
    %broadcast_in_dim3A_443 = vector.shape_cast %eq3A_441 : vector<200x1xi1> to vector<200x1xi1>
    %broadcast_in_dim3A_444 = vector.broadcast %broadcast_in_dim3A_443 : vector<200x1xi1> to vector<200x64xi1>
    %broadcast_in_dim3A_445 = vector.broadcast %jit3A_442 : f32 to vector<200x64xf32>
    %select_n3A_446 = arith.select %broadcast_in_dim3A_444, %select_n3A, %broadcast_in_dim3A_445 : vector<200x64xi1>, vector<200x64xf32>
    %reduce_max3A_447 = arith.constant dense<0xFF800000> : vector<64xf32>
    %reduce_max3A_448 = vector.multi_reduction <maximumf>, %select_n3A_446, %reduce_max3A_447 [0] : vector<200x64xf32> to vector<64xf32>
    %broadcast_in_dim3A_449 = vector.shape_cast %reduce_max3A_448 : vector<64xf32> to vector<1x64xf32>
    %eq3A_450 = arith.constant 38 : i32
    %eq3A_451 = vector.broadcast %eq3A_450 : i32 to vector<200x1xi32>
    %eq3A_452 = arith.cmpi eq, %get3A_34, %eq3A_451 : vector<200x1xi32>
    %jit3A_453 = arith.constant 0xFF800000 : f32
    %broadcast_in_dim3A_454 = vector.shape_cast %eq3A_452 : vector<200x1xi1> to vector<200x1xi1>
    %broadcast_in_dim3A_455 = vector.broadcast %broadcast_in_dim3A_454 : vector<200x1xi1> to vector<200x64xi1>
    %broadcast_in_dim3A_456 = vector.broadcast %jit3A_453 : f32 to vector<200x64xf32>
    %select_n3A_457 = arith.select %broadcast_in_dim3A_455, %select_n3A, %broadcast_in_dim3A_456 : vector<200x64xi1>, vector<200x64xf32>
    %reduce_max3A_458 = arith.constant dense<0xFF800000> : vector<64xf32>
    %reduce_max3A_459 = vector.multi_reduction <maximumf>, %select_n3A_457, %reduce_max3A_458 [0] : vector<200x64xf32> to vector<64xf32>
    %broadcast_in_dim3A_460 = vector.shape_cast %reduce_max3A_459 : vector<64xf32> to vector<1x64xf32>
    %eq3A_461 = arith.constant 39 : i32
    %eq3A_462 = vector.broadcast %eq3A_461 : i32 to vector<200x1xi32>
    %eq3A_463 = arith.cmpi eq, %get3A_34, %eq3A_462 : vector<200x1xi32>
    %jit3A_464 = arith.constant 0xFF800000 : f32
    %broadcast_in_dim3A_465 = vector.shape_cast %eq3A_463 : vector<200x1xi1> to vector<200x1xi1>
    %broadcast_in_dim3A_466 = vector.broadcast %broadcast_in_dim3A_465 : vector<200x1xi1> to vector<200x64xi1>
    %broadcast_in_dim3A_467 = vector.broadcast %jit3A_464 : f32 to vector<200x64xf32>
    %select_n3A_468 = arith.select %broadcast_in_dim3A_466, %select_n3A, %broadcast_in_dim3A_467 : vector<200x64xi1>, vector<200x64xf32>
    %reduce_max3A_469 = arith.constant dense<0xFF800000> : vector<64xf32>
    %reduce_max3A_470 = vector.multi_reduction <maximumf>, %select_n3A_468, %reduce_max3A_469 [0] : vector<200x64xf32> to vector<64xf32>
    %broadcast_in_dim3A_471 = vector.shape_cast %reduce_max3A_470 : vector<64xf32> to vector<1x64xf32>
    %eq3A_472 = arith.constant 40 : i32
    %eq3A_473 = vector.broadcast %eq3A_472 : i32 to vector<200x1xi32>
    %eq3A_474 = arith.cmpi eq, %get3A_34, %eq3A_473 : vector<200x1xi32>
    %jit3A_475 = arith.constant 0xFF800000 : f32
    %broadcast_in_dim3A_476 = vector.shape_cast %eq3A_474 : vector<200x1xi1> to vector<200x1xi1>
    %broadcast_in_dim3A_477 = vector.broadcast %broadcast_in_dim3A_476 : vector<200x1xi1> to vector<200x64xi1>
    %broadcast_in_dim3A_478 = vector.broadcast %jit3A_475 : f32 to vector<200x64xf32>
    %select_n3A_479 = arith.select %broadcast_in_dim3A_477, %select_n3A, %broadcast_in_dim3A_478 : vector<200x64xi1>, vector<200x64xf32>
    %reduce_max3A_480 = arith.constant dense<0xFF800000> : vector<64xf32>
    %reduce_max3A_481 = vector.multi_reduction <maximumf>, %select_n3A_479, %reduce_max3A_480 [0] : vector<200x64xf32> to vector<64xf32>
    %broadcast_in_dim3A_482 = vector.shape_cast %reduce_max3A_481 : vector<64xf32> to vector<1x64xf32>
    %eq3A_483 = arith.constant 41 : i32
    %eq3A_484 = vector.broadcast %eq3A_483 : i32 to vector<200x1xi32>
    %eq3A_485 = arith.cmpi eq, %get3A_34, %eq3A_484 : vector<200x1xi32>
    %jit3A_486 = arith.constant 0xFF800000 : f32
    %broadcast_in_dim3A_487 = vector.shape_cast %eq3A_485 : vector<200x1xi1> to vector<200x1xi1>
    %broadcast_in_dim3A_488 = vector.broadcast %broadcast_in_dim3A_487 : vector<200x1xi1> to vector<200x64xi1>
    %broadcast_in_dim3A_489 = vector.broadcast %jit3A_486 : f32 to vector<200x64xf32>
    %select_n3A_490 = arith.select %broadcast_in_dim3A_488, %select_n3A, %broadcast_in_dim3A_489 : vector<200x64xi1>, vector<200x64xf32>
    %reduce_max3A_491 = arith.constant dense<0xFF800000> : vector<64xf32>
    %reduce_max3A_492 = vector.multi_reduction <maximumf>, %select_n3A_490, %reduce_max3A_491 [0] : vector<200x64xf32> to vector<64xf32>
    %broadcast_in_dim3A_493 = vector.shape_cast %reduce_max3A_492 : vector<64xf32> to vector<1x64xf32>
    %eq3A_494 = arith.constant 42 : i32
    %eq3A_495 = vector.broadcast %eq3A_494 : i32 to vector<200x1xi32>
    %eq3A_496 = arith.cmpi eq, %get3A_34, %eq3A_495 : vector<200x1xi32>
    %jit3A_497 = arith.constant 0xFF800000 : f32
    %broadcast_in_dim3A_498 = vector.shape_cast %eq3A_496 : vector<200x1xi1> to vector<200x1xi1>
    %broadcast_in_dim3A_499 = vector.broadcast %broadcast_in_dim3A_498 : vector<200x1xi1> to vector<200x64xi1>
    %broadcast_in_dim3A_500 = vector.broadcast %jit3A_497 : f32 to vector<200x64xf32>
    %select_n3A_501 = arith.select %broadcast_in_dim3A_499, %select_n3A, %broadcast_in_dim3A_500 : vector<200x64xi1>, vector<200x64xf32>
    %reduce_max3A_502 = arith.constant dense<0xFF800000> : vector<64xf32>
    %reduce_max3A_503 = vector.multi_reduction <maximumf>, %select_n3A_501, %reduce_max3A_502 [0] : vector<200x64xf32> to vector<64xf32>
    %broadcast_in_dim3A_504 = vector.shape_cast %reduce_max3A_503 : vector<64xf32> to vector<1x64xf32>
    %eq3A_505 = arith.constant 43 : i32
    %eq3A_506 = vector.broadcast %eq3A_505 : i32 to vector<200x1xi32>
    %eq3A_507 = arith.cmpi eq, %get3A_34, %eq3A_506 : vector<200x1xi32>
    %jit3A_508 = arith.constant 0xFF800000 : f32
    %broadcast_in_dim3A_509 = vector.shape_cast %eq3A_507 : vector<200x1xi1> to vector<200x1xi1>
    %broadcast_in_dim3A_510 = vector.broadcast %broadcast_in_dim3A_509 : vector<200x1xi1> to vector<200x64xi1>
    %broadcast_in_dim3A_511 = vector.broadcast %jit3A_508 : f32 to vector<200x64xf32>
    %select_n3A_512 = arith.select %broadcast_in_dim3A_510, %select_n3A, %broadcast_in_dim3A_511 : vector<200x64xi1>, vector<200x64xf32>
    %reduce_max3A_513 = arith.constant dense<0xFF800000> : vector<64xf32>
    %reduce_max3A_514 = vector.multi_reduction <maximumf>, %select_n3A_512, %reduce_max3A_513 [0] : vector<200x64xf32> to vector<64xf32>
    %broadcast_in_dim3A_515 = vector.shape_cast %reduce_max3A_514 : vector<64xf32> to vector<1x64xf32>
    %eq3A_516 = arith.constant 44 : i32
    %eq3A_517 = vector.broadcast %eq3A_516 : i32 to vector<200x1xi32>
    %eq3A_518 = arith.cmpi eq, %get3A_34, %eq3A_517 : vector<200x1xi32>
    %jit3A_519 = arith.constant 0xFF800000 : f32
    %broadcast_in_dim3A_520 = vector.shape_cast %eq3A_518 : vector<200x1xi1> to vector<200x1xi1>
    %broadcast_in_dim3A_521 = vector.broadcast %broadcast_in_dim3A_520 : vector<200x1xi1> to vector<200x64xi1>
    %broadcast_in_dim3A_522 = vector.broadcast %jit3A_519 : f32 to vector<200x64xf32>
    %select_n3A_523 = arith.select %broadcast_in_dim3A_521, %select_n3A, %broadcast_in_dim3A_522 : vector<200x64xi1>, vector<200x64xf32>
    %reduce_max3A_524 = arith.constant dense<0xFF800000> : vector<64xf32>
    %reduce_max3A_525 = vector.multi_reduction <maximumf>, %select_n3A_523, %reduce_max3A_524 [0] : vector<200x64xf32> to vector<64xf32>
    %broadcast_in_dim3A_526 = vector.shape_cast %reduce_max3A_525 : vector<64xf32> to vector<1x64xf32>
    %eq3A_527 = arith.constant 45 : i32
    %eq3A_528 = vector.broadcast %eq3A_527 : i32 to vector<200x1xi32>
    %eq3A_529 = arith.cmpi eq, %get3A_34, %eq3A_528 : vector<200x1xi32>
    %jit3A_530 = arith.constant 0xFF800000 : f32
    %broadcast_in_dim3A_531 = vector.shape_cast %eq3A_529 : vector<200x1xi1> to vector<200x1xi1>
    %broadcast_in_dim3A_532 = vector.broadcast %broadcast_in_dim3A_531 : vector<200x1xi1> to vector<200x64xi1>
    %broadcast_in_dim3A_533 = vector.broadcast %jit3A_530 : f32 to vector<200x64xf32>
    %select_n3A_534 = arith.select %broadcast_in_dim3A_532, %select_n3A, %broadcast_in_dim3A_533 : vector<200x64xi1>, vector<200x64xf32>
    %reduce_max3A_535 = arith.constant dense<0xFF800000> : vector<64xf32>
    %reduce_max3A_536 = vector.multi_reduction <maximumf>, %select_n3A_534, %reduce_max3A_535 [0] : vector<200x64xf32> to vector<64xf32>
    %broadcast_in_dim3A_537 = vector.shape_cast %reduce_max3A_536 : vector<64xf32> to vector<1x64xf32>
    %eq3A_538 = arith.constant 46 : i32
    %eq3A_539 = vector.broadcast %eq3A_538 : i32 to vector<200x1xi32>
    %eq3A_540 = arith.cmpi eq, %get3A_34, %eq3A_539 : vector<200x1xi32>
    %jit3A_541 = arith.constant 0xFF800000 : f32
    %broadcast_in_dim3A_542 = vector.shape_cast %eq3A_540 : vector<200x1xi1> to vector<200x1xi1>
    %broadcast_in_dim3A_543 = vector.broadcast %broadcast_in_dim3A_542 : vector<200x1xi1> to vector<200x64xi1>
    %broadcast_in_dim3A_544 = vector.broadcast %jit3A_541 : f32 to vector<200x64xf32>
    %select_n3A_545 = arith.select %broadcast_in_dim3A_543, %select_n3A, %broadcast_in_dim3A_544 : vector<200x64xi1>, vector<200x64xf32>
    %reduce_max3A_546 = arith.constant dense<0xFF800000> : vector<64xf32>
    %reduce_max3A_547 = vector.multi_reduction <maximumf>, %select_n3A_545, %reduce_max3A_546 [0] : vector<200x64xf32> to vector<64xf32>
    %broadcast_in_dim3A_548 = vector.shape_cast %reduce_max3A_547 : vector<64xf32> to vector<1x64xf32>
    %eq3A_549 = arith.constant 47 : i32
    %eq3A_550 = vector.broadcast %eq3A_549 : i32 to vector<200x1xi32>
    %eq3A_551 = arith.cmpi eq, %get3A_34, %eq3A_550 : vector<200x1xi32>
    %jit3A_552 = arith.constant 0xFF800000 : f32
    %broadcast_in_dim3A_553 = vector.shape_cast %eq3A_551 : vector<200x1xi1> to vector<200x1xi1>
    %broadcast_in_dim3A_554 = vector.broadcast %broadcast_in_dim3A_553 : vector<200x1xi1> to vector<200x64xi1>
    %broadcast_in_dim3A_555 = vector.broadcast %jit3A_552 : f32 to vector<200x64xf32>
    %select_n3A_556 = arith.select %broadcast_in_dim3A_554, %select_n3A, %broadcast_in_dim3A_555 : vector<200x64xi1>, vector<200x64xf32>
    %reduce_max3A_557 = arith.constant dense<0xFF800000> : vector<64xf32>
    %reduce_max3A_558 = vector.multi_reduction <maximumf>, %select_n3A_556, %reduce_max3A_557 [0] : vector<200x64xf32> to vector<64xf32>
    %broadcast_in_dim3A_559 = vector.shape_cast %reduce_max3A_558 : vector<64xf32> to vector<1x64xf32>
    %eq3A_560 = arith.constant 48 : i32
    %eq3A_561 = vector.broadcast %eq3A_560 : i32 to vector<200x1xi32>
    %eq3A_562 = arith.cmpi eq, %get3A_34, %eq3A_561 : vector<200x1xi32>
    %jit3A_563 = arith.constant 0xFF800000 : f32
    %broadcast_in_dim3A_564 = vector.shape_cast %eq3A_562 : vector<200x1xi1> to vector<200x1xi1>
    %broadcast_in_dim3A_565 = vector.broadcast %broadcast_in_dim3A_564 : vector<200x1xi1> to vector<200x64xi1>
    %broadcast_in_dim3A_566 = vector.broadcast %jit3A_563 : f32 to vector<200x64xf32>
    %select_n3A_567 = arith.select %broadcast_in_dim3A_565, %select_n3A, %broadcast_in_dim3A_566 : vector<200x64xi1>, vector<200x64xf32>
    %reduce_max3A_568 = arith.constant dense<0xFF800000> : vector<64xf32>
    %reduce_max3A_569 = vector.multi_reduction <maximumf>, %select_n3A_567, %reduce_max3A_568 [0] : vector<200x64xf32> to vector<64xf32>
    %broadcast_in_dim3A_570 = vector.shape_cast %reduce_max3A_569 : vector<64xf32> to vector<1x64xf32>
    %eq3A_571 = arith.constant 49 : i32
    %eq3A_572 = vector.broadcast %eq3A_571 : i32 to vector<200x1xi32>
    %eq3A_573 = arith.cmpi eq, %get3A_34, %eq3A_572 : vector<200x1xi32>
    %jit3A_574 = arith.constant 0xFF800000 : f32
    %broadcast_in_dim3A_575 = vector.shape_cast %eq3A_573 : vector<200x1xi1> to vector<200x1xi1>
    %broadcast_in_dim3A_576 = vector.broadcast %broadcast_in_dim3A_575 : vector<200x1xi1> to vector<200x64xi1>
    %broadcast_in_dim3A_577 = vector.broadcast %jit3A_574 : f32 to vector<200x64xf32>
    %select_n3A_578 = arith.select %broadcast_in_dim3A_576, %select_n3A, %broadcast_in_dim3A_577 : vector<200x64xi1>, vector<200x64xf32>
    %reduce_max3A_579 = arith.constant dense<0xFF800000> : vector<64xf32>
    %reduce_max3A_580 = vector.multi_reduction <maximumf>, %select_n3A_578, %reduce_max3A_579 [0] : vector<200x64xf32> to vector<64xf32>
    %broadcast_in_dim3A_581 = vector.shape_cast %reduce_max3A_580 : vector<64xf32> to vector<1x64xf32>
    %eq3A_582 = arith.constant 50 : i32
    %eq3A_583 = vector.broadcast %eq3A_582 : i32 to vector<200x1xi32>
    %eq3A_584 = arith.cmpi eq, %get3A_34, %eq3A_583 : vector<200x1xi32>
    %jit3A_585 = arith.constant 0xFF800000 : f32
    %broadcast_in_dim3A_586 = vector.shape_cast %eq3A_584 : vector<200x1xi1> to vector<200x1xi1>
    %broadcast_in_dim3A_587 = vector.broadcast %broadcast_in_dim3A_586 : vector<200x1xi1> to vector<200x64xi1>
    %broadcast_in_dim3A_588 = vector.broadcast %jit3A_585 : f32 to vector<200x64xf32>
    %select_n3A_589 = arith.select %broadcast_in_dim3A_587, %select_n3A, %broadcast_in_dim3A_588 : vector<200x64xi1>, vector<200x64xf32>
    %reduce_max3A_590 = arith.constant dense<0xFF800000> : vector<64xf32>
    %reduce_max3A_591 = vector.multi_reduction <maximumf>, %select_n3A_589, %reduce_max3A_590 [0] : vector<200x64xf32> to vector<64xf32>
    %broadcast_in_dim3A_592 = vector.shape_cast %reduce_max3A_591 : vector<64xf32> to vector<1x64xf32>
    %eq3A_593 = arith.constant 51 : i32
    %eq3A_594 = vector.broadcast %eq3A_593 : i32 to vector<200x1xi32>
    %eq3A_595 = arith.cmpi eq, %get3A_34, %eq3A_594 : vector<200x1xi32>
    %jit3A_596 = arith.constant 0xFF800000 : f32
    %broadcast_in_dim3A_597 = vector.shape_cast %eq3A_595 : vector<200x1xi1> to vector<200x1xi1>
    %broadcast_in_dim3A_598 = vector.broadcast %broadcast_in_dim3A_597 : vector<200x1xi1> to vector<200x64xi1>
    %broadcast_in_dim3A_599 = vector.broadcast %jit3A_596 : f32 to vector<200x64xf32>
    %select_n3A_600 = arith.select %broadcast_in_dim3A_598, %select_n3A, %broadcast_in_dim3A_599 : vector<200x64xi1>, vector<200x64xf32>
    %reduce_max3A_601 = arith.constant dense<0xFF800000> : vector<64xf32>
    %reduce_max3A_602 = vector.multi_reduction <maximumf>, %select_n3A_600, %reduce_max3A_601 [0] : vector<200x64xf32> to vector<64xf32>
    %broadcast_in_dim3A_603 = vector.shape_cast %reduce_max3A_602 : vector<64xf32> to vector<1x64xf32>
    %eq3A_604 = arith.constant 52 : i32
    %eq3A_605 = vector.broadcast %eq3A_604 : i32 to vector<200x1xi32>
    %eq3A_606 = arith.cmpi eq, %get3A_34, %eq3A_605 : vector<200x1xi32>
    %jit3A_607 = arith.constant 0xFF800000 : f32
    %broadcast_in_dim3A_608 = vector.shape_cast %eq3A_606 : vector<200x1xi1> to vector<200x1xi1>
    %broadcast_in_dim3A_609 = vector.broadcast %broadcast_in_dim3A_608 : vector<200x1xi1> to vector<200x64xi1>
    %broadcast_in_dim3A_610 = vector.broadcast %jit3A_607 : f32 to vector<200x64xf32>
    %select_n3A_611 = arith.select %broadcast_in_dim3A_609, %select_n3A, %broadcast_in_dim3A_610 : vector<200x64xi1>, vector<200x64xf32>
    %reduce_max3A_612 = arith.constant dense<0xFF800000> : vector<64xf32>
    %reduce_max3A_613 = vector.multi_reduction <maximumf>, %select_n3A_611, %reduce_max3A_612 [0] : vector<200x64xf32> to vector<64xf32>
    %broadcast_in_dim3A_614 = vector.shape_cast %reduce_max3A_613 : vector<64xf32> to vector<1x64xf32>
    %eq3A_615 = arith.constant 53 : i32
    %eq3A_616 = vector.broadcast %eq3A_615 : i32 to vector<200x1xi32>
    %eq3A_617 = arith.cmpi eq, %get3A_34, %eq3A_616 : vector<200x1xi32>
    %jit3A_618 = arith.constant 0xFF800000 : f32
    %broadcast_in_dim3A_619 = vector.shape_cast %eq3A_617 : vector<200x1xi1> to vector<200x1xi1>
    %broadcast_in_dim3A_620 = vector.broadcast %broadcast_in_dim3A_619 : vector<200x1xi1> to vector<200x64xi1>
    %broadcast_in_dim3A_621 = vector.broadcast %jit3A_618 : f32 to vector<200x64xf32>
    %select_n3A_622 = arith.select %broadcast_in_dim3A_620, %select_n3A, %broadcast_in_dim3A_621 : vector<200x64xi1>, vector<200x64xf32>
    %reduce_max3A_623 = arith.constant dense<0xFF800000> : vector<64xf32>
    %reduce_max3A_624 = vector.multi_reduction <maximumf>, %select_n3A_622, %reduce_max3A_623 [0] : vector<200x64xf32> to vector<64xf32>
    %broadcast_in_dim3A_625 = vector.shape_cast %reduce_max3A_624 : vector<64xf32> to vector<1x64xf32>
    %eq3A_626 = arith.constant 54 : i32
    %eq3A_627 = vector.broadcast %eq3A_626 : i32 to vector<200x1xi32>
    %eq3A_628 = arith.cmpi eq, %get3A_34, %eq3A_627 : vector<200x1xi32>
    %jit3A_629 = arith.constant 0xFF800000 : f32
    %broadcast_in_dim3A_630 = vector.shape_cast %eq3A_628 : vector<200x1xi1> to vector<200x1xi1>
    %broadcast_in_dim3A_631 = vector.broadcast %broadcast_in_dim3A_630 : vector<200x1xi1> to vector<200x64xi1>
    %broadcast_in_dim3A_632 = vector.broadcast %jit3A_629 : f32 to vector<200x64xf32>
    %select_n3A_633 = arith.select %broadcast_in_dim3A_631, %select_n3A, %broadcast_in_dim3A_632 : vector<200x64xi1>, vector<200x64xf32>
    %reduce_max3A_634 = arith.constant dense<0xFF800000> : vector<64xf32>
    %reduce_max3A_635 = vector.multi_reduction <maximumf>, %select_n3A_633, %reduce_max3A_634 [0] : vector<200x64xf32> to vector<64xf32>
    %broadcast_in_dim3A_636 = vector.shape_cast %reduce_max3A_635 : vector<64xf32> to vector<1x64xf32>
    %eq3A_637 = arith.constant 55 : i32
    %eq3A_638 = vector.broadcast %eq3A_637 : i32 to vector<200x1xi32>
    %eq3A_639 = arith.cmpi eq, %get3A_34, %eq3A_638 : vector<200x1xi32>
    %jit3A_640 = arith.constant 0xFF800000 : f32
    %broadcast_in_dim3A_641 = vector.shape_cast %eq3A_639 : vector<200x1xi1> to vector<200x1xi1>
    %broadcast_in_dim3A_642 = vector.broadcast %broadcast_in_dim3A_641 : vector<200x1xi1> to vector<200x64xi1>
    %broadcast_in_dim3A_643 = vector.broadcast %jit3A_640 : f32 to vector<200x64xf32>
    %select_n3A_644 = arith.select %broadcast_in_dim3A_642, %select_n3A, %broadcast_in_dim3A_643 : vector<200x64xi1>, vector<200x64xf32>
    %reduce_max3A_645 = arith.constant dense<0xFF800000> : vector<64xf32>
    %reduce_max3A_646 = vector.multi_reduction <maximumf>, %select_n3A_644, %reduce_max3A_645 [0] : vector<200x64xf32> to vector<64xf32>
    %broadcast_in_dim3A_647 = vector.shape_cast %reduce_max3A_646 : vector<64xf32> to vector<1x64xf32>
    %eq3A_648 = arith.constant 56 : i32
    %eq3A_649 = vector.broadcast %eq3A_648 : i32 to vector<200x1xi32>
    %eq3A_650 = arith.cmpi eq, %get3A_34, %eq3A_649 : vector<200x1xi32>
    %jit3A_651 = arith.constant 0xFF800000 : f32
    %broadcast_in_dim3A_652 = vector.shape_cast %eq3A_650 : vector<200x1xi1> to vector<200x1xi1>
    %broadcast_in_dim3A_653 = vector.broadcast %broadcast_in_dim3A_652 : vector<200x1xi1> to vector<200x64xi1>
    %broadcast_in_dim3A_654 = vector.broadcast %jit3A_651 : f32 to vector<200x64xf32>
    %select_n3A_655 = arith.select %broadcast_in_dim3A_653, %select_n3A, %broadcast_in_dim3A_654 : vector<200x64xi1>, vector<200x64xf32>
    %reduce_max3A_656 = arith.constant dense<0xFF800000> : vector<64xf32>
    %reduce_max3A_657 = vector.multi_reduction <maximumf>, %select_n3A_655, %reduce_max3A_656 [0] : vector<200x64xf32> to vector<64xf32>
    %broadcast_in_dim3A_658 = vector.shape_cast %reduce_max3A_657 : vector<64xf32> to vector<1x64xf32>
    %eq3A_659 = arith.constant 57 : i32
    %eq3A_660 = vector.broadcast %eq3A_659 : i32 to vector<200x1xi32>
    %eq3A_661 = arith.cmpi eq, %get3A_34, %eq3A_660 : vector<200x1xi32>
    %jit3A_662 = arith.constant 0xFF800000 : f32
    %broadcast_in_dim3A_663 = vector.shape_cast %eq3A_661 : vector<200x1xi1> to vector<200x1xi1>
    %broadcast_in_dim3A_664 = vector.broadcast %broadcast_in_dim3A_663 : vector<200x1xi1> to vector<200x64xi1>
    %broadcast_in_dim3A_665 = vector.broadcast %jit3A_662 : f32 to vector<200x64xf32>
    %select_n3A_666 = arith.select %broadcast_in_dim3A_664, %select_n3A, %broadcast_in_dim3A_665 : vector<200x64xi1>, vector<200x64xf32>
    %reduce_max3A_667 = arith.constant dense<0xFF800000> : vector<64xf32>
    %reduce_max3A_668 = vector.multi_reduction <maximumf>, %select_n3A_666, %reduce_max3A_667 [0] : vector<200x64xf32> to vector<64xf32>
    %broadcast_in_dim3A_669 = vector.shape_cast %reduce_max3A_668 : vector<64xf32> to vector<1x64xf32>
    %eq3A_670 = arith.constant 58 : i32
    %eq3A_671 = vector.broadcast %eq3A_670 : i32 to vector<200x1xi32>
    %eq3A_672 = arith.cmpi eq, %get3A_34, %eq3A_671 : vector<200x1xi32>
    %jit3A_673 = arith.constant 0xFF800000 : f32
    %broadcast_in_dim3A_674 = vector.shape_cast %eq3A_672 : vector<200x1xi1> to vector<200x1xi1>
    %broadcast_in_dim3A_675 = vector.broadcast %broadcast_in_dim3A_674 : vector<200x1xi1> to vector<200x64xi1>
    %broadcast_in_dim3A_676 = vector.broadcast %jit3A_673 : f32 to vector<200x64xf32>
    %select_n3A_677 = arith.select %broadcast_in_dim3A_675, %select_n3A, %broadcast_in_dim3A_676 : vector<200x64xi1>, vector<200x64xf32>
    %reduce_max3A_678 = arith.constant dense<0xFF800000> : vector<64xf32>
    %reduce_max3A_679 = vector.multi_reduction <maximumf>, %select_n3A_677, %reduce_max3A_678 [0] : vector<200x64xf32> to vector<64xf32>
    %broadcast_in_dim3A_680 = vector.shape_cast %reduce_max3A_679 : vector<64xf32> to vector<1x64xf32>
    %eq3A_681 = arith.constant 59 : i32
    %eq3A_682 = vector.broadcast %eq3A_681 : i32 to vector<200x1xi32>
    %eq3A_683 = arith.cmpi eq, %get3A_34, %eq3A_682 : vector<200x1xi32>
    %jit3A_684 = arith.constant 0xFF800000 : f32
    %broadcast_in_dim3A_685 = vector.shape_cast %eq3A_683 : vector<200x1xi1> to vector<200x1xi1>
    %broadcast_in_dim3A_686 = vector.broadcast %broadcast_in_dim3A_685 : vector<200x1xi1> to vector<200x64xi1>
    %broadcast_in_dim3A_687 = vector.broadcast %jit3A_684 : f32 to vector<200x64xf32>
    %select_n3A_688 = arith.select %broadcast_in_dim3A_686, %select_n3A, %broadcast_in_dim3A_687 : vector<200x64xi1>, vector<200x64xf32>
    %reduce_max3A_689 = arith.constant dense<0xFF800000> : vector<64xf32>
    %reduce_max3A_690 = vector.multi_reduction <maximumf>, %select_n3A_688, %reduce_max3A_689 [0] : vector<200x64xf32> to vector<64xf32>
    %broadcast_in_dim3A_691 = vector.shape_cast %reduce_max3A_690 : vector<64xf32> to vector<1x64xf32>
    %eq3A_692 = arith.constant 60 : i32
    %eq3A_693 = vector.broadcast %eq3A_692 : i32 to vector<200x1xi32>
    %eq3A_694 = arith.cmpi eq, %get3A_34, %eq3A_693 : vector<200x1xi32>
    %jit3A_695 = arith.constant 0xFF800000 : f32
    %broadcast_in_dim3A_696 = vector.shape_cast %eq3A_694 : vector<200x1xi1> to vector<200x1xi1>
    %broadcast_in_dim3A_697 = vector.broadcast %broadcast_in_dim3A_696 : vector<200x1xi1> to vector<200x64xi1>
    %broadcast_in_dim3A_698 = vector.broadcast %jit3A_695 : f32 to vector<200x64xf32>
    %select_n3A_699 = arith.select %broadcast_in_dim3A_697, %select_n3A, %broadcast_in_dim3A_698 : vector<200x64xi1>, vector<200x64xf32>
    %reduce_max3A_700 = arith.constant dense<0xFF800000> : vector<64xf32>
    %reduce_max3A_701 = vector.multi_reduction <maximumf>, %select_n3A_699, %reduce_max3A_700 [0] : vector<200x64xf32> to vector<64xf32>
    %broadcast_in_dim3A_702 = vector.shape_cast %reduce_max3A_701 : vector<64xf32> to vector<1x64xf32>
    %eq3A_703 = arith.constant 61 : i32
    %eq3A_704 = vector.broadcast %eq3A_703 : i32 to vector<200x1xi32>
    %eq3A_705 = arith.cmpi eq, %get3A_34, %eq3A_704 : vector<200x1xi32>
    %jit3A_706 = arith.constant 0xFF800000 : f32
    %broadcast_in_dim3A_707 = vector.shape_cast %eq3A_705 : vector<200x1xi1> to vector<200x1xi1>
    %broadcast_in_dim3A_708 = vector.broadcast %broadcast_in_dim3A_707 : vector<200x1xi1> to vector<200x64xi1>
    %broadcast_in_dim3A_709 = vector.broadcast %jit3A_706 : f32 to vector<200x64xf32>
    %select_n3A_710 = arith.select %broadcast_in_dim3A_708, %select_n3A, %broadcast_in_dim3A_709 : vector<200x64xi1>, vector<200x64xf32>
    %reduce_max3A_711 = arith.constant dense<0xFF800000> : vector<64xf32>
    %reduce_max3A_712 = vector.multi_reduction <maximumf>, %select_n3A_710, %reduce_max3A_711 [0] : vector<200x64xf32> to vector<64xf32>
    %broadcast_in_dim3A_713 = vector.shape_cast %reduce_max3A_712 : vector<64xf32> to vector<1x64xf32>
    %eq3A_714 = arith.constant 62 : i32
    %eq3A_715 = vector.broadcast %eq3A_714 : i32 to vector<200x1xi32>
    %eq3A_716 = arith.cmpi eq, %get3A_34, %eq3A_715 : vector<200x1xi32>
    %jit3A_717 = arith.constant 0xFF800000 : f32
    %broadcast_in_dim3A_718 = vector.shape_cast %eq3A_716 : vector<200x1xi1> to vector<200x1xi1>
    %broadcast_in_dim3A_719 = vector.broadcast %broadcast_in_dim3A_718 : vector<200x1xi1> to vector<200x64xi1>
    %broadcast_in_dim3A_720 = vector.broadcast %jit3A_717 : f32 to vector<200x64xf32>
    %select_n3A_721 = arith.select %broadcast_in_dim3A_719, %select_n3A, %broadcast_in_dim3A_720 : vector<200x64xi1>, vector<200x64xf32>
    %reduce_max3A_722 = arith.constant dense<0xFF800000> : vector<64xf32>
    %reduce_max3A_723 = vector.multi_reduction <maximumf>, %select_n3A_721, %reduce_max3A_722 [0] : vector<200x64xf32> to vector<64xf32>
    %broadcast_in_dim3A_724 = vector.shape_cast %reduce_max3A_723 : vector<64xf32> to vector<1x64xf32>
    %eq3A_725 = arith.constant 63 : i32
    %eq3A_726 = vector.broadcast %eq3A_725 : i32 to vector<200x1xi32>
    %eq3A_727 = arith.cmpi eq, %get3A_34, %eq3A_726 : vector<200x1xi32>
    %jit3A_728 = arith.constant 0xFF800000 : f32
    %broadcast_in_dim3A_729 = vector.shape_cast %eq3A_727 : vector<200x1xi1> to vector<200x1xi1>
    %broadcast_in_dim3A_730 = vector.broadcast %broadcast_in_dim3A_729 : vector<200x1xi1> to vector<200x64xi1>
    %broadcast_in_dim3A_731 = vector.broadcast %jit3A_728 : f32 to vector<200x64xf32>
    %select_n3A_732 = arith.select %broadcast_in_dim3A_730, %select_n3A, %broadcast_in_dim3A_731 : vector<200x64xi1>, vector<200x64xf32>
    %reduce_max3A_733 = arith.constant dense<0xFF800000> : vector<64xf32>
    %reduce_max3A_734 = vector.multi_reduction <maximumf>, %select_n3A_732, %reduce_max3A_733 [0] : vector<200x64xf32> to vector<64xf32>
    %broadcast_in_dim3A_735 = vector.shape_cast %reduce_max3A_734 : vector<64xf32> to vector<1x64xf32>
    %concatenate3A = tpu.concatenate %broadcast_in_dim3A_42, %broadcast_in_dim3A_53, %broadcast_in_dim3A_64, %broadcast_in_dim3A_75, %broadcast_in_dim3A_86, %broadcast_in_dim3A_97, %broadcast_in_dim3A_108, %broadcast_in_dim3A_119, %broadcast_in_dim3A_130, %broadcast_in_dim3A_141, %broadcast_in_dim3A_152, %broadcast_in_dim3A_163, %broadcast_in_dim3A_174, %broadcast_in_dim3A_185, %broadcast_in_dim3A_196, %broadcast_in_dim3A_207, %broadcast_in_dim3A_218, %broadcast_in_dim3A_229, %broadcast_in_dim3A_240, %broadcast_in_dim3A_251, %broadcast_in_dim3A_262, %broadcast_in_dim3A_273, %broadcast_in_dim3A_284, %broadcast_in_dim3A_295, %broadcast_in_dim3A_306, %broadcast_in_dim3A_317, %broadcast_in_dim3A_328, %broadcast_in_dim3A_339, %broadcast_in_dim3A_350, %broadcast_in_dim3A_361, %broadcast_in_dim3A_372, %broadcast_in_dim3A_383, %broadcast_in_dim3A_394, %broadcast_in_dim3A_405, %broadcast_in_dim3A_416, %broadcast_in_dim3A_427, %broadcast_in_dim3A_438, %broadcast_in_dim3A_449, %broadcast_in_dim3A_460, %broadcast_in_dim3A_471, %broadcast_in_dim3A_482, %broadcast_in_dim3A_493, %broadcast_in_dim3A_504, %broadcast_in_dim3A_515, %broadcast_in_dim3A_526, %broadcast_in_dim3A_537, %broadcast_in_dim3A_548, %broadcast_in_dim3A_559, %broadcast_in_dim3A_570, %broadcast_in_dim3A_581, %broadcast_in_dim3A_592, %broadcast_in_dim3A_603, %broadcast_in_dim3A_614, %broadcast_in_dim3A_625, %broadcast_in_dim3A_636, %broadcast_in_dim3A_647, %broadcast_in_dim3A_658, %broadcast_in_dim3A_669, %broadcast_in_dim3A_680, %broadcast_in_dim3A_691, %broadcast_in_dim3A_702, %broadcast_in_dim3A_713, %broadcast_in_dim3A_724, %broadcast_in_dim3A_735 in 0 : vector<1x64xf32>, vector<1x64xf32>, vector<1x64xf32>, vector<1x64xf32>, vector<1x64xf32>, vector<1x64xf32>, vector<1x64xf32>, vector<1x64xf32>, vector<1x64xf32>, vector<1x64xf32>, vector<1x64xf32>, vector<1x64xf32>, vector<1x64xf32>, vector<1x64xf32>, vector<1x64xf32>, vector<1x64xf32>, vector<1x64xf32>, vector<1x64xf32>, vector<1x64xf32>, vector<1x64xf32>, vector<1x64xf32>, vector<1x64xf32>, vector<1x64xf32>, vector<1x64xf32>, vector<1x64xf32>, vector<1x64xf32>, vector<1x64xf32>, vector<1x64xf32>, vector<1x64xf32>, vector<1x64xf32>, vector<1x64xf32>, vector<1x64xf32>, vector<1x64xf32>, vector<1x64xf32>, vector<1x64xf32>, vector<1x64xf32>, vector<1x64xf32>, vector<1x64xf32>, vector<1x64xf32>, vector<1x64xf32>, vector<1x64xf32>, vector<1x64xf32>, vector<1x64xf32>, vector<1x64xf32>, vector<1x64xf32>, vector<1x64xf32>, vector<1x64xf32>, vector<1x64xf32>, vector<1x64xf32>, vector<1x64xf32>, vector<1x64xf32>, vector<1x64xf32>, vector<1x64xf32>, vector<1x64xf32>, vector<1x64xf32>, vector<1x64xf32>, vector<1x64xf32>, vector<1x64xf32>, vector<1x64xf32>, vector<1x64xf32>, vector<1x64xf32>, vector<1x64xf32>, vector<1x64xf32>, vector<1x64xf32> -> vector<64x64xf32>
    %get3A_736 = arith.constant 0 : index
    %get3A_737 = arith.constant 0 : index
    %get3A_738 = vector.load %arg10[%get3A_736, %get3A_737] : memref<64x64xf32, #tpu.memory_space<vmem>>, vector<64x64xf32>
    %max3A = arith.maximumf %get3A_738, %concatenate3A : vector<64x64xf32>
    %swap3A = arith.constant 0 : index
    %swap3A_739 = arith.constant 0 : index
    %swap3A_740 = vector.load %arg10[%swap3A, %swap3A_739] : memref<64x64xf32, #tpu.memory_space<vmem>>, vector<64x64xf32>
    tpu.vector_store %arg10[%swap3A, %swap3A_739], %max3A {strides = array<i32>} : memref<64x64xf32, #tpu.memory_space<vmem>>, vector<64x64xf32>,
    %eq3A_741 = arith.constant 49 : i32
    %eq3A_742 = arith.cmpi eq, %arg0, %eq3A_741 : i32
    %convert_element_type3A_743 = arith.extui %eq3A_742 : i1 to i32
    %cond3A_744 = arith.constant 0 : i32
    %cond3A_745 = arith.cmpi ne, %convert_element_type3A_743, %cond3A_744 : i32
    scf.if %cond3A_745 {
      %get3A_746 = arith.constant 0 : index
      %get3A_747 = arith.constant 0 : index
      %get3A_748 = vector.load %arg10[%get3A_746, %get3A_747] : memref<64x64xf32, #tpu.memory_space<vmem>>, vector<64x64xf32>
      %get3A_749 = arith.constant 0 : index
      %get3A_750 = arith.constant 0 : index
      %get3A_751 = vector.load %arg7[%get3A_749, %get3A_750] : memref<64x1xf32, #tpu.memory_space<vmem>>, vector<64x1xf32>
      %dot_general3A = arith.constant dense<0.000000e+00> : vector<64x1xf32>
      %dot_general3A_752 = tpu.matmul %get3A_748, %get3A_751, %dot_general3A {dimension_numbers = #tpu.dot_dimension_numbers<[1], [0], [0], [1], [0, 0, 1, 1], [], []>, transpose_lhs_hint = false} : vector<64x64xf32>, vector<64x1xf32>, vector<64x1xf32> -> vector<64x1xf32>
      %get3A_753 = arith.constant 0 : index
      %get3A_754 = arith.constant 0 : index
      %get3A_755 = vector.load %arg8[%get3A_753, %get3A_754] : memref<1x1xf32, #tpu.memory_space<vmem>>, vector<1x1xf32>
      %add3A_756 = vector.broadcast %get3A_755 : vector<1x1xf32> to vector<64x1xf32>
      %add3A_757 = arith.addf %dot_general3A_752, %add3A_756 : vector<64x1xf32>
      %swap3A_758 = arith.constant 0 : index
      %swap3A_759 = arith.constant 0 : index
      %swap3A_760 = vector.load %arg9[%swap3A_758, %swap3A_759] : memref<64x1xf32, #tpu.memory_space<vmem>>, vector<64x1xf32>
      tpu.vector_store %arg9[%swap3A_758, %swap3A_759], %add3A_757 {strides = array<i32>} : memref<64x1xf32, #tpu.memory_space<vmem>>, vector<64x1xf32>,
    } else {
    }
    return
  }
  func.func @transform_0(%arg0: i32) -> (i32, i32, i32) {
    %c0_i32 = arith.constant 0 : i32
    %c0_i32_0 = arith.constant 0 : i32
    %c0_i32_1 = arith.constant 0 : i32
    return %c0_i32, %arg0, %c0_i32_0 : i32, i32, i32
  }
  func.func @transform_1(%arg0: i32) -> (i32, i32) {
    %c0_i32 = arith.constant 0 : i32
    %c0_i32_0 = arith.constant 0 : i32
    return %arg0, %c0_i32 : i32, i32
  }
  func.func @transform_2(%arg0: i32) -> (i32, i32) {
    %c0_i32 = arith.constant 0 : i32
    %c0_i32_0 = arith.constant 0 : i32
    return %arg0, %c0_i32 : i32, i32
  }
  func.func @transform_3(%arg0: i32) -> (i32, i32) {
    %c0_i32 = arith.constant 0 : i32
    %c0_i32_0 = arith.constant 0 : i32
    return %arg0, %c0_i32 : i32, i32
  }
  func.func @transform_4(%arg0: i32) -> (i32, i32) {
    %c0_i32 = arith.constant 0 : i32
    %c0_i32_0 = arith.constant 0 : i32
    %c0_i32_1 = arith.constant 0 : i32
    return %c0_i32, %c0_i32_0 : i32, i32
  }
  func.func @transform_5(%arg0: i32) -> (i32, i32) {
    %c0_i32 = arith.constant 0 : i32
    %c0_i32_0 = arith.constant 0 : i32
    %c0_i32_1 = arith.constant 0 : i32
    return %c0_i32, %c0_i32_0 : i32, i32
  }
  func.func @transform_6(%arg0: i32) -> (i32, i32) {
    %c0_i32 = arith.constant 0 : i32
    %c0_i32_0 = arith.constant 0 : i32
    %c0_i32_1 = arith.constant 0 : i32
    return %c0_i32, %c0_i32_0 : i32, i32
  }
  func.func @transform_7(%arg0: i32) -> (i32, i32) {
    %c0_i32 = arith.constant 0 : i32
    %c0_i32_0 = arith.constant 0 : i32
    %c0_i32_1 = arith.constant 0 : i32
    return %c0_i32, %c0_i32_0 : i32, i32
  }
  func.func @transform_8(%arg0: i32) -> (i32, i32) {
    %c0_i32 = arith.constant 0 : i32
    %c0_i32_0 = arith.constant 0 : i32
    %c0_i32_1 = arith.constant 0 : i32
    return %c0_i32, %c0_i32_0 : i32, i32
  }
}

</mosaic_0001>

<sc_bundles>
// kernel: kernel.11.cloned.1.call-start
scs
__scs_entry_jumppad:
0x0: {  	(pc) =	sbr.rel $0x88, $3  }
0x1: {  	(tag) =	ssettag $0x0;
	lr =	simm.s32 $0x1  }
0x2: {  	[smem:$0x3F90] =	sst lr;
	_ =	strace $0xD0000000  }
0x3: {  	_ = 	snop  }
0x4: {  	_ = 	snop  }
0x5: {  	_ = 	snop  }
0x6: {  	_ = 	snop  }
0x7: {  	_ = 	snop  }
__scs_overlays_trampoline_lowered:
0x8: {  	[smem:$0x3F9F] =	sst s0  }
0x9: {  	[smem:$0x3FA0] =	sst s1  }
0xa: {  	[smem:$0x3FA1] =	sst s2  }
0xb: {  	[smem:$0x3FA2] =	sst s3  }
0xc: {  	[smem:$0x3FA3] =	sst s4  }
0xd: {  	[smem:$0x3FA4] =	sst s5  }
0xe: {  	[smem:$0x3FA5] =	sst s6  }
0xf: {  	[smem:$0x3FA6] =	sst s7  }
0x10: {  	[smem:$0x3FA7] =	sst s8  }
0x11: {  	[smem:$0x3FA8] =	sst s9;
	s0 =	simm.s32 @!p0 $0x0  }
0x12: {  	s1 =	sld [smem:$0x3F8E];
	s0 =	simm.s32 @p0 $0x1  }
0x13: {  	[smem:$0x3FA9] =	sst s0;
	s0 =	simm.s32 @!p1 $0x0  }
0x14: {  	s2 =	sld [smem:$0x3F8D];
	s0 =	simm.s32 @p1 $0x1  }
0x15: {  	[smem:$0x3FAA] =	sst s0;
	s0 =	simm.s32 @!p2 $0x0  }
0x16: {  	s3 =	sld [smem:$0x3FDB];
	s0 =	simm.s32 @p2 $0x1  }
0x17: {  	s4 =	simm.s32 $0x1BF5;
	[smem:$0x3FAC] =	sst s0  }
0x18: {  	s0 =	sld [smem:$0x3F8F];
	_ =	swait.ge [sflag:s4], $0x0  }
0x19: {  	s7 =	sld [smem:$0x3F90]  }
0x1a: {  	s8 =	sadd.s32 $0xFFFFE003, lr  }
0x1b: {  	s9 =	sadd.s32 $0xFFFFFEF7, lr;
	s5 =	simm.s32 $0xFFFFFFFF;
	p2 =	slt.u32 s8, $0xFFFFF086  }
0x1c: {  	p1 =	slt.u32 s9, $0xF7A;
	s5 =	simm.s32 @!p2 $0x0  }
0x1d: {  	s5 =	simm.s32 @p1 $0x1;
	p0 =	seq.s32 s7, s2  }
0x1e: {  	s7 =	smul.u32 @!p0 $0xF7A, s2;
	p2 =	seq.s32 @!p0 s5, $0x0  }
0x1f: {  	s9 =	smul.u32 $0xF7A, s1;
	s8 =	simm.s32 @!p0 $0x1BF5;
	p2 =	por !p2, p0  }
0x20: {  	[sflag:s8] =	ssyncset.s32 @!p0 $0xFFFFF086;
	s6 =	sadd.s32 @!p0 s3, s7;
	s7 =	simm.s32 @!p0 $0x108  }
0x21: {  	s3 =	sadd.s32 s3, s9;
	s6 =	sadd.s32 @!p0 $0x88, s6;
	s7 =	simm.s32 @p2 $0x1082  }
0x22: {  	[simem:s7], [sflag:s8] =	dma.local @!p0 [hbm:s6], $0xF7A  }
0x23: {  	s9 =	sor.u32 $0xD0000000, s2;
	s6 =	simm.s32 $0x108;
	_ =	swait.ge @!p0 [sflag:s8], $0x0  }
0x24: {  	s3 =	sadd.s32 $0x88, s3;
	s6 =	simm.s32 @!p1 $0x1082;
	[sflag:s4] =	ssyncset.s32 $0xFFFFF086  }
0x25: {  	[simem:s6], [sflag:s4] =	dma.local [hbm:s3], $0xF7A  }
0x26: {  	[smem:$0x3F90] =	sst s1;
	(tag) =	ssettag s2;
	_ =	strace s9  }
0x27: {  	s1 =	sld [smem:$0x3FA0]  }
0x28: {  	s2 =	sld [smem:$0x3FA1]  }
0x29: {  	s4 =	sld [smem:$0x3FA3]  }
0x2a: {  	p0 =	seq.s32 s5, $0x0;
	s5 =	sld [smem:$0x3FA4]  }
0x2b: {  	s6 =	sld [smem:$0x3FA5]  }
0x2c: {  	s7 =	sld [smem:$0x3FA6]  }
0x2d: {  	s3 =	simm.s32 $0x108;
	s8 =	sld [smem:$0x3FA7]  }
0x2e: {  	s3 =	simm.s32 @!p0 $0x1082;
	s9 =	sld [smem:$0x3FA8]  }
0x2f: {  	lr =	sadd.s32 s0, s3;
	s0 =	sld [smem:$0x3F9F]  }
0x30: {  	s3 =	sld [smem:$0x3FA2]  }
0x31: {  	[smem:$0x3FAB] =	sst s10  }
0x32: {  	s10 =	sld [smem:$0x3FA9];
	_ =	sdelay $0x3  }
0x33: {  	p0 =	seq.s32 s10, $0x1;
	s10 =	sld [smem:$0x3FAB];
	_ =	sdelay $0x3  }
0x34: {  	[smem:$0x3FAB] =	sst s10  }
0x35: {  	s10 =	sld [smem:$0x3FAA];
	_ =	sdelay $0x3  }
0x36: {  	p1 =	seq.s32 s10, $0x1;
	s10 =	sld [smem:$0x3FAB];
	_ =	sdelay $0x3  }
0x37: {  	[smem:$0x3FAB] =	sst s10  }
0x38: {  	s10 =	sld [smem:$0x3FAC]  }
0x39: {  	_ = 	snop;
	(pc) =	sbr.ind lr, $3  }
0x3a: {  	_ = 	snop  }
0x3b: {  	_ = 	snop  }
0x3c: {  	p2 =	seq.s32 s10, $0x1;
	s10 =	sld [smem:$0x3FAB]  }
0x3d: {  	_ =	shalt  }
0x3e: {  	_ =	shalt  }
0x3f: {  	_ =	shalt  }
0x40: {  	_ =	shalt  }
0x41: {  	_ =	shalt  }
0x42: {  	_ =	shalt  }
0x43: {  	_ =	shalt  }
0x44: {  	_ =	shalt  }
0x45: {  	_ =	shalt  }
0x46: {  	_ =	shalt  }
0x47: {  	_ =	shalt  }
0x48: {  	_ =	shalt  }
0x49: {  	_ =	shalt  }
0x4a: {  	_ =	shalt  }
0x4b: {  	_ =	shalt  }
0x4c: {  	_ =	shalt  }
0x4d: {  	_ =	shalt  }
0x4e: {  	_ =	shalt  }
0x4f: {  	_ =	shalt  }
0x50: {  	_ =	shalt  }
0x51: {  	_ =	shalt  }
0x52: {  	_ =	shalt  }
0x53: {  	_ =	shalt  }
0x54: {  	_ =	shalt  }
0x55: {  	_ =	shalt  }
0x56: {  	_ =	shalt  }
0x57: {  	_ =	shalt  }
0x58: {  	_ =	shalt  }
0x59: {  	_ =	shalt  }
0x5a: {  	_ =	shalt  }
0x5b: {  	_ =	shalt  }
0x5c: {  	_ =	shalt  }
0x5d: {  	_ =	shalt  }
0x5e: {  	_ =	shalt  }
0x5f: {  	_ =	shalt  }
0x60: {  	_ =	shalt  }
0x61: {  	_ =	shalt  }
0x62: {  	_ =	shalt  }
0x63: {  	_ =	shalt  }
0x64: {  	_ =	shalt  }
0x65: {  	_ =	shalt  }
0x66: {  	_ =	shalt  }
0x67: {  	_ =	shalt  }
0x68: {  	_ =	shalt  }
0x69: {  	_ =	shalt  }
0x6a: {  	_ =	shalt  }
0x6b: {  	_ =	shalt  }
0x6c: {  	_ =	shalt  }
0x6d: {  	_ =	shalt  }
0x6e: {  	_ =	shalt  }
0x6f: {  	_ =	shalt  }
0x70: {  	_ =	shalt  }
0x71: {  	_ =	shalt  }
0x72: {  	_ =	shalt  }
0x73: {  	_ =	shalt  }
0x74: {  	_ =	shalt  }
0x75: {  	_ =	shalt  }
0x76: {  	_ =	shalt  }
0x77: {  	_ =	shalt  }
0x78: {  	_ =	shalt  }
0x79: {  	_ =	shalt  }
0x7a: {  	_ =	shalt  }
0x7b: {  	_ =	shalt  }
0x7c: {  	_ =	shalt  }
0x7d: {  	_ =	shalt  }
0x7e: {  	_ =	shalt  }
0x7f: {  	_ =	shalt  }
0x80: {  	_ =	shalt  }
0x81: {  	_ =	shalt  }
0x82: {  	_ =	shalt  }
0x83: {  	_ =	shalt  }
0x84: {  	_ =	shalt  }
0x85: {  	_ =	shalt  }
0x86: {  	_ =	shalt  }
0x87: {  	_ =	shalt  }
.Lfunc_end0:
.L_simem_size_0:
called_computation_lowered:
.L_overlay_start_0:
0x88: {  	s2 =	sld [smem:$0x3FD9]  }
0x89: {  	s3 =	sld [smem:$0x3FFE];
	_ =	sdelay $0x1  }
0x8a: {  	s1 =	srdreg.scid  }
0x8b: {  	s0 =	sand.u32 $0x1, s1  }
0x8c: {  	s16 =	sshll.u32 s0, $0xA;
	s2 =	sadd.s32 s3, s2  }
0x8d: {  	s2 =	sadd.s32 s2, s16  }
0x8e: {  	[smem:$0x3FB7] =	sst s2  }
0x8f: {  	_ = 	snop  }
0x90: {  	(tm) =	ssettm $0x1  }
0x91: {  	s17 =	sld [smem:$0x3FFB];
	_ =	sdelay $0x3  }
0x92: {  	_ =	strace s17  }
0x93: {  	s2 =	sld [smem:$0x3FFC];
	_ =	sdelay $0x3  }
0x94: {  	_ =	strace s2  }
0x95: {  	s2 =	sld [smem:$0x3FFD];
	_ =	sdelay $0x3  }
0x96: {  	_ =	strace s2  }
0x97: {  	_ =	strace $0x8FFFFFFF  }
0x98: {  	s18 =	sld [smem:$0x3FDB];
	_ =	sdelay $0x1  }
0x99: {  	s19 =	simm.s32 $_scs_section_size  }
0x9a: {  	s4 =	simm.s32 $_size__tile_overlayer_lowered;
	s5 =	simm.s32 $_tile_overlayer_lowered  }
0x9b: {  	s22 =	simm.s32 $0x1BFF;
	s21 =	sshll.u32 s5, $0x1;
	s2 =	sadd.s32 s19, s18  }
0x9c: {  	s6 =	simm.s32 $0x0;
	s20 =	sshll.u32 s4, $0x1;
	s4 =	sadd.s32 s21, s2  }
0x9d: {  	[timem:s6], [sflag:s22] =	dma.local [hbm:s4], s20  }
0x9e: {  	_ =	swait.ge [sflag:s22], s20  }
0x9f: {  	s3 =	ssub.s32 $0x0, s20;
	[sflag:s22] =	ssyncset.done $0x0  }
0xa0: {  	[sflag:s22] =	ssyncadd.s32 s3;
	_ =	sdelay $0x1  }
0xa1: {  	s23 =	simm.s32 $0x1B8B  }
0xa2: {  	_ =	swait.ge [sflag:s23], $0x1  }
0xa3: {  	[sflag:s23] =	ssyncset.done $0x0  }
0xa4: {  	s25 =	simm.s32 $0x1B8E;
	s24 =	sld [smem:$0x3FFE];
	[sflag:s23] =	ssyncadd.s32 $0xFFFFFFFF  }
0xa5: {  	s26 =	simm.s32 $execute0_lowered;
	[smem:$0x3FD2] =	sst s25  }
0xa6: {  	s4 =	sshll.u32 s26, $0x1;
	_ =	strace $0x80000046;
	[dreg:$0x1] =	wrdreg $0xFFFFFFFF  }
0xa7: {  	s28 =	simm.s32 $_size_execute0_lowered;
	s2 =	sadd.s32 s2, s4;
	[dreg:$0x0] =	wrdreg $0x0  }
0xa8: {  	s4 =	sshll.u32 s28, $0x1;
	[dreg:$0x2] =	wrdreg s2  }
0xa9: {  	[dreg:$0x3] =	wrdreg s4  }
0xaa: {  	[dreg:$0x4] =	wrdreg $0xC0  }
0xab: {  	_ =	task [dreg:s6], $0x5FFFF  }
0xac: {  	[dreg:$0x1] =	wrdreg $0xFFFFFFFF  }
0xad: {  	[dreg:$0x0] =	wrdreg $0x60  }
0xae: {  	[dreg:$0x2] =	wrdreg s24  }
0xaf: {  	[dreg:$0x3] =	wrdreg $0x68000  }
0xb0: {  	[dreg:$0x4] =	wrdreg $0x9  }
0xb1: {  	_ =	task.clear_ibuf [dreg:s6], $0x5FFFF;
	_ =	strace $0x90000046  }
0xb2: {  	s29 =	simm.s32 $0x9;
	_ =	strace $0x80000048  }
0xb3: {  	_ =	swait.ge [sflag:s29], $0x1  }
0xb4: {  	[sflag:s29] =	ssyncadd.s32 $0xFFFFFFFF  }
0xb5: {  	_ =	strace $0x90000048  }
0xb6: {  	_ =	sfence  }
0xb7: {  	s30 =	sld [smem:$0x0];
	_ =	sdelay $0x2  }
0xb8: {  	s31 =	sshll.u32 s1, $0xD;
	s1 =	sshrl.u32 s1, $0x2  }
0xb9: {  	s3 =	sand.u32 $0x4000, s31;
	s1 =	sadd.s32 s1, s30  }
0xba: {  	s0 =	sor.u32 s3, s0;
	s1 =	sshll.u32 s1, $0x11  }
0xbb: {  	s0 =	sor.u32 s1, s0  }
0xbc: {  	s0 =	sadd.s32 $0x8F2B, s0  }
0xbd: {  	[sflag:s0] =	ssyncadd.remote.s32 $0x1  }
0xbe: {  	_ =	sfence.sel $0xFFFF  }
0xbf: {  	[dreg:$0x0] =	wrdreg $0xFFFFFFFF;
	(pc) =	sbr.abs _section_cstart, $3  }
0xc0: {  	[dreg:$0x1] =	wrdreg $0xFFFFFFFF  }
0xc1: {  	_ =	task.clear_ibuf [dreg:s6], $0x2FFFF;
	_ =	strace $0x9FFFFFFF  }
0xc2: {  	(tm) =	ssettm $0x7FFFFFFF  }
0xc3: {  	_ =	shalt  }
tec
execute0_lowered:
.L_overlay_start_1:
0x0: {  	(tag) =	ssettag $0x1  }
0x1: {  	s0 =	srdreg.scid;
	s6 =	rddreg [dreg:$0x0]  }
0x2: {  	s2 =	rddreg [dreg:$0x1];
	s5 =	sand.u32 $0x1, s0;
	s0 =	stileid.u32  }
0x3: {  	s3 =	simm.s32 $0x0;
	s13 =	simm.s32 $0x80;
	s7 =	smul.u32 $0x13C00, s0  }
0x4: {  	s14 =	simm.s32 $0x0;
	[smem:$0x7FF] =	sst s3;
	s8 =	smul.u32 $0x13C000, s5  }
0x5: {  	s1 =	sshll.u32 s5, $0x4;
	s5 =	ssub.s32 $0x2, s5;
	s29 =	smul.u32 $0x4F000, s0  }
0x6: {  	s31 =	sshll.u32 s0, $0x6;
	s4 =	sor.u32 s0, s1;
	s1 =	rddreg [dreg:$0x2]  }
0x7: {  	_ =	strace $0x80000047;
	s11 =	sshrl.u32 s5, $0x1;
	s4 =	smul.u32 $0x500, s4  }
0x8: {  	s10 =	sshrl.u32 s7, $0x3;
	s7 =	sadd.s32 s7, s8;
	s11 =	ssub.s32 s5, s11  }
0x9: {  	s30 =	sshrl.u32 s29, $0x2;
	s10 =	sadd.s32 s10, s6;
	s7 =	sshrl.u32 s7, $0x3  }
0xa: {  	s12 =	sadd.s32 s30, s2;
	s8 =	smax.u32 s11, $0x1;
	s11 =	sor.u32 $0x1C01, s31  }
0xb: {  	s9 =	sadd.s32 s4, s6;
	s4 =	sadd.s32 $0x3FA00, s6;
	s7 =	sadd.s32 s7, s6  }
0xc: {  	s5 =	sadd.s32 $0x18200, s10;
	s10 =	simm.s32 $0x1;
	s12 =	sshrl.u32 s12, $0x3  }
0xd: {  	s6 =	sadd.s32 $0x4200, s9;
	s7 =	sadd.s32 $0x40200, s7;
	s9 =	simm.s32 $0x2800  }
.LBB2_1:
0xe: {  	[tilespmem:s9], [sflag:$0x1] =	stream.linear.gather [hbm4b:s4+s3], $0x4000, $0x38;
	[tilespmem:$0x1A400] =	vst v63  }
0xf: {  	_ =	swait.ge [sflag:s10], $0x4000  }
0x10: {  	[sflag:s10] =	ssyncset.done $0x0  }
0x11: {  	[sflag:s10] =	ssyncadd.s32 $0xFFFFC000  }
0x12: {  	[spmem:s12], [sflag:s11] =	dma.local [hbm:s5], $0x2780  }
0x13: {  	_ =	swait.ge [sflag:s10], $0x2780  }
0x14: {  	[sflag:s10] =	ssyncset.done $0x0  }
0x15: {  	[sflag:s10] =	ssyncadd.s32 $0xFFFFD880  }
0x16: {  	[tilespmem:s3], [sflag:$0x1] =	stream.linear.gather [hbm4b:s6+s3], $0x2800, $0x38;
	[tilespmem:$0x1A400] =	vst v63  }
0x17: {  	_ =	swait.ge [sflag:s10], $0x2800  }
0x18: {  	[sflag:s10] =	ssyncset.done $0x0  }
0x19: {  	[sflag:s10] =	ssyncadd.s32 $0xFFFFD800  }
0x1a: {  	s15 =	simm.s32 $0x0;
	[bflag:$0x0] =	sbarrier.arrive $0xFFFF  }
0x1b: {  	[spmem:s2] =	stream.indirect.scatter.add.f32 [tilespmem:s9], [sflag:$0x1], $0x80, s15, s13, $0xb8;
	[tilespmem:$0x1A400] =	vst v63  }
0x1c: {  	_ =	swait.ge [sflag:s10], $0x4000  }
0x1d: {  	s15 =	simm.s32 $0x200;
	[sflag:s10] =	ssyncset.done $0x0  }
.LBB2_2:
0x1e: {  	s16 =	sshra.s32 s15, $0x2;
	[sflag:s10] =	ssyncadd.s32 $0xFFFFC000;
	p0 =	sne.s32 s15, $0x9E00  }
0x1f: {  	[spmem:s2] =	stream.indirect.scatter.add.f32 [tilespmem:s9], [sflag:$0x1], $0x80, s16, s13, $0xb8;
	[tilespmem:$0x1A400] =	vst v63  }
.Ltmp0:
0x20: {  	_ = 	snop;
	(pc) =	sbr.rel @p0 .LBB2_2-.Ltmp0, $4  }
0x21: {  	_ = 	snop  }
0x22: {  	s15 =	sadd.s32 $0x200, s15  }
0x23: {  	_ =	swait.ge [sflag:s10], $0x4000  }
0x24: {  	[sflag:s10] =	ssyncset.done $0x0  }
0x25: {  	s14 =	sadd.s32 $0x1, s14  }
0x26: {  	[sflag:s10] =	ssyncadd.s32 $0xFFFFC000;
	p0 =	sne.s32 s14, s8  }
.Ltmp1:
0x27: {  	[bflag:$0x0] =	sbarrier.arrive $0xFFFF;
	(pc) =	sbr.rel @p0 .LBB2_1-.Ltmp1, $4  }
0x28: {  	[hbm:s7], [sflag:s11] =	dma.local [spmem:s12], $0x2780  }
0x29: {  	_ =	swait.ge [sflag:s10], $0x2780  }
0x2a: {  	[sflag:s10] =	ssyncset.done $0x0  }
0x2b: {  	[sflag:s10] =	ssyncadd.s32 $0xFFFFD880  }
0x2c: {  	_ =	sfence.sel $0x180000  }
0x2d: {  	[bflag:$0x0] =	sbarrier.arrive $0xFFFF  }
0x2e: {  	p0 =	sne.s32 s0, $0x0;
	_ =	strace $0x90000047  }
0x2f: {  	s0 =	sadd.s32 @!p0 $0x100000, s1;
	[bflag:$0x2] =	sbarrier.arrive $0xFFFF  }
0x30: {  	[sflag:s0] =	ssyncadd.tile.s32 @!p0 $0x1;
	_ =	shalt  }
.Lfunc_end2:
_tile_overlayer_lowered:
.L_overlay_start_2:
0x31: {  	(tag) =	ssettag $0x2  }
0x32: {  	s0 =	rddreg [dreg:$0x0];
	s2 =	stileid.u32  }
0x33: {  	s1 =	rddreg [dreg:$0x1];
	p0 =	sne.s32 s2, $0x0  }
0x34: {  	s3 =	rddreg [dreg:$0x2];
	[bflag:$0x3] =	sbarrier.arrive $0xFFFF;
	s2 =	simm.s32 @!p0 $0x1C01  }
0x35: {  	[timem:s3], [sflag:s2] =	dma.local @!p0 [hbm:s0], s1  }
0x36: {  	s0 =	simm.s32 @!p0 $0x1  }
0x37: {  	_ =	swait.ge @!p0 [sflag:s0], s1  }
0x38: {  	s1 =	ssub.s32 @!p0 $0x0, s1;
	[sflag:s0] =	ssyncset.done @!p0 $0x0  }
0x39: {  	[sflag:s0] =	ssyncadd.s32 @!p0 s1  }
0x3a: {  	[bflag:$0x3] =	sbarrier.arrive $0xFFFF  }
0x3b: {  	_ =	shalt  }

// kernel: kernel.14.cloned.1.call-start
scs
__scs_entry_jumppad:
0x0: {  	(pc) =	sbr.rel $0x88, $3  }
0x1: {  	(tag) =	ssettag $0x0;
	lr =	simm.s32 $0x1  }
0x2: {  	[smem:$0x3F90] =	sst lr;
	_ =	strace $0xD0000000  }
0x3: {  	_ = 	snop  }
0x4: {  	_ = 	snop  }
0x5: {  	_ = 	snop  }
0x6: {  	_ = 	snop  }
0x7: {  	_ = 	snop  }
__scs_overlays_trampoline_lowered:
0x8: {  	[smem:$0x3F9F] =	sst s0  }
0x9: {  	[smem:$0x3FA0] =	sst s1  }
0xa: {  	[smem:$0x3FA1] =	sst s2  }
0xb: {  	[smem:$0x3FA2] =	sst s3  }
0xc: {  	[smem:$0x3FA3] =	sst s4  }
0xd: {  	[smem:$0x3FA4] =	sst s5  }
0xe: {  	[smem:$0x3FA5] =	sst s6  }
0xf: {  	[smem:$0x3FA6] =	sst s7  }
0x10: {  	[smem:$0x3FA7] =	sst s8  }
0x11: {  	[smem:$0x3FA8] =	sst s9;
	s0 =	simm.s32 @!p0 $0x0  }
0x12: {  	s1 =	sld [smem:$0x3F8E];
	s0 =	simm.s32 @p0 $0x1  }
0x13: {  	[smem:$0x3FA9] =	sst s0;
	s0 =	simm.s32 @!p1 $0x0  }
0x14: {  	s2 =	sld [smem:$0x3F8D];
	s0 =	simm.s32 @p1 $0x1  }
0x15: {  	[smem:$0x3FAA] =	sst s0;
	s0 =	simm.s32 @!p2 $0x0  }
0x16: {  	s3 =	sld [smem:$0x3FDB];
	s0 =	simm.s32 @p2 $0x1  }
0x17: {  	s4 =	simm.s32 $0x1BF5;
	[smem:$0x3FAC] =	sst s0  }
0x18: {  	s0 =	sld [smem:$0x3F8F];
	_ =	swait.ge [sflag:s4], $0x0  }
0x19: {  	s7 =	sld [smem:$0x3F90]  }
0x1a: {  	s8 =	sadd.s32 $0xFFFFE003, lr  }
0x1b: {  	s9 =	sadd.s32 $0xFFFFFEF7, lr;
	s5 =	simm.s32 $0xFFFFFFFF;
	p2 =	slt.u32 s8, $0xFFFFF086  }
0x1c: {  	p1 =	slt.u32 s9, $0xF7A;
	s5 =	simm.s32 @!p2 $0x0  }
0x1d: {  	s5 =	simm.s32 @p1 $0x1;
	p0 =	seq.s32 s7, s2  }
0x1e: {  	s7 =	smul.u32 @!p0 $0xF7A, s2;
	p2 =	seq.s32 @!p0 s5, $0x0  }
0x1f: {  	s9 =	smul.u32 $0xF7A, s1;
	s8 =	simm.s32 @!p0 $0x1BF5;
	p2 =	por !p2, p0  }
0x20: {  	[sflag:s8] =	ssyncset.s32 @!p0 $0xFFFFF086;
	s6 =	sadd.s32 @!p0 s3, s7;
	s7 =	simm.s32 @!p0 $0x108  }
0x21: {  	s3 =	sadd.s32 s3, s9;
	s6 =	sadd.s32 @!p0 $0x88, s6;
	s7 =	simm.s32 @p2 $0x1082  }
0x22: {  	[simem:s7], [sflag:s8] =	dma.local @!p0 [hbm:s6], $0xF7A  }
0x23: {  	s9 =	sor.u32 $0xD0000000, s2;
	s6 =	simm.s32 $0x108;
	_ =	swait.ge @!p0 [sflag:s8], $0x0  }
0x24: {  	s3 =	sadd.s32 $0x88, s3;
	s6 =	simm.s32 @!p1 $0x1082;
	[sflag:s4] =	ssyncset.s32 $0xFFFFF086  }
0x25: {  	[simem:s6], [sflag:s4] =	dma.local [hbm:s3], $0xF7A  }
0x26: {  	[smem:$0x3F90] =	sst s1;
	(tag) =	ssettag s2;
	_ =	strace s9  }
0x27: {  	s1 =	sld [smem:$0x3FA0]  }
0x28: {  	s2 =	sld [smem:$0x3FA1]  }
0x29: {  	s4 =	sld [smem:$0x3FA3]  }
0x2a: {  	p0 =	seq.s32 s5, $0x0;
	s5 =	sld [smem:$0x3FA4]  }
0x2b: {  	s6 =	sld [smem:$0x3FA5]  }
0x2c: {  	s7 =	sld [smem:$0x3FA6]  }
0x2d: {  	s3 =	simm.s32 $0x108;
	s8 =	sld [smem:$0x3FA7]  }
0x2e: {  	s3 =	simm.s32 @!p0 $0x1082;
	s9 =	sld [smem:$0x3FA8]  }
0x2f: {  	lr =	sadd.s32 s0, s3;
	s0 =	sld [smem:$0x3F9F]  }
0x30: {  	s3 =	sld [smem:$0x3FA2]  }
0x31: {  	[smem:$0x3FAB] =	sst s10  }
0x32: {  	s10 =	sld [smem:$0x3FA9];
	_ =	sdelay $0x3  }
0x33: {  	p0 =	seq.s32 s10, $0x1;
	s10 =	sld [smem:$0x3FAB];
	_ =	sdelay $0x3  }
0x34: {  	[smem:$0x3FAB] =	sst s10  }
0x35: {  	s10 =	sld [smem:$0x3FAA];
	_ =	sdelay $0x3  }
0x36: {  	p1 =	seq.s32 s10, $0x1;
	s10 =	sld [smem:$0x3FAB];
	_ =	sdelay $0x3  }
0x37: {  	[smem:$0x3FAB] =	sst s10  }
0x38: {  	s10 =	sld [smem:$0x3FAC]  }
0x39: {  	_ = 	snop;
	(pc) =	sbr.ind lr, $3  }
0x3a: {  	_ = 	snop  }
0x3b: {  	_ = 	snop  }
0x3c: {  	p2 =	seq.s32 s10, $0x1;
	s10 =	sld [smem:$0x3FAB]  }
0x3d: {  	_ =	shalt  }
0x3e: {  	_ =	shalt  }
0x3f: {  	_ =	shalt  }
0x40: {  	_ =	shalt  }
0x41: {  	_ =	shalt  }
0x42: {  	_ =	shalt  }
0x43: {  	_ =	shalt  }
0x44: {  	_ =	shalt  }
0x45: {  	_ =	shalt  }
0x46: {  	_ =	shalt  }
0x47: {  	_ =	shalt  }
0x48: {  	_ =	shalt  }
0x49: {  	_ =	shalt  }
0x4a: {  	_ =	shalt  }
0x4b: {  	_ =	shalt  }
0x4c: {  	_ =	shalt  }
0x4d: {  	_ =	shalt  }
0x4e: {  	_ =	shalt  }
0x4f: {  	_ =	shalt  }
0x50: {  	_ =	shalt  }
0x51: {  	_ =	shalt  }
0x52: {  	_ =	shalt  }
0x53: {  	_ =	shalt  }
0x54: {  	_ =	shalt  }
0x55: {  	_ =	shalt  }
0x56: {  	_ =	shalt  }
0x57: {  	_ =	shalt  }
0x58: {  	_ =	shalt  }
0x59: {  	_ =	shalt  }
0x5a: {  	_ =	shalt  }
0x5b: {  	_ =	shalt  }
0x5c: {  	_ =	shalt  }
0x5d: {  	_ =	shalt  }
0x5e: {  	_ =	shalt  }
0x5f: {  	_ =	shalt  }
0x60: {  	_ =	shalt  }
0x61: {  	_ =	shalt  }
0x62: {  	_ =	shalt  }
0x63: {  	_ =	shalt  }
0x64: {  	_ =	shalt  }
0x65: {  	_ =	shalt  }
0x66: {  	_ =	shalt  }
0x67: {  	_ =	shalt  }
0x68: {  	_ =	shalt  }
0x69: {  	_ =	shalt  }
0x6a: {  	_ =	shalt  }
0x6b: {  	_ =	shalt  }
0x6c: {  	_ =	shalt  }
0x6d: {  	_ =	shalt  }
0x6e: {  	_ =	shalt  }
0x6f: {  	_ =	shalt  }
0x70: {  	_ =	shalt  }
0x71: {  	_ =	shalt  }
0x72: {  	_ =	shalt  }
0x73: {  	_ =	shalt  }
0x74: {  	_ =	shalt  }
0x75: {  	_ =	shalt  }
0x76: {  	_ =	shalt  }
0x77: {  	_ =	shalt  }
0x78: {  	_ =	shalt  }
0x79: {  	_ =	shalt  }
0x7a: {  	_ =	shalt  }
0x7b: {  	_ =	shalt  }
0x7c: {  	_ =	shalt  }
0x7d: {  	_ =	shalt  }
0x7e: {  	_ =	shalt  }
0x7f: {  	_ =	shalt  }
0x80: {  	_ =	shalt  }
0x81: {  	_ =	shalt  }
0x82: {  	_ =	shalt  }
0x83: {  	_ =	shalt  }
0x84: {  	_ =	shalt  }
0x85: {  	_ =	shalt  }
0x86: {  	_ =	shalt  }
0x87: {  	_ =	shalt  }
.Lfunc_end0:
.L_simem_size_0:
called_computation.1_lowered:
.L_overlay_start_0:
0x88: {  	s2 =	sld [smem:$0x3FD9]  }
0x89: {  	s3 =	sld [smem:$0x3FFE];
	_ =	sdelay $0x1  }
0x8a: {  	s1 =	srdreg.scid  }
0x8b: {  	s0 =	sand.u32 $0x1, s1  }
0x8c: {  	s16 =	sshll.u32 s0, $0xA;
	s2 =	sadd.s32 s3, s2  }
0x8d: {  	s2 =	sadd.s32 s2, s16  }
0x8e: {  	[smem:$0x3FB7] =	sst s2  }
0x8f: {  	_ = 	snop  }
0x90: {  	(tm) =	ssettm $0x1  }
0x91: {  	s17 =	sld [smem:$0x3FFB];
	_ =	sdelay $0x3  }
0x92: {  	_ =	strace s17  }
0x93: {  	s2 =	sld [smem:$0x3FFC];
	_ =	sdelay $0x3  }
0x94: {  	_ =	strace s2  }
0x95: {  	s2 =	sld [smem:$0x3FFD];
	_ =	sdelay $0x3  }
0x96: {  	_ =	strace s2  }
0x97: {  	_ =	strace $0x8FFFFFFF  }
0x98: {  	s18 =	sld [smem:$0x3FDB];
	_ =	sdelay $0x1  }
0x99: {  	s19 =	simm.s32 $_scs_section_size  }
0x9a: {  	s4 =	simm.s32 $_size__tile_overlayer_lowered;
	s5 =	simm.s32 $_tile_overlayer_lowered  }
0x9b: {  	s22 =	simm.s32 $0x1BFF;
	s21 =	sshll.u32 s5, $0x1;
	s2 =	sadd.s32 s19, s18  }
0x9c: {  	s6 =	simm.s32 $0x0;
	s20 =	sshll.u32 s4, $0x1;
	s4 =	sadd.s32 s21, s2  }
0x9d: {  	[timem:s6], [sflag:s22] =	dma.local [hbm:s4], s20  }
0x9e: {  	_ =	swait.ge [sflag:s22], s20  }
0x9f: {  	s3 =	ssub.s32 $0x0, s20;
	[sflag:s22] =	ssyncset.done $0x0  }
0xa0: {  	[sflag:s22] =	ssyncadd.s32 s3;
	_ =	sdelay $0x1  }
0xa1: {  	s23 =	simm.s32 $0x1B8B  }
0xa2: {  	_ =	swait.ge [sflag:s23], $0x1  }
0xa3: {  	[sflag:s23] =	ssyncset.done $0x0  }
0xa4: {  	s25 =	simm.s32 $0x1B8E;
	s24 =	sld [smem:$0x3FFE];
	[sflag:s23] =	ssyncadd.s32 $0xFFFFFFFF  }
0xa5: {  	s26 =	simm.s32 $execute0_lowered;
	[smem:$0x3FD2] =	sst s25  }
0xa6: {  	s4 =	sshll.u32 s26, $0x1;
	_ =	strace $0x80000049;
	[dreg:$0x1] =	wrdreg $0xFFFFFFFF  }
0xa7: {  	s28 =	simm.s32 $_size_execute0_lowered;
	s2 =	sadd.s32 s2, s4;
	[dreg:$0x0] =	wrdreg $0x0  }
0xa8: {  	s4 =	sshll.u32 s28, $0x1;
	[dreg:$0x2] =	wrdreg s2  }
0xa9: {  	[dreg:$0x3] =	wrdreg s4  }
0xaa: {  	[dreg:$0x4] =	wrdreg $0xC0  }
0xab: {  	_ =	task [dreg:s6], $0x5FFFF  }
0xac: {  	[dreg:$0x1] =	wrdreg $0xFFFFFFFF  }
0xad: {  	[dreg:$0x0] =	wrdreg $0x60  }
0xae: {  	[dreg:$0x2] =	wrdreg s24  }
0xaf: {  	[dreg:$0x3] =	wrdreg $0xA8000  }
0xb0: {  	[dreg:$0x4] =	wrdreg $0x9  }
0xb1: {  	_ =	task.clear_ibuf [dreg:s6], $0x5FFFF;
	_ =	strace $0x90000049  }
0xb2: {  	s29 =	simm.s32 $0x9;
	_ =	strace $0x8000004B  }
0xb3: {  	_ =	swait.ge [sflag:s29], $0x1  }
0xb4: {  	[sflag:s29] =	ssyncadd.s32 $0xFFFFFFFF  }
0xb5: {  	_ =	strace $0x9000004B  }
0xb6: {  	_ =	sfence  }
0xb7: {  	s30 =	sld [smem:$0x0];
	_ =	sdelay $0x2  }
0xb8: {  	s31 =	sshll.u32 s1, $0xD;
	s1 =	sshrl.u32 s1, $0x2  }
0xb9: {  	s3 =	sand.u32 $0x4000, s31;
	s1 =	sadd.s32 s1, s30  }
0xba: {  	s0 =	sor.u32 s3, s0;
	s1 =	sshll.u32 s1, $0x11  }
0xbb: {  	s0 =	sor.u32 s1, s0  }
0xbc: {  	s0 =	sadd.s32 $0x8F2B, s0  }
0xbd: {  	[sflag:s0] =	ssyncadd.remote.s32 $0x1  }
0xbe: {  	_ =	sfence.sel $0xFFFF  }
0xbf: {  	[dreg:$0x0] =	wrdreg $0xFFFFFFFF;
	(pc) =	sbr.abs _section_cstart, $3  }
0xc0: {  	[dreg:$0x1] =	wrdreg $0xFFFFFFFF  }
0xc1: {  	_ =	task.clear_ibuf [dreg:s6], $0x2FFFF;
	_ =	strace $0x9FFFFFFF  }
0xc2: {  	(tm) =	ssettm $0x7FFFFFFF  }
0xc3: {  	_ =	shalt  }
tec
execute0_lowered:
.L_overlay_start_1:
0x0: {  	(tag) =	ssettag $0x1  }
0x1: {  	s5 =	rddreg [dreg:$0x0]  }
0x2: {  	s2 =	rddreg [dreg:$0x1]  }
0x3: {  	s0 =	rddreg [dreg:$0x2];
	s3 =	simm.s32 $0x0  }
0x4: {  	s1 =	stileid.u32;
	s4 =	srdreg.scid;
	s17 =	simm.s32 $0x2800  }
0x5: {  	s18 =	simm.s32 $0x6800;
	s19 =	simm.s32 $0x1;
	s20 =	simm.s32 $0x2  }
0x6: {  	s21 =	simm.s32 $0x1380;
	s22 =	simm.s32 $0x2700;
	s23 =	simm.s32 $0x2780  }
0x7: {  	s24 =	simm.s32 $0x0;
	[smem:$0x7FF] =	sst s3;
	s6 =	smul.u32 $0x13C00, s1  }
0x8: {  	s7 =	sand.u32 $0x1, s4;
	s9 =	sadd.s32 $0xE200, s5;
	s11 =	sadd.s32 $0x4200, s5  }
0x9: {  	s4 =	sadd.s32 $0x3FA00, s5;
	s12 =	smul.u32 $0x4F000, s1;
	s29 =	sshll.u32 s1, $0x6  }
0xa: {  	s10 =	smul.u32 $0x13C000, s7;
	s28 =	sshll.u32 s7, $0x4;
	s7 =	ssub.s32 $0x2, s7  }
0xb: {  	_ =	strace $0x8000004A;
	s8 =	sshrl.u32 s6, $0x3;
	s13 =	sshrl.u32 s7, $0x1  }
0xc: {  	s12 =	sshrl.u32 s12, $0x2;
	s6 =	sadd.s32 s6, s10;
	s10 =	sor.u32 s1, s28  }
0xd: {  	s8 =	sadd.s32 s8, s5;
	s13 =	ssub.s32 s7, s13;
	s14 =	smul.u32 $0x2800, s10  }
0xe: {  	s16 =	sadd.s32 s12, s2;
	s6 =	sshrl.u32 s6, $0x3;
	s10 =	smul.u32 $0x500, s10  }
0xf: {  	s12 =	smax.u32 s13, $0x1;
	s13 =	sshrl.u32 s16, $0x3;
	s16 =	simm.s32 $0x80  }
0x10: {  	s15 =	sadd.s32 s6, s5;
	s5 =	sadd.s32 $0x18200, s8;
	s30 =	sshrl.u32 s14, $0x3  }
0x11: {  	s6 =	sor.u32 $0x1C03, s29;
	s7 =	sadd.s32 s9, s10;
	s31 =	sadd.s32 $0x280, s30  }
0x12: {  	s8 =	sadd.s32 s11, s10;
	s14 =	simm.s32 $0x3;
	s9 =	sadd.s32 s9, s31  }
0x13: {  	s10 =	sadd.s32 s11, s31;
	s11 =	sadd.s32 $0x66C00, s15;
	s15 =	simm.s32 $0x1400  }
.LBB2_1:
0x14: {  	[spmem:s13], [sflag:s6] =	dma.local [hbm:s5], $0x2780  }
0x15: {  	_ =	swait.ge [sflag:s14], $0x2780  }
0x16: {  	[sflag:s14] =	ssyncset.done $0x0  }
0x17: {  	[sflag:s14] =	ssyncadd.s32 $0xFFFFD880  }
0x18: {  	[bflag:$0x0] =	sbarrier.arrive $0xFFFF  }
0x19: {  	[tilespmem:s3], [sflag:$0x3] =	stream.linear.gather [hbm4b:s7+s3], $0x1400, $0x38;
	[tilespmem:$0x1E400] =	vst v63  }
0x1a: {  	_ =	swait.ge [sflag:s14], $0x1400  }
0x1b: {  	[sflag:s14] =	ssyncset.done $0x0  }
0x1c: {  	[sflag:s14] =	ssyncadd.s32 $0xFFFFEC00  }
0x1d: {  	[tilespmem:s15], [sflag:$0x3] =	stream.linear.gather [hbm4b:s8+s3], $0x1400, $0x38;
	[tilespmem:$0x1E400] =	vst v63  }
0x1e: {  	_ =	swait.ge [sflag:s14], $0x1400  }
0x1f: {  	[sflag:s14] =	ssyncset.done $0x0  }
0x20: {  	[sflag:s14] =	ssyncadd.s32 $0xFFFFEC00  }
0x21: {  	[tilespmem:s17], [sflag:$0x1] =	stream.indirect.gather [hbm4b:s4+s16], $0x80, s3, s16, $0xb8;
	[tilespmem:$0x1E400] =	vst v63  }
0x22: {  	s25 =	simm.s32 $0x80  }
0x23: {  	[tilespmem:s18], [sflag:$0x2] =	stream.indirect.gather [hbm4b:s4+s16], $0x80, s25, s16, $0xb8;
	[tilespmem:$0x1E400] =	vst v63  }
0x24: {  	_ =	swait.ge [sflag:s19], $0x4000  }
0x25: {  	[sflag:s19] =	ssyncset.done $0x0  }
0x26: {  	s29 =	simm.s32 $0x1400;
	[sflag:s19] =	ssyncadd.s32 $0xFFFFC000  }
0x27: {  	[spmem:s2] =	stream.indirect.scatter.add.f32 [tilespmem:s17], [sflag:$0x3], $0x80, s29, s16, $0xb8;
	[tilespmem:$0x1E400] =	vst v63  }
0x28: {  	_ =	swait.ge [sflag:s14], $0x4000  }
0x29: {  	[sflag:s14] =	ssyncset.done $0x0  }
0x2a: {  	s30 =	simm.s32 $0x100;
	[sflag:s14] =	ssyncadd.s32 $0xFFFFC000  }
0x2b: {  	[tilespmem:s17], [sflag:$0x1] =	stream.indirect.gather [hbm4b:s4+s16], $0x80, s30, s16, $0xb8;
	[tilespmem:$0x1E400] =	vst v63  }
0x2c: {  	_ =	swait.ge [sflag:s20], $0x4000  }
0x2d: {  	[sflag:s20] =	ssyncset.done $0x0  }
0x2e: {  	s31 =	simm.s32 $0x1480;
	[sflag:s20] =	ssyncadd.s32 $0xFFFFC000  }
0x2f: {  	[spmem:s2] =	stream.indirect.scatter.add.f32 [tilespmem:s18], [sflag:$0x3], $0x80, s31, s16, $0xb8;
	[tilespmem:$0x1E400] =	vst v63  }
0x30: {  	_ =	swait.ge [sflag:s14], $0x4000  }
0x31: {  	s26 =	simm.s32 $0x800;
	s25 =	simm.s32 $0x100;
	[sflag:s14] =	ssyncset.done $0x0  }
.LBB2_2:
0x32: {  	s28 =	sadd.s32 $0x80, s25  }
0x33: {  	[sflag:s14] =	ssyncadd.s32 $0xFFFFC000;
	s29 =	smov.u32 s26;
	s30 =	sadd.s32 $0x400, s26  }
0x34: {  	[tilespmem:s18], [sflag:$0x2] =	stream.indirect.gather [hbm4b:s4+s16], $0x80, s28, s16, $0xb8;
	[tilespmem:$0x1E400] =	vst v63  }
0x35: {  	p0 =	sne.s32 s26, $0x4800;
	_ =	swait.ge [sflag:s19], $0x4000  }
0x36: {  	[sflag:s19] =	ssyncset.done $0x0  }
0x37: {  	s26 =	sadd.s32 $0x1400, s25;
	[sflag:s19] =	ssyncadd.s32 $0xFFFFC000  }
0x38: {  	[spmem:s2] =	stream.indirect.scatter.add.f32 [tilespmem:s17], [sflag:$0x3], $0x80, s26, s16, $0xb8;
	[tilespmem:$0x1E400] =	vst v63  }
0x39: {  	_ =	swait.ge [sflag:s14], $0x4000  }
0x3a: {  	[sflag:s14] =	ssyncset.done $0x0  }
0x3b: {  	s26 =	sadd.s32 $0x100, s25;
	[sflag:s14] =	ssyncadd.s32 $0xFFFFC000  }
0x3c: {  	[tilespmem:s17], [sflag:$0x1] =	stream.indirect.gather [hbm4b:s4+s16], $0x80, s26, s16, $0xb8;
	[tilespmem:$0x1E400] =	vst v63  }
0x3d: {  	_ =	swait.ge [sflag:s20], $0x4000  }
.Ltmp0:
0x3e: {  	[sflag:s20] =	ssyncset.done $0x0;
	(pc) =	sbr.rel @p0 .LBB2_2-.Ltmp0, $4  }
0x3f: {  	s25 =	sadd.s32 $0x1480, s25;
	[sflag:s20] =	ssyncadd.s32 $0xFFFFC000  }
0x40: {  	[spmem:s2] =	stream.indirect.scatter.add.f32 [tilespmem:s18], [sflag:$0x3], $0x80, s25, s16, $0xb8;
	[tilespmem:$0x1E400] =	vst v63  }
0x41: {  	_ =	swait.ge [sflag:s14], $0x4000  }
0x42: {  	s26 =	smov.u32 s30;
	s25 =	sshra.s32 s29, $0x2;
	[sflag:s14] =	ssyncset.done $0x0  }
0x43: {  	s26 =	sadd.s32 $0x80, s25;
	[sflag:s14] =	ssyncadd.s32 $0xFFFFC000  }
0x44: {  	[tilespmem:s18], [sflag:$0x2] =	stream.indirect.gather [hbm4b:s4+s16], $0x80, s26, s16, $0xb8;
	[tilespmem:$0x1E400] =	vst v63  }
0x45: {  	_ =	swait.ge [sflag:s19], $0x4000  }
0x46: {  	[sflag:s19] =	ssyncset.done $0x0  }
0x47: {  	s29 =	sadd.s32 $0x1400, s25;
	[sflag:s19] =	ssyncadd.s32 $0xFFFFC000  }
0x48: {  	[spmem:s2] =	stream.indirect.scatter.add.f32 [tilespmem:s17], [sflag:$0x3], $0x80, s29, s16, $0xb8;
	[tilespmem:$0x1E400] =	vst v63  }
0x49: {  	_ =	swait.ge [sflag:s14], $0x4000  }
0x4a: {  	[sflag:s14] =	ssyncset.done $0x0  }
0x4b: {  	s30 =	sadd.s32 $0x100, s25;
	[sflag:s14] =	ssyncadd.s32 $0xFFFFC000  }
0x4c: {  	[tilespmem:s17], [sflag:$0x1] =	stream.indirect.gather [hbm4b:s4+s16], $0x80, s30, s16, $0xb8;
	[tilespmem:$0x1E400] =	vst v63  }
0x4d: {  	_ =	swait.ge [sflag:s20], $0x4000  }
0x4e: {  	[sflag:s20] =	ssyncset.done $0x0  }
0x4f: {  	s31 =	sadd.s32 $0x1480, s25;
	[sflag:s20] =	ssyncadd.s32 $0xFFFFC000  }
0x50: {  	[spmem:s2] =	stream.indirect.scatter.add.f32 [tilespmem:s18], [sflag:$0x3], $0x80, s31, s16, $0xb8;
	[tilespmem:$0x1E400] =	vst v63  }
0x51: {  	_ =	swait.ge [sflag:s14], $0x4000  }
0x52: {  	[sflag:s14] =	ssyncset.done $0x0  }
0x53: {  	[sflag:s14] =	ssyncadd.s32 $0xFFFFC000  }
0x54: {  	[tilespmem:s18], [sflag:$0x2] =	stream.indirect.gather [hbm4b:s4+s16], $0x80, s21, s16, $0xb8;
	[tilespmem:$0x1E400] =	vst v63  }
0x55: {  	_ =	swait.ge [sflag:s19], $0x4000  }
0x56: {  	[sflag:s19] =	ssyncset.done $0x0  }
0x57: {  	[sflag:s19] =	ssyncadd.s32 $0xFFFFC000  }
0x58: {  	[spmem:s2] =	stream.indirect.scatter.add.f32 [tilespmem:s17], [sflag:$0x3], $0x80, s22, s16, $0xb8;
	[tilespmem:$0x1E400] =	vst v63  }
0x59: {  	_ =	swait.ge [sflag:s14], $0x4000  }
0x5a: {  	[sflag:s14] =	ssyncset.done $0x0  }
0x5b: {  	s26 =	simm.s32 $0x0;
	[sflag:s14] =	ssyncadd.s32 $0xFFFFC000  }
0x5c: {  	[tilespmem:s17], [sflag:$0x1] =	stream.indirect.gather [hbm4b:s4+s16], $0x80, s26, s16, $0xb8;
	[tilespmem:$0x1E400] =	vst v63  }
0x5d: {  	_ =	swait.ge [sflag:s20], $0x4000  }
0x5e: {  	[sflag:s20] =	ssyncset.done $0x0  }
0x5f: {  	[sflag:s20] =	ssyncadd.s32 $0xFFFFC000  }
0x60: {  	[spmem:s2] =	stream.indirect.scatter.add.f32 [tilespmem:s18], [sflag:$0x3], $0x80, s23, s16, $0xb8;
	[tilespmem:$0x1E400] =	vst v63  }
0x61: {  	_ =	swait.ge [sflag:s14], $0x4000  }
0x62: {  	[sflag:s14] =	ssyncset.done $0x0  }
0x63: {  	[sflag:s14] =	ssyncadd.s32 $0xFFFFC000  }
0x64: {  	_ =	swait.ge [sflag:s19], $0x4000  }
0x65: {  	[sflag:s19] =	ssyncset.done $0x0  }
0x66: {  	[sflag:s19] =	ssyncadd.s32 $0xFFFFC000  }
0x67: {  	[tilespmem:s26], [sflag:$0x3] =	stream.linear.gather [hbm4b:s9+s26], $0x1400, $0x38;
	[tilespmem:$0x1E400] =	vst v63  }
0x68: {  	_ =	swait.ge [sflag:s14], $0x1400  }
0x69: {  	[sflag:s14] =	ssyncset.done $0x0  }
0x6a: {  	[sflag:s14] =	ssyncadd.s32 $0xFFFFEC00  }
0x6b: {  	[tilespmem:s15], [sflag:$0x3] =	stream.linear.gather [hbm4b:s10+s26], $0x1400, $0x38;
	[tilespmem:$0x1E400] =	vst v63  }
0x6c: {  	_ =	swait.ge [sflag:s14], $0x1400  }
0x6d: {  	[sflag:s14] =	ssyncset.done $0x0  }
0x6e: {  	[sflag:s14] =	ssyncadd.s32 $0xFFFFEC00  }
0x6f: {  	[tilespmem:s17], [sflag:$0x1] =	stream.indirect.gather [hbm4b:s4+s16], $0x80, s26, s16, $0xb8;
	[tilespmem:$0x1E400] =	vst v63  }
0x70: {  	s28 =	simm.s32 $0x80  }
0x71: {  	[tilespmem:s18], [sflag:$0x2] =	stream.indirect.gather [hbm4b:s4+s16], $0x80, s28, s16, $0xb8;
	[tilespmem:$0x1E400] =	vst v63  }
0x72: {  	_ =	swait.ge [sflag:s19], $0x4000  }
0x73: {  	[sflag:s19] =	ssyncset.done $0x0  }
0x74: {  	s29 =	simm.s32 $0x1400;
	[sflag:s19] =	ssyncadd.s32 $0xFFFFC000  }
0x75: {  	[spmem:s2] =	stream.indirect.scatter.add.f32 [tilespmem:s17], [sflag:$0x3], $0x80, s29, s16, $0xb8;
	[tilespmem:$0x1E400] =	vst v63  }
0x76: {  	_ =	swait.ge [sflag:s14], $0x4000  }
0x77: {  	[sflag:s14] =	ssyncset.done $0x0  }
0x78: {  	s30 =	simm.s32 $0x100;
	[sflag:s14] =	ssyncadd.s32 $0xFFFFC000  }
0x79: {  	[tilespmem:s17], [sflag:$0x1] =	stream.indirect.gather [hbm4b:s4+s16], $0x80, s30, s16, $0xb8;
	[tilespmem:$0x1E400] =	vst v63  }
0x7a: {  	_ =	swait.ge [sflag:s20], $0x4000  }
0x7b: {  	[sflag:s20] =	ssyncset.done $0x0  }
0x7c: {  	s31 =	simm.s32 $0x1480;
	[sflag:s20] =	ssyncadd.s32 $0xFFFFC000  }
0x7d: {  	[spmem:s2] =	stream.indirect.scatter.add.f32 [tilespmem:s18], [sflag:$0x3], $0x80, s31, s16, $0xb8;
	[tilespmem:$0x1E400] =	vst v63  }
0x7e: {  	_ =	swait.ge [sflag:s14], $0x4000  }
0x7f: {  	s25 =	simm.s32 $0x100;
	s26 =	simm.s32 $0x800;
	[sflag:s14] =	ssyncset.done $0x0  }
.LBB2_4:
0x80: {  	s28 =	sadd.s32 $0x80, s25  }
0x81: {  	[sflag:s14] =	ssyncadd.s32 $0xFFFFC000;
	s29 =	smov.u32 s26;
	s30 =	sadd.s32 $0x400, s26  }
0x82: {  	[tilespmem:s18], [sflag:$0x2] =	stream.indirect.gather [hbm4b:s4+s16], $0x80, s28, s16, $0xb8;
	[tilespmem:$0x1E400] =	vst v63  }
0x83: {  	p0 =	sne.s32 s26, $0x4800;
	_ =	swait.ge [sflag:s19], $0x4000  }
0x84: {  	[sflag:s19] =	ssyncset.done $0x0  }
0x85: {  	s26 =	sadd.s32 $0x1400, s25;
	[sflag:s19] =	ssyncadd.s32 $0xFFFFC000  }
0x86: {  	[spmem:s2] =	stream.indirect.scatter.add.f32 [tilespmem:s17], [sflag:$0x3], $0x80, s26, s16, $0xb8;
	[tilespmem:$0x1E400] =	vst v63  }
0x87: {  	_ =	swait.ge [sflag:s14], $0x4000  }
0x88: {  	[sflag:s14] =	ssyncset.done $0x0  }
0x89: {  	s26 =	sadd.s32 $0x100, s25;
	[sflag:s14] =	ssyncadd.s32 $0xFFFFC000  }
0x8a: {  	[tilespmem:s17], [sflag:$0x1] =	stream.indirect.gather [hbm4b:s4+s16], $0x80, s26, s16, $0xb8;
	[tilespmem:$0x1E400] =	vst v63  }
0x8b: {  	_ =	swait.ge [sflag:s20], $0x4000  }
.Ltmp1:
0x8c: {  	[sflag:s20] =	ssyncset.done $0x0;
	(pc) =	sbr.rel @p0 .LBB2_4-.Ltmp1, $4  }
0x8d: {  	s25 =	sadd.s32 $0x1480, s25;
	[sflag:s20] =	ssyncadd.s32 $0xFFFFC000  }
0x8e: {  	[spmem:s2] =	stream.indirect.scatter.add.f32 [tilespmem:s18], [sflag:$0x3], $0x80, s25, s16, $0xb8;
	[tilespmem:$0x1E400] =	vst v63  }
0x8f: {  	_ =	swait.ge [sflag:s14], $0x4000  }
0x90: {  	s26 =	smov.u32 s30;
	s25 =	sshra.s32 s29, $0x2;
	[sflag:s14] =	ssyncset.done $0x0  }
0x91: {  	s26 =	sadd.s32 $0x80, s25;
	[sflag:s14] =	ssyncadd.s32 $0xFFFFC000  }
0x92: {  	[tilespmem:s18], [sflag:$0x2] =	stream.indirect.gather [hbm4b:s4+s16], $0x80, s26, s16, $0xb8;
	[tilespmem:$0x1E400] =	vst v63  }
0x93: {  	_ =	swait.ge [sflag:s19], $0x4000  }
0x94: {  	[sflag:s19] =	ssyncset.done $0x0  }
0x95: {  	s29 =	sadd.s32 $0x1400, s25;
	[sflag:s19] =	ssyncadd.s32 $0xFFFFC000  }
0x96: {  	[spmem:s2] =	stream.indirect.scatter.add.f32 [tilespmem:s17], [sflag:$0x3], $0x80, s29, s16, $0xb8;
	[tilespmem:$0x1E400] =	vst v63  }
0x97: {  	_ =	swait.ge [sflag:s14], $0x4000  }
0x98: {  	[sflag:s14] =	ssyncset.done $0x0  }
0x99: {  	s30 =	sadd.s32 $0x100, s25;
	[sflag:s14] =	ssyncadd.s32 $0xFFFFC000  }
0x9a: {  	[tilespmem:s17], [sflag:$0x1] =	stream.indirect.gather [hbm4b:s4+s16], $0x80, s30, s16, $0xb8;
	[tilespmem:$0x1E400] =	vst v63  }
0x9b: {  	_ =	swait.ge [sflag:s20], $0x4000  }
0x9c: {  	[sflag:s20] =	ssyncset.done $0x0  }
0x9d: {  	s31 =	sadd.s32 $0x1480, s25;
	[sflag:s20] =	ssyncadd.s32 $0xFFFFC000  }
0x9e: {  	[spmem:s2] =	stream.indirect.scatter.add.f32 [tilespmem:s18], [sflag:$0x3], $0x80, s31, s16, $0xb8;
	[tilespmem:$0x1E400] =	vst v63  }
0x9f: {  	_ =	swait.ge [sflag:s14], $0x4000  }
0xa0: {  	[sflag:s14] =	ssyncset.done $0x0  }
0xa1: {  	[sflag:s14] =	ssyncadd.s32 $0xFFFFC000  }
0xa2: {  	[tilespmem:s18], [sflag:$0x2] =	stream.indirect.gather [hbm4b:s4+s16], $0x80, s21, s16, $0xb8;
	[tilespmem:$0x1E400] =	vst v63  }
0xa3: {  	_ =	swait.ge [sflag:s19], $0x4000  }
0xa4: {  	[sflag:s19] =	ssyncset.done $0x0  }
0xa5: {  	[sflag:s19] =	ssyncadd.s32 $0xFFFFC000  }
0xa6: {  	[spmem:s2] =	stream.indirect.scatter.add.f32 [tilespmem:s17], [sflag:$0x3], $0x80, s22, s16, $0xb8;
	[tilespmem:$0x1E400] =	vst v63  }
0xa7: {  	_ =	swait.ge [sflag:s14], $0x4000  }
0xa8: {  	[sflag:s14] =	ssyncset.done $0x0  }
0xa9: {  	[sflag:s14] =	ssyncadd.s32 $0xFFFFC000  }
0xaa: {  	[tilespmem:s17], [sflag:$0x1] =	stream.indirect.gather [hbm4b:s4+s16], $0x80, s3, s16, $0xb8;
	[tilespmem:$0x1E400] =	vst v63  }
0xab: {  	_ =	swait.ge [sflag:s20], $0x4000  }
0xac: {  	[sflag:s20] =	ssyncset.done $0x0  }
0xad: {  	[sflag:s20] =	ssyncadd.s32 $0xFFFFC000  }
0xae: {  	[spmem:s2] =	stream.indirect.scatter.add.f32 [tilespmem:s18], [sflag:$0x3], $0x80, s23, s16, $0xb8;
	[tilespmem:$0x1E400] =	vst v63  }
0xaf: {  	_ =	swait.ge [sflag:s14], $0x4000  }
0xb0: {  	[sflag:s14] =	ssyncset.done $0x0  }
0xb1: {  	[sflag:s14] =	ssyncadd.s32 $0xFFFFC000  }
0xb2: {  	_ =	swait.ge [sflag:s19], $0x4000  }
0xb3: {  	s24 =	sadd.s32 $0x1, s24;
	[sflag:s19] =	ssyncset.done $0x0  }
0xb4: {  	p0 =	sne.s32 s24, s12;
	[sflag:s19] =	ssyncadd.s32 $0xFFFFC000  }
.Ltmp2:
0xb5: {  	[bflag:$0x0] =	sbarrier.arrive $0xFFFF;
	(pc) =	sbr.rel @p0 .LBB2_1-.Ltmp2, $4  }
0xb6: {  	[hbm:s11], [sflag:s6] =	dma.local [spmem:s13], $0x2780  }
0xb7: {  	_ =	swait.ge [sflag:s14], $0x2780  }
0xb8: {  	[sflag:s14] =	ssyncset.done $0x0  }
0xb9: {  	[sflag:s14] =	ssyncadd.s32 $0xFFFFD880  }
0xba: {  	_ =	sfence.sel $0x180000  }
0xbb: {  	[bflag:$0x0] =	sbarrier.arrive $0xFFFF  }
0xbc: {  	p0 =	sne.s32 s1, $0x0;
	_ =	strace $0x9000004A  }
0xbd: {  	s0 =	sadd.s32 @!p0 $0x100000, s0;
	[bflag:$0x2] =	sbarrier.arrive $0xFFFF  }
0xbe: {  	[sflag:s0] =	ssyncadd.tile.s32 @!p0 $0x1;
	_ =	shalt  }
.Lfunc_end2:
_tile_overlayer_lowered:
.L_overlay_start_2:
0xbf: {  	(tag) =	ssettag $0x2  }
0xc0: {  	s0 =	rddreg [dreg:$0x0];
	s2 =	stileid.u32  }
0xc1: {  	s1 =	rddreg [dreg:$0x1];
	p0 =	sne.s32 s2, $0x0  }
0xc2: {  	s3 =	rddreg [dreg:$0x2];
	[bflag:$0x3] =	sbarrier.arrive $0xFFFF;
	s2 =	simm.s32 @!p0 $0x1C03  }
0xc3: {  	[timem:s3], [sflag:s2] =	dma.local @!p0 [hbm:s0], s1  }
0xc4: {  	s0 =	simm.s32 @!p0 $0x3  }
0xc5: {  	_ =	swait.ge @!p0 [sflag:s0], s1  }
0xc6: {  	s1 =	ssub.s32 @!p0 $0x0, s1;
	[sflag:s0] =	ssyncset.done @!p0 $0x0  }
0xc7: {  	[sflag:s0] =	ssyncadd.s32 @!p0 s1  }
0xc8: {  	[bflag:$0x3] =	sbarrier.arrive $0xFFFF  }
0xc9: {  	_ =	shalt  }

// kernel: kernel.17.cloned.1.call-start
scs
__scs_entry_jumppad:
0x0: {  	(pc) =	sbr.rel $0x88, $3  }
0x1: {  	(tag) =	ssettag $0x0;
	lr =	simm.s32 $0x1  }
0x2: {  	[smem:$0x3F90] =	sst lr;
	_ =	strace $0xD0000000  }
0x3: {  	_ = 	snop  }
0x4: {  	_ = 	snop  }
0x5: {  	_ = 	snop  }
0x6: {  	_ = 	snop  }
0x7: {  	_ = 	snop  }
__scs_overlays_trampoline_lowered:
0x8: {  	[smem:$0x3F9F] =	sst s0  }
0x9: {  	[smem:$0x3FA0] =	sst s1  }
0xa: {  	[smem:$0x3FA1] =	sst s2  }
0xb: {  	[smem:$0x3FA2] =	sst s3  }
0xc: {  	[smem:$0x3FA3] =	sst s4  }
0xd: {  	[smem:$0x3FA4] =	sst s5  }
0xe: {  	[smem:$0x3FA5] =	sst s6  }
0xf: {  	[smem:$0x3FA6] =	sst s7  }
0x10: {  	[smem:$0x3FA7] =	sst s8  }
0x11: {  	[smem:$0x3FA8] =	sst s9;
	s0 =	simm.s32 @!p0 $0x0  }
0x12: {  	s1 =	sld [smem:$0x3F8E];
	s0 =	simm.s32 @p0 $0x1  }
0x13: {  	[smem:$0x3FA9] =	sst s0;
	s0 =	simm.s32 @!p1 $0x0  }
0x14: {  	s2 =	sld [smem:$0x3F8D];
	s0 =	simm.s32 @p1 $0x1  }
0x15: {  	[smem:$0x3FAA] =	sst s0;
	s0 =	simm.s32 @!p2 $0x0  }
0x16: {  	s3 =	sld [smem:$0x3FDB];
	s0 =	simm.s32 @p2 $0x1  }
0x17: {  	s4 =	simm.s32 $0x1BF5;
	[smem:$0x3FAC] =	sst s0  }
0x18: {  	s0 =	sld [smem:$0x3F8F];
	_ =	swait.ge [sflag:s4], $0x0  }
0x19: {  	s7 =	sld [smem:$0x3F90]  }
0x1a: {  	s8 =	sadd.s32 $0xFFFFE003, lr  }
0x1b: {  	s9 =	sadd.s32 $0xFFFFFEF7, lr;
	s5 =	simm.s32 $0xFFFFFFFF;
	p2 =	slt.u32 s8, $0xFFFFF086  }
0x1c: {  	p1 =	slt.u32 s9, $0xF7A;
	s5 =	simm.s32 @!p2 $0x0  }
0x1d: {  	s5 =	simm.s32 @p1 $0x1;
	p0 =	seq.s32 s7, s2  }
0x1e: {  	s7 =	smul.u32 @!p0 $0xF7A, s2;
	p2 =	seq.s32 @!p0 s5, $0x0  }
0x1f: {  	s9 =	smul.u32 $0xF7A, s1;
	s8 =	simm.s32 @!p0 $0x1BF5;
	p2 =	por !p2, p0  }
0x20: {  	[sflag:s8] =	ssyncset.s32 @!p0 $0xFFFFF086;
	s6 =	sadd.s32 @!p0 s3, s7;
	s7 =	simm.s32 @!p0 $0x108  }
0x21: {  	s3 =	sadd.s32 s3, s9;
	s6 =	sadd.s32 @!p0 $0x88, s6;
	s7 =	simm.s32 @p2 $0x1082  }
0x22: {  	[simem:s7], [sflag:s8] =	dma.local @!p0 [hbm:s6], $0xF7A  }
0x23: {  	s9 =	sor.u32 $0xD0000000, s2;
	s6 =	simm.s32 $0x108;
	_ =	swait.ge @!p0 [sflag:s8], $0x0  }
0x24: {  	s3 =	sadd.s32 $0x88, s3;
	s6 =	simm.s32 @!p1 $0x1082;
	[sflag:s4] =	ssyncset.s32 $0xFFFFF086  }
0x25: {  	[simem:s6], [sflag:s4] =	dma.local [hbm:s3], $0xF7A  }
0x26: {  	[smem:$0x3F90] =	sst s1;
	(tag) =	ssettag s2;
	_ =	strace s9  }
0x27: {  	s1 =	sld [smem:$0x3FA0]  }
0x28: {  	s2 =	sld [smem:$0x3FA1]  }
0x29: {  	s4 =	sld [smem:$0x3FA3]  }
0x2a: {  	p0 =	seq.s32 s5, $0x0;
	s5 =	sld [smem:$0x3FA4]  }
0x2b: {  	s6 =	sld [smem:$0x3FA5]  }
0x2c: {  	s7 =	sld [smem:$0x3FA6]  }
0x2d: {  	s3 =	simm.s32 $0x108;
	s8 =	sld [smem:$0x3FA7]  }
0x2e: {  	s3 =	simm.s32 @!p0 $0x1082;
	s9 =	sld [smem:$0x3FA8]  }
0x2f: {  	lr =	sadd.s32 s0, s3;
	s0 =	sld [smem:$0x3F9F]  }
0x30: {  	s3 =	sld [smem:$0x3FA2]  }
0x31: {  	[smem:$0x3FAB] =	sst s10  }
0x32: {  	s10 =	sld [smem:$0x3FA9];
	_ =	sdelay $0x3  }
0x33: {  	p0 =	seq.s32 s10, $0x1;
	s10 =	sld [smem:$0x3FAB];
	_ =	sdelay $0x3  }
0x34: {  	[smem:$0x3FAB] =	sst s10  }
0x35: {  	s10 =	sld [smem:$0x3FAA];
	_ =	sdelay $0x3  }
0x36: {  	p1 =	seq.s32 s10, $0x1;
	s10 =	sld [smem:$0x3FAB];
	_ =	sdelay $0x3  }
0x37: {  	[smem:$0x3FAB] =	sst s10  }
0x38: {  	s10 =	sld [smem:$0x3FAC]  }
0x39: {  	_ = 	snop;
	(pc) =	sbr.ind lr, $3  }
0x3a: {  	_ = 	snop  }
0x3b: {  	_ = 	snop  }
0x3c: {  	p2 =	seq.s32 s10, $0x1;
	s10 =	sld [smem:$0x3FAB]  }
0x3d: {  	_ =	shalt  }
0x3e: {  	_ =	shalt  }
0x3f: {  	_ =	shalt  }
0x40: {  	_ =	shalt  }
0x41: {  	_ =	shalt  }
0x42: {  	_ =	shalt  }
0x43: {  	_ =	shalt  }
0x44: {  	_ =	shalt  }
0x45: {  	_ =	shalt  }
0x46: {  	_ =	shalt  }
0x47: {  	_ =	shalt  }
0x48: {  	_ =	shalt  }
0x49: {  	_ =	shalt  }
0x4a: {  	_ =	shalt  }
0x4b: {  	_ =	shalt  }
0x4c: {  	_ =	shalt  }
0x4d: {  	_ =	shalt  }
0x4e: {  	_ =	shalt  }
0x4f: {  	_ =	shalt  }
0x50: {  	_ =	shalt  }
0x51: {  	_ =	shalt  }
0x52: {  	_ =	shalt  }
0x53: {  	_ =	shalt  }
0x54: {  	_ =	shalt  }
0x55: {  	_ =	shalt  }
0x56: {  	_ =	shalt  }
0x57: {  	_ =	shalt  }
0x58: {  	_ =	shalt  }
0x59: {  	_ =	shalt  }
0x5a: {  	_ =	shalt  }
0x5b: {  	_ =	shalt  }
0x5c: {  	_ =	shalt  }
0x5d: {  	_ =	shalt  }
0x5e: {  	_ =	shalt  }
0x5f: {  	_ =	shalt  }
0x60: {  	_ =	shalt  }
0x61: {  	_ =	shalt  }
0x62: {  	_ =	shalt  }
0x63: {  	_ =	shalt  }
0x64: {  	_ =	shalt  }
0x65: {  	_ =	shalt  }
0x66: {  	_ =	shalt  }
0x67: {  	_ =	shalt  }
0x68: {  	_ =	shalt  }
0x69: {  	_ =	shalt  }
0x6a: {  	_ =	shalt  }
0x6b: {  	_ =	shalt  }
0x6c: {  	_ =	shalt  }
0x6d: {  	_ =	shalt  }
0x6e: {  	_ =	shalt  }
0x6f: {  	_ =	shalt  }
0x70: {  	_ =	shalt  }
0x71: {  	_ =	shalt  }
0x72: {  	_ =	shalt  }
0x73: {  	_ =	shalt  }
0x74: {  	_ =	shalt  }
0x75: {  	_ =	shalt  }
0x76: {  	_ =	shalt  }
0x77: {  	_ =	shalt  }
0x78: {  	_ =	shalt  }
0x79: {  	_ =	shalt  }
0x7a: {  	_ =	shalt  }
0x7b: {  	_ =	shalt  }
0x7c: {  	_ =	shalt  }
0x7d: {  	_ =	shalt  }
0x7e: {  	_ =	shalt  }
0x7f: {  	_ =	shalt  }
0x80: {  	_ =	shalt  }
0x81: {  	_ =	shalt  }
0x82: {  	_ =	shalt  }
0x83: {  	_ =	shalt  }
0x84: {  	_ =	shalt  }
0x85: {  	_ =	shalt  }
0x86: {  	_ =	shalt  }
0x87: {  	_ =	shalt  }
.Lfunc_end0:
.L_simem_size_0:
called_computation.2_lowered:
.L_overlay_start_0:
0x88: {  	s2 =	sld [smem:$0x3FD9]  }
0x89: {  	s3 =	sld [smem:$0x3FFE];
	_ =	sdelay $0x1  }
0x8a: {  	s1 =	srdreg.scid  }
0x8b: {  	s0 =	sand.u32 $0x1, s1  }
0x8c: {  	s16 =	sshll.u32 s0, $0xA;
	s2 =	sadd.s32 s3, s2  }
0x8d: {  	s2 =	sadd.s32 s2, s16  }
0x8e: {  	[smem:$0x3FB7] =	sst s2  }
0x8f: {  	_ = 	snop  }
0x90: {  	(tm) =	ssettm $0x1  }
0x91: {  	s17 =	sld [smem:$0x3FFB];
	_ =	sdelay $0x3  }
0x92: {  	_ =	strace s17  }
0x93: {  	s2 =	sld [smem:$0x3FFC];
	_ =	sdelay $0x3  }
0x94: {  	_ =	strace s2  }
0x95: {  	s2 =	sld [smem:$0x3FFD];
	_ =	sdelay $0x3  }
0x96: {  	_ =	strace s2  }
0x97: {  	_ =	strace $0x8FFFFFFF  }
0x98: {  	s18 =	sld [smem:$0x3FDB];
	_ =	sdelay $0x1  }
0x99: {  	s19 =	simm.s32 $_scs_section_size  }
0x9a: {  	s4 =	simm.s32 $_size__tile_overlayer_lowered;
	s5 =	simm.s32 $_tile_overlayer_lowered  }
0x9b: {  	s22 =	simm.s32 $0x1BFF;
	s21 =	sshll.u32 s5, $0x1;
	s2 =	sadd.s32 s19, s18  }
0x9c: {  	s6 =	simm.s32 $0x0;
	s20 =	sshll.u32 s4, $0x1;
	s4 =	sadd.s32 s21, s2  }
0x9d: {  	[timem:s6], [sflag:s22] =	dma.local [hbm:s4], s20  }
0x9e: {  	_ =	swait.ge [sflag:s22], s20  }
0x9f: {  	s3 =	ssub.s32 $0x0, s20;
	[sflag:s22] =	ssyncset.done $0x0  }
0xa0: {  	[sflag:s22] =	ssyncadd.s32 s3;
	_ =	sdelay $0x1  }
0xa1: {  	s23 =	simm.s32 $0x1B8B  }
0xa2: {  	_ =	swait.ge [sflag:s23], $0x1  }
0xa3: {  	[sflag:s23] =	ssyncset.done $0x0  }
0xa4: {  	s25 =	simm.s32 $0x1B8E;
	s24 =	sld [smem:$0x3FFE];
	[sflag:s23] =	ssyncadd.s32 $0xFFFFFFFF  }
0xa5: {  	s26 =	simm.s32 $execute0_lowered;
	[smem:$0x3FD2] =	sst s25  }
0xa6: {  	s4 =	sshll.u32 s26, $0x1;
	_ =	strace $0x8000004C;
	[dreg:$0x1] =	wrdreg $0xFFFFFFFF  }
0xa7: {  	s28 =	simm.s32 $_size_execute0_lowered;
	s2 =	sadd.s32 s2, s4;
	[dreg:$0x0] =	wrdreg $0x0  }
0xa8: {  	s4 =	sshll.u32 s28, $0x1;
	[dreg:$0x2] =	wrdreg s2  }
0xa9: {  	[dreg:$0x3] =	wrdreg s4  }
0xaa: {  	[dreg:$0x4] =	wrdreg $0xC0  }
0xab: {  	_ =	task [dreg:s6], $0x5FFFF  }
0xac: {  	[dreg:$0x1] =	wrdreg $0xFFFFFFFF  }
0xad: {  	[dreg:$0x0] =	wrdreg $0x60  }
0xae: {  	[dreg:$0x2] =	wrdreg s24  }
0xaf: {  	[dreg:$0x3] =	wrdreg $0xA8000  }
0xb0: {  	[dreg:$0x4] =	wrdreg $0x9  }
0xb1: {  	_ =	task.clear_ibuf [dreg:s6], $0x5FFFF;
	_ =	strace $0x9000004C  }
0xb2: {  	s29 =	simm.s32 $0x9;
	_ =	strace $0x8000004E  }
0xb3: {  	_ =	swait.ge [sflag:s29], $0x1  }
0xb4: {  	[sflag:s29] =	ssyncadd.s32 $0xFFFFFFFF  }
0xb5: {  	_ =	strace $0x9000004E  }
0xb6: {  	_ =	sfence  }
0xb7: {  	s30 =	sld [smem:$0x0];
	_ =	sdelay $0x2  }
0xb8: {  	s31 =	sshll.u32 s1, $0xD;
	s1 =	sshrl.u32 s1, $0x2  }
0xb9: {  	s3 =	sand.u32 $0x4000, s31;
	s1 =	sadd.s32 s1, s30  }
0xba: {  	s0 =	sor.u32 s3, s0;
	s1 =	sshll.u32 s1, $0x11  }
0xbb: {  	s0 =	sor.u32 s1, s0  }
0xbc: {  	s0 =	sadd.s32 $0x8F2B, s0  }
0xbd: {  	[sflag:s0] =	ssyncadd.remote.s32 $0x1  }
0xbe: {  	_ =	sfence.sel $0xFFFF  }
0xbf: {  	[dreg:$0x0] =	wrdreg $0xFFFFFFFF;
	(pc) =	sbr.abs _section_cstart, $3  }
0xc0: {  	[dreg:$0x1] =	wrdreg $0xFFFFFFFF  }
0xc1: {  	_ =	task.clear_ibuf [dreg:s6], $0x2FFFF;
	_ =	strace $0x9FFFFFFF  }
0xc2: {  	(tm) =	ssettm $0x7FFFFFFF  }
0xc3: {  	_ =	shalt  }
tec
execute0_lowered:
.L_overlay_start_1:
0x0: {  	(tag) =	ssettag $0x1  }
0x1: {  	s5 =	rddreg [dreg:$0x0]  }
0x2: {  	s2 =	rddreg [dreg:$0x1]  }
0x3: {  	s0 =	rddreg [dreg:$0x2];
	s3 =	simm.s32 $0x0  }
0x4: {  	s1 =	stileid.u32;
	s4 =	srdreg.scid;
	s17 =	simm.s32 $0x2800  }
0x5: {  	s18 =	simm.s32 $0x6800;
	s19 =	simm.s32 $0x1;
	s20 =	simm.s32 $0x2  }
0x6: {  	s21 =	simm.s32 $0x1380;
	s22 =	simm.s32 $0x2700;
	s23 =	simm.s32 $0x2780  }
0x7: {  	s24 =	simm.s32 $0x0;
	[smem:$0x7FF] =	sst s3;
	s6 =	smul.u32 $0x13C00, s1  }
0x8: {  	s7 =	sand.u32 $0x1, s4;
	s9 =	sadd.s32 $0xE200, s5;
	s11 =	sadd.s32 $0x4200, s5  }
0x9: {  	s4 =	sadd.s32 $0x3FA00, s5;
	s12 =	smul.u32 $0x4F000, s1;
	s29 =	sshll.u32 s1, $0x6  }
0xa: {  	s10 =	smul.u32 $0x13C000, s7;
	s28 =	sshll.u32 s7, $0x4;
	s7 =	ssub.s32 $0x2, s7  }
0xb: {  	_ =	strace $0x8000004D;
	s8 =	sshrl.u32 s6, $0x3;
	s13 =	sshrl.u32 s7, $0x1  }
0xc: {  	s12 =	sshrl.u32 s12, $0x2;
	s6 =	sadd.s32 s6, s10;
	s10 =	sor.u32 s1, s28  }
0xd: {  	s8 =	sadd.s32 s8, s5;
	s13 =	ssub.s32 s7, s13;
	s14 =	smul.u32 $0x2800, s10  }
0xe: {  	s16 =	sadd.s32 s12, s2;
	s6 =	sshrl.u32 s6, $0x3;
	s10 =	smul.u32 $0x500, s10  }
0xf: {  	s12 =	smax.u32 s13, $0x1;
	s13 =	sshrl.u32 s16, $0x3;
	s16 =	simm.s32 $0x80  }
0x10: {  	s15 =	sadd.s32 s6, s5;
	s5 =	sadd.s32 $0x18200, s8;
	s30 =	sshrl.u32 s14, $0x3  }
0x11: {  	s6 =	sor.u32 $0x1C03, s29;
	s7 =	sadd.s32 s9, s10;
	s31 =	sadd.s32 $0x280, s30  }
0x12: {  	s8 =	sadd.s32 s11, s10;
	s14 =	simm.s32 $0x3;
	s9 =	sadd.s32 s9, s31  }
0x13: {  	s10 =	sadd.s32 s11, s31;
	s11 =	sadd.s32 $0x66C00, s15;
	s15 =	simm.s32 $0x1400  }
.LBB2_1:
0x14: {  	[spmem:s13], [sflag:s6] =	dma.local [hbm:s5], $0x2780  }
0x15: {  	_ =	swait.ge [sflag:s14], $0x2780  }
0x16: {  	[sflag:s14] =	ssyncset.done $0x0  }
0x17: {  	[sflag:s14] =	ssyncadd.s32 $0xFFFFD880  }
0x18: {  	[bflag:$0x0] =	sbarrier.arrive $0xFFFF  }
0x19: {  	[tilespmem:s3], [sflag:$0x3] =	stream.linear.gather [hbm4b:s7+s3], $0x1400, $0x38;
	[tilespmem:$0x1E400] =	vst v63  }
0x1a: {  	_ =	swait.ge [sflag:s14], $0x1400  }
0x1b: {  	[sflag:s14] =	ssyncset.done $0x0  }
0x1c: {  	[sflag:s14] =	ssyncadd.s32 $0xFFFFEC00  }
0x1d: {  	[tilespmem:s15], [sflag:$0x3] =	stream.linear.gather [hbm4b:s8+s3], $0x1400, $0x38;
	[tilespmem:$0x1E400] =	vst v63  }
0x1e: {  	_ =	swait.ge [sflag:s14], $0x1400  }
0x1f: {  	[sflag:s14] =	ssyncset.done $0x0  }
0x20: {  	[sflag:s14] =	ssyncadd.s32 $0xFFFFEC00  }
0x21: {  	[tilespmem:s17], [sflag:$0x1] =	stream.indirect.gather [hbm4b:s4+s16], $0x80, s3, s16, $0xb8;
	[tilespmem:$0x1E400] =	vst v63  }
0x22: {  	s25 =	simm.s32 $0x80  }
0x23: {  	[tilespmem:s18], [sflag:$0x2] =	stream.indirect.gather [hbm4b:s4+s16], $0x80, s25, s16, $0xb8;
	[tilespmem:$0x1E400] =	vst v63  }
0x24: {  	_ =	swait.ge [sflag:s19], $0x4000  }
0x25: {  	[sflag:s19] =	ssyncset.done $0x0  }
0x26: {  	s29 =	simm.s32 $0x1400;
	[sflag:s19] =	ssyncadd.s32 $0xFFFFC000  }
0x27: {  	[spmem:s2] =	stream.indirect.scatter.add.f32 [tilespmem:s17], [sflag:$0x3], $0x80, s29, s16, $0xb8;
	[tilespmem:$0x1E400] =	vst v63  }
0x28: {  	_ =	swait.ge [sflag:s14], $0x4000  }
0x29: {  	[sflag:s14] =	ssyncset.done $0x0  }
0x2a: {  	s30 =	simm.s32 $0x100;
	[sflag:s14] =	ssyncadd.s32 $0xFFFFC000  }
0x2b: {  	[tilespmem:s17], [sflag:$0x1] =	stream.indirect.gather [hbm4b:s4+s16], $0x80, s30, s16, $0xb8;
	[tilespmem:$0x1E400] =	vst v63  }
0x2c: {  	_ =	swait.ge [sflag:s20], $0x4000  }
0x2d: {  	[sflag:s20] =	ssyncset.done $0x0  }
0x2e: {  	s31 =	simm.s32 $0x1480;
	[sflag:s20] =	ssyncadd.s32 $0xFFFFC000  }
0x2f: {  	[spmem:s2] =	stream.indirect.scatter.add.f32 [tilespmem:s18], [sflag:$0x3], $0x80, s31, s16, $0xb8;
	[tilespmem:$0x1E400] =	vst v63  }
0x30: {  	_ =	swait.ge [sflag:s14], $0x4000  }
0x31: {  	s26 =	simm.s32 $0x800;
	s25 =	simm.s32 $0x100;
	[sflag:s14] =	ssyncset.done $0x0  }
.LBB2_2:
0x32: {  	s28 =	sadd.s32 $0x80, s25  }
0x33: {  	[sflag:s14] =	ssyncadd.s32 $0xFFFFC000;
	s29 =	smov.u32 s26;
	s30 =	sadd.s32 $0x400, s26  }
0x34: {  	[tilespmem:s18], [sflag:$0x2] =	stream.indirect.gather [hbm4b:s4+s16], $0x80, s28, s16, $0xb8;
	[tilespmem:$0x1E400] =	vst v63  }
0x35: {  	p0 =	sne.s32 s26, $0x4800;
	_ =	swait.ge [sflag:s19], $0x4000  }
0x36: {  	[sflag:s19] =	ssyncset.done $0x0  }
0x37: {  	s26 =	sadd.s32 $0x1400, s25;
	[sflag:s19] =	ssyncadd.s32 $0xFFFFC000  }
0x38: {  	[spmem:s2] =	stream.indirect.scatter.add.f32 [tilespmem:s17], [sflag:$0x3], $0x80, s26, s16, $0xb8;
	[tilespmem:$0x1E400] =	vst v63  }
0x39: {  	_ =	swait.ge [sflag:s14], $0x4000  }
0x3a: {  	[sflag:s14] =	ssyncset.done $0x0  }
0x3b: {  	s26 =	sadd.s32 $0x100, s25;
	[sflag:s14] =	ssyncadd.s32 $0xFFFFC000  }
0x3c: {  	[tilespmem:s17], [sflag:$0x1] =	stream.indirect.gather [hbm4b:s4+s16], $0x80, s26, s16, $0xb8;
	[tilespmem:$0x1E400] =	vst v63  }
0x3d: {  	_ =	swait.ge [sflag:s20], $0x4000  }
.Ltmp0:
0x3e: {  	[sflag:s20] =	ssyncset.done $0x0;
	(pc) =	sbr.rel @p0 .LBB2_2-.Ltmp0, $4  }
0x3f: {  	s25 =	sadd.s32 $0x1480, s25;
	[sflag:s20] =	ssyncadd.s32 $0xFFFFC000  }
0x40: {  	[spmem:s2] =	stream.indirect.scatter.add.f32 [tilespmem:s18], [sflag:$0x3], $0x80, s25, s16, $0xb8;
	[tilespmem:$0x1E400] =	vst v63  }
0x41: {  	_ =	swait.ge [sflag:s14], $0x4000  }
0x42: {  	s26 =	smov.u32 s30;
	s25 =	sshra.s32 s29, $0x2;
	[sflag:s14] =	ssyncset.done $0x0  }
0x43: {  	s26 =	sadd.s32 $0x80, s25;
	[sflag:s14] =	ssyncadd.s32 $0xFFFFC000  }
0x44: {  	[tilespmem:s18], [sflag:$0x2] =	stream.indirect.gather [hbm4b:s4+s16], $0x80, s26, s16, $0xb8;
	[tilespmem:$0x1E400] =	vst v63  }
0x45: {  	_ =	swait.ge [sflag:s19], $0x4000  }
0x46: {  	[sflag:s19] =	ssyncset.done $0x0  }
0x47: {  	s29 =	sadd.s32 $0x1400, s25;
	[sflag:s19] =	ssyncadd.s32 $0xFFFFC000  }
0x48: {  	[spmem:s2] =	stream.indirect.scatter.add.f32 [tilespmem:s17], [sflag:$0x3], $0x80, s29, s16, $0xb8;
	[tilespmem:$0x1E400] =	vst v63  }
0x49: {  	_ =	swait.ge [sflag:s14], $0x4000  }
0x4a: {  	[sflag:s14] =	ssyncset.done $0x0  }
0x4b: {  	s30 =	sadd.s32 $0x100, s25;
	[sflag:s14] =	ssyncadd.s32 $0xFFFFC000  }
0x4c: {  	[tilespmem:s17], [sflag:$0x1] =	stream.indirect.gather [hbm4b:s4+s16], $0x80, s30, s16, $0xb8;
	[tilespmem:$0x1E400] =	vst v63  }
0x4d: {  	_ =	swait.ge [sflag:s20], $0x4000  }
0x4e: {  	[sflag:s20] =	ssyncset.done $0x0  }
0x4f: {  	s31 =	sadd.s32 $0x1480, s25;
	[sflag:s20] =	ssyncadd.s32 $0xFFFFC000  }
0x50: {  	[spmem:s2] =	stream.indirect.scatter.add.f32 [tilespmem:s18], [sflag:$0x3], $0x80, s31, s16, $0xb8;
	[tilespmem:$0x1E400] =	vst v63  }
0x51: {  	_ =	swait.ge [sflag:s14], $0x4000  }
0x52: {  	[sflag:s14] =	ssyncset.done $0x0  }
0x53: {  	[sflag:s14] =	ssyncadd.s32 $0xFFFFC000  }
0x54: {  	[tilespmem:s18], [sflag:$0x2] =	stream.indirect.gather [hbm4b:s4+s16], $0x80, s21, s16, $0xb8;
	[tilespmem:$0x1E400] =	vst v63  }
0x55: {  	_ =	swait.ge [sflag:s19], $0x4000  }
0x56: {  	[sflag:s19] =	ssyncset.done $0x0  }
0x57: {  	[sflag:s19] =	ssyncadd.s32 $0xFFFFC000  }
0x58: {  	[spmem:s2] =	stream.indirect.scatter.add.f32 [tilespmem:s17], [sflag:$0x3], $0x80, s22, s16, $0xb8;
	[tilespmem:$0x1E400] =	vst v63  }
0x59: {  	_ =	swait.ge [sflag:s14], $0x4000  }
0x5a: {  	[sflag:s14] =	ssyncset.done $0x0  }
0x5b: {  	s26 =	simm.s32 $0x0;
	[sflag:s14] =	ssyncadd.s32 $0xFFFFC000  }
0x5c: {  	[tilespmem:s17], [sflag:$0x1] =	stream.indirect.gather [hbm4b:s4+s16], $0x80, s26, s16, $0xb8;
	[tilespmem:$0x1E400] =	vst v63  }
0x5d: {  	_ =	swait.ge [sflag:s20], $0x4000  }
0x5e: {  	[sflag:s20] =	ssyncset.done $0x0  }
0x5f: {  	[sflag:s20] =	ssyncadd.s32 $0xFFFFC000  }
0x60: {  	[spmem:s2] =	stream.indirect.scatter.add.f32 [tilespmem:s18], [sflag:$0x3], $0x80, s23, s16, $0xb8;
	[tilespmem:$0x1E400] =	vst v63  }
0x61: {  	_ =	swait.ge [sflag:s14], $0x4000  }
0x62: {  	[sflag:s14] =	ssyncset.done $0x0  }
0x63: {  	[sflag:s14] =	ssyncadd.s32 $0xFFFFC000  }
0x64: {  	_ =	swait.ge [sflag:s19], $0x4000  }
0x65: {  	[sflag:s19] =	ssyncset.done $0x0  }
0x66: {  	[sflag:s19] =	ssyncadd.s32 $0xFFFFC000  }
0x67: {  	[tilespmem:s26], [sflag:$0x3] =	stream.linear.gather [hbm4b:s9+s26], $0x1400, $0x38;
	[tilespmem:$0x1E400] =	vst v63  }
0x68: {  	_ =	swait.ge [sflag:s14], $0x1400  }
0x69: {  	[sflag:s14] =	ssyncset.done $0x0  }
0x6a: {  	[sflag:s14] =	ssyncadd.s32 $0xFFFFEC00  }
0x6b: {  	[tilespmem:s15], [sflag:$0x3] =	stream.linear.gather [hbm4b:s10+s26], $0x1400, $0x38;
	[tilespmem:$0x1E400] =	vst v63  }
0x6c: {  	_ =	swait.ge [sflag:s14], $0x1400  }
0x6d: {  	[sflag:s14] =	ssyncset.done $0x0  }
0x6e: {  	[sflag:s14] =	ssyncadd.s32 $0xFFFFEC00  }
0x6f: {  	[tilespmem:s17], [sflag:$0x1] =	stream.indirect.gather [hbm4b:s4+s16], $0x80, s26, s16, $0xb8;
	[tilespmem:$0x1E400] =	vst v63  }
0x70: {  	s28 =	simm.s32 $0x80  }
0x71: {  	[tilespmem:s18], [sflag:$0x2] =	stream.indirect.gather [hbm4b:s4+s16], $0x80, s28, s16, $0xb8;
	[tilespmem:$0x1E400] =	vst v63  }
0x72: {  	_ =	swait.ge [sflag:s19], $0x4000  }
0x73: {  	[sflag:s19] =	ssyncset.done $0x0  }
0x74: {  	s29 =	simm.s32 $0x1400;
	[sflag:s19] =	ssyncadd.s32 $0xFFFFC000  }
0x75: {  	[spmem:s2] =	stream.indirect.scatter.add.f32 [tilespmem:s17], [sflag:$0x3], $0x80, s29, s16, $0xb8;
	[tilespmem:$0x1E400] =	vst v63  }
0x76: {  	_ =	swait.ge [sflag:s14], $0x4000  }
0x77: {  	[sflag:s14] =	ssyncset.done $0x0  }
0x78: {  	s30 =	simm.s32 $0x100;
	[sflag:s14] =	ssyncadd.s32 $0xFFFFC000  }
0x79: {  	[tilespmem:s17], [sflag:$0x1] =	stream.indirect.gather [hbm4b:s4+s16], $0x80, s30, s16, $0xb8;
	[tilespmem:$0x1E400] =	vst v63  }
0x7a: {  	_ =	swait.ge [sflag:s20], $0x4000  }
0x7b: {  	[sflag:s20] =	ssyncset.done $0x0  }
0x7c: {  	s31 =	simm.s32 $0x1480;
	[sflag:s20] =	ssyncadd.s32 $0xFFFFC000  }
0x7d: {  	[spmem:s2] =	stream.indirect.scatter.add.f32 [tilespmem:s18], [sflag:$0x3], $0x80, s31, s16, $0xb8;
	[tilespmem:$0x1E400] =	vst v63  }
0x7e: {  	_ =	swait.ge [sflag:s14], $0x4000  }
0x7f: {  	s25 =	simm.s32 $0x100;
	s26 =	simm.s32 $0x800;
	[sflag:s14] =	ssyncset.done $0x0  }
.LBB2_4:
0x80: {  	s28 =	sadd.s32 $0x80, s25  }
0x81: {  	[sflag:s14] =	ssyncadd.s32 $0xFFFFC000;
	s29 =	smov.u32 s26;
	s30 =	sadd.s32 $0x400, s26  }
0x82: {  	[tilespmem:s18], [sflag:$0x2] =	stream.indirect.gather [hbm4b:s4+s16], $0x80, s28, s16, $0xb8;
	[tilespmem:$0x1E400] =	vst v63  }
0x83: {  	p0 =	sne.s32 s26, $0x4800;
	_ =	swait.ge [sflag:s19], $0x4000  }
0x84: {  	[sflag:s19] =	ssyncset.done $0x0  }
0x85: {  	s26 =	sadd.s32 $0x1400, s25;
	[sflag:s19] =	ssyncadd.s32 $0xFFFFC000  }
0x86: {  	[spmem:s2] =	stream.indirect.scatter.add.f32 [tilespmem:s17], [sflag:$0x3], $0x80, s26, s16, $0xb8;
	[tilespmem:$0x1E400] =	vst v63  }
0x87: {  	_ =	swait.ge [sflag:s14], $0x4000  }
0x88: {  	[sflag:s14] =	ssyncset.done $0x0  }
0x89: {  	s26 =	sadd.s32 $0x100, s25;
	[sflag:s14] =	ssyncadd.s32 $0xFFFFC000  }
0x8a: {  	[tilespmem:s17], [sflag:$0x1] =	stream.indirect.gather [hbm4b:s4+s16], $0x80, s26, s16, $0xb8;
	[tilespmem:$0x1E400] =	vst v63  }
0x8b: {  	_ =	swait.ge [sflag:s20], $0x4000  }
.Ltmp1:
0x8c: {  	[sflag:s20] =	ssyncset.done $0x0;
	(pc) =	sbr.rel @p0 .LBB2_4-.Ltmp1, $4  }
0x8d: {  	s25 =	sadd.s32 $0x1480, s25;
	[sflag:s20] =	ssyncadd.s32 $0xFFFFC000  }
0x8e: {  	[spmem:s2] =	stream.indirect.scatter.add.f32 [tilespmem:s18], [sflag:$0x3], $0x80, s25, s16, $0xb8;
	[tilespmem:$0x1E400] =	vst v63  }
0x8f: {  	_ =	swait.ge [sflag:s14], $0x4000  }
0x90: {  	s26 =	smov.u32 s30;
	s25 =	sshra.s32 s29, $0x2;
	[sflag:s14] =	ssyncset.done $0x0  }
0x91: {  	s26 =	sadd.s32 $0x80, s25;
	[sflag:s14] =	ssyncadd.s32 $0xFFFFC000  }
0x92: {  	[tilespmem:s18], [sflag:$0x2] =	stream.indirect.gather [hbm4b:s4+s16], $0x80, s26, s16, $0xb8;
	[tilespmem:$0x1E400] =	vst v63  }
0x93: {  	_ =	swait.ge [sflag:s19], $0x4000  }
0x94: {  	[sflag:s19] =	ssyncset.done $0x0  }
0x95: {  	s29 =	sadd.s32 $0x1400, s25;
	[sflag:s19] =	ssyncadd.s32 $0xFFFFC000  }
0x96: {  	[spmem:s2] =	stream.indirect.scatter.add.f32 [tilespmem:s17], [sflag:$0x3], $0x80, s29, s16, $0xb8;
	[tilespmem:$0x1E400] =	vst v63  }
0x97: {  	_ =	swait.ge [sflag:s14], $0x4000  }
0x98: {  	[sflag:s14] =	ssyncset.done $0x0  }
0x99: {  	s30 =	sadd.s32 $0x100, s25;
	[sflag:s14] =	ssyncadd.s32 $0xFFFFC000  }
0x9a: {  	[tilespmem:s17], [sflag:$0x1] =	stream.indirect.gather [hbm4b:s4+s16], $0x80, s30, s16, $0xb8;
	[tilespmem:$0x1E400] =	vst v63  }
0x9b: {  	_ =	swait.ge [sflag:s20], $0x4000  }
0x9c: {  	[sflag:s20] =	ssyncset.done $0x0  }
0x9d: {  	s31 =	sadd.s32 $0x1480, s25;
	[sflag:s20] =	ssyncadd.s32 $0xFFFFC000  }
0x9e: {  	[spmem:s2] =	stream.indirect.scatter.add.f32 [tilespmem:s18], [sflag:$0x3], $0x80, s31, s16, $0xb8;
	[tilespmem:$0x1E400] =	vst v63  }
0x9f: {  	_ =	swait.ge [sflag:s14], $0x4000  }
0xa0: {  	[sflag:s14] =	ssyncset.done $0x0  }
0xa1: {  	[sflag:s14] =	ssyncadd.s32 $0xFFFFC000  }
0xa2: {  	[tilespmem:s18], [sflag:$0x2] =	stream.indirect.gather [hbm4b:s4+s16], $0x80, s21, s16, $0xb8;
	[tilespmem:$0x1E400] =	vst v63  }
0xa3: {  	_ =	swait.ge [sflag:s19], $0x4000  }
0xa4: {  	[sflag:s19] =	ssyncset.done $0x0  }
0xa5: {  	[sflag:s19] =	ssyncadd.s32 $0xFFFFC000  }
0xa6: {  	[spmem:s2] =	stream.indirect.scatter.add.f32 [tilespmem:s17], [sflag:$0x3], $0x80, s22, s16, $0xb8;
	[tilespmem:$0x1E400] =	vst v63  }
0xa7: {  	_ =	swait.ge [sflag:s14], $0x4000  }
0xa8: {  	[sflag:s14] =	ssyncset.done $0x0  }
0xa9: {  	[sflag:s14] =	ssyncadd.s32 $0xFFFFC000  }
0xaa: {  	[tilespmem:s17], [sflag:$0x1] =	stream.indirect.gather [hbm4b:s4+s16], $0x80, s3, s16, $0xb8;
	[tilespmem:$0x1E400] =	vst v63  }
0xab: {  	_ =	swait.ge [sflag:s20], $0x4000  }
0xac: {  	[sflag:s20] =	ssyncset.done $0x0  }
0xad: {  	[sflag:s20] =	ssyncadd.s32 $0xFFFFC000  }
0xae: {  	[spmem:s2] =	stream.indirect.scatter.add.f32 [tilespmem:s18], [sflag:$0x3], $0x80, s23, s16, $0xb8;
	[tilespmem:$0x1E400] =	vst v63  }
0xaf: {  	_ =	swait.ge [sflag:s14], $0x4000  }
0xb0: {  	[sflag:s14] =	ssyncset.done $0x0  }
0xb1: {  	[sflag:s14] =	ssyncadd.s32 $0xFFFFC000  }
0xb2: {  	_ =	swait.ge [sflag:s19], $0x4000  }
0xb3: {  	s24 =	sadd.s32 $0x1, s24;
	[sflag:s19] =	ssyncset.done $0x0  }
0xb4: {  	p0 =	sne.s32 s24, s12;
	[sflag:s19] =	ssyncadd.s32 $0xFFFFC000  }
.Ltmp2:
0xb5: {  	[bflag:$0x0] =	sbarrier.arrive $0xFFFF;
	(pc) =	sbr.rel @p0 .LBB2_1-.Ltmp2, $4  }
0xb6: {  	[hbm:s11], [sflag:s6] =	dma.local [spmem:s13], $0x2780  }
0xb7: {  	_ =	swait.ge [sflag:s14], $0x2780  }
0xb8: {  	[sflag:s14] =	ssyncset.done $0x0  }
0xb9: {  	[sflag:s14] =	ssyncadd.s32 $0xFFFFD880  }
0xba: {  	_ =	sfence.sel $0x180000  }
0xbb: {  	[bflag:$0x0] =	sbarrier.arrive $0xFFFF  }
0xbc: {  	p0 =	sne.s32 s1, $0x0;
	_ =	strace $0x9000004D  }
0xbd: {  	s0 =	sadd.s32 @!p0 $0x100000, s0;
	[bflag:$0x2] =	sbarrier.arrive $0xFFFF  }
0xbe: {  	[sflag:s0] =	ssyncadd.tile.s32 @!p0 $0x1;
	_ =	shalt  }
.Lfunc_end2:
_tile_overlayer_lowered:
.L_overlay_start_2:
0xbf: {  	(tag) =	ssettag $0x2  }
0xc0: {  	s0 =	rddreg [dreg:$0x0];
	s2 =	stileid.u32  }
0xc1: {  	s1 =	rddreg [dreg:$0x1];
	p0 =	sne.s32 s2, $0x0  }
0xc2: {  	s3 =	rddreg [dreg:$0x2];
	[bflag:$0x3] =	sbarrier.arrive $0xFFFF;
	s2 =	simm.s32 @!p0 $0x1C03  }
0xc3: {  	[timem:s3], [sflag:s2] =	dma.local @!p0 [hbm:s0], s1  }
0xc4: {  	s0 =	simm.s32 @!p0 $0x3  }
0xc5: {  	_ =	swait.ge @!p0 [sflag:s0], s1  }
0xc6: {  	s1 =	ssub.s32 @!p0 $0x0, s1;
	[sflag:s0] =	ssyncset.done @!p0 $0x0  }
0xc7: {  	[sflag:s0] =	ssyncadd.s32 @!p0 s1  }
0xc8: {  	[bflag:$0x3] =	sbarrier.arrive $0xFFFF  }
0xc9: {  	_ =	shalt  }

// kernel: kernel.20.cloned.1.call-start
scs
__scs_entry_jumppad:
0x0: {  	(pc) =	sbr.rel $0x88, $3  }
0x1: {  	(tag) =	ssettag $0x0;
	lr =	simm.s32 $0x1  }
0x2: {  	[smem:$0x3F90] =	sst lr;
	_ =	strace $0xD0000000  }
0x3: {  	_ = 	snop  }
0x4: {  	_ = 	snop  }
0x5: {  	_ = 	snop  }
0x6: {  	_ = 	snop  }
0x7: {  	_ = 	snop  }
__scs_overlays_trampoline_lowered:
0x8: {  	[smem:$0x3F9F] =	sst s0  }
0x9: {  	[smem:$0x3FA0] =	sst s1  }
0xa: {  	[smem:$0x3FA1] =	sst s2  }
0xb: {  	[smem:$0x3FA2] =	sst s3  }
0xc: {  	[smem:$0x3FA3] =	sst s4  }
0xd: {  	[smem:$0x3FA4] =	sst s5  }
0xe: {  	[smem:$0x3FA5] =	sst s6  }
0xf: {  	[smem:$0x3FA6] =	sst s7  }
0x10: {  	[smem:$0x3FA7] =	sst s8  }
0x11: {  	[smem:$0x3FA8] =	sst s9;
	s0 =	simm.s32 @!p0 $0x0  }
0x12: {  	s1 =	sld [smem:$0x3F8E];
	s0 =	simm.s32 @p0 $0x1  }
0x13: {  	[smem:$0x3FA9] =	sst s0;
	s0 =	simm.s32 @!p1 $0x0  }
0x14: {  	s2 =	sld [smem:$0x3F8D];
	s0 =	simm.s32 @p1 $0x1  }
0x15: {  	[smem:$0x3FAA] =	sst s0;
	s0 =	simm.s32 @!p2 $0x0  }
0x16: {  	s3 =	sld [smem:$0x3FDB];
	s0 =	simm.s32 @p2 $0x1  }
0x17: {  	s4 =	simm.s32 $0x1BF5;
	[smem:$0x3FAC] =	sst s0  }
0x18: {  	s0 =	sld [smem:$0x3F8F];
	_ =	swait.ge [sflag:s4], $0x0  }
0x19: {  	s7 =	sld [smem:$0x3F90]  }
0x1a: {  	s8 =	sadd.s32 $0xFFFFE003, lr  }
0x1b: {  	s9 =	sadd.s32 $0xFFFFFEF7, lr;
	s5 =	simm.s32 $0xFFFFFFFF;
	p2 =	slt.u32 s8, $0xFFFFF086  }
0x1c: {  	p1 =	slt.u32 s9, $0xF7A;
	s5 =	simm.s32 @!p2 $0x0  }
0x1d: {  	s5 =	simm.s32 @p1 $0x1;
	p0 =	seq.s32 s7, s2  }
0x1e: {  	s7 =	smul.u32 @!p0 $0xF7A, s2;
	p2 =	seq.s32 @!p0 s5, $0x0  }
0x1f: {  	s9 =	smul.u32 $0xF7A, s1;
	s8 =	simm.s32 @!p0 $0x1BF5;
	p2 =	por !p2, p0  }
0x20: {  	[sflag:s8] =	ssyncset.s32 @!p0 $0xFFFFF086;
	s6 =	sadd.s32 @!p0 s3, s7;
	s7 =	simm.s32 @!p0 $0x108  }
0x21: {  	s3 =	sadd.s32 s3, s9;
	s6 =	sadd.s32 @!p0 $0x88, s6;
	s7 =	simm.s32 @p2 $0x1082  }
0x22: {  	[simem:s7], [sflag:s8] =	dma.local @!p0 [hbm:s6], $0xF7A  }
0x23: {  	s9 =	sor.u32 $0xD0000000, s2;
	s6 =	simm.s32 $0x108;
	_ =	swait.ge @!p0 [sflag:s8], $0x0  }
0x24: {  	s3 =	sadd.s32 $0x88, s3;
	s6 =	simm.s32 @!p1 $0x1082;
	[sflag:s4] =	ssyncset.s32 $0xFFFFF086  }
0x25: {  	[simem:s6], [sflag:s4] =	dma.local [hbm:s3], $0xF7A  }
0x26: {  	[smem:$0x3F90] =	sst s1;
	(tag) =	ssettag s2;
	_ =	strace s9  }
0x27: {  	s1 =	sld [smem:$0x3FA0]  }
0x28: {  	s2 =	sld [smem:$0x3FA1]  }
0x29: {  	s4 =	sld [smem:$0x3FA3]  }
0x2a: {  	p0 =	seq.s32 s5, $0x0;
	s5 =	sld [smem:$0x3FA4]  }
0x2b: {  	s6 =	sld [smem:$0x3FA5]  }
0x2c: {  	s7 =	sld [smem:$0x3FA6]  }
0x2d: {  	s3 =	simm.s32 $0x108;
	s8 =	sld [smem:$0x3FA7]  }
0x2e: {  	s3 =	simm.s32 @!p0 $0x1082;
	s9 =	sld [smem:$0x3FA8]  }
0x2f: {  	lr =	sadd.s32 s0, s3;
	s0 =	sld [smem:$0x3F9F]  }
0x30: {  	s3 =	sld [smem:$0x3FA2]  }
0x31: {  	[smem:$0x3FAB] =	sst s10  }
0x32: {  	s10 =	sld [smem:$0x3FA9];
	_ =	sdelay $0x3  }
0x33: {  	p0 =	seq.s32 s10, $0x1;
	s10 =	sld [smem:$0x3FAB];
	_ =	sdelay $0x3  }
0x34: {  	[smem:$0x3FAB] =	sst s10  }
0x35: {  	s10 =	sld [smem:$0x3FAA];
	_ =	sdelay $0x3  }
0x36: {  	p1 =	seq.s32 s10, $0x1;
	s10 =	sld [smem:$0x3FAB];
	_ =	sdelay $0x3  }
0x37: {  	[smem:$0x3FAB] =	sst s10  }
0x38: {  	s10 =	sld [smem:$0x3FAC]  }
0x39: {  	_ = 	snop;
	(pc) =	sbr.ind lr, $3  }
0x3a: {  	_ = 	snop  }
0x3b: {  	_ = 	snop  }
0x3c: {  	p2 =	seq.s32 s10, $0x1;
	s10 =	sld [smem:$0x3FAB]  }
0x3d: {  	_ =	shalt  }
0x3e: {  	_ =	shalt  }
0x3f: {  	_ =	shalt  }
0x40: {  	_ =	shalt  }
0x41: {  	_ =	shalt  }
0x42: {  	_ =	shalt  }
0x43: {  	_ =	shalt  }
0x44: {  	_ =	shalt  }
0x45: {  	_ =	shalt  }
0x46: {  	_ =	shalt  }
0x47: {  	_ =	shalt  }
0x48: {  	_ =	shalt  }
0x49: {  	_ =	shalt  }
0x4a: {  	_ =	shalt  }
0x4b: {  	_ =	shalt  }
0x4c: {  	_ =	shalt  }
0x4d: {  	_ =	shalt  }
0x4e: {  	_ =	shalt  }
0x4f: {  	_ =	shalt  }
0x50: {  	_ =	shalt  }
0x51: {  	_ =	shalt  }
0x52: {  	_ =	shalt  }
0x53: {  	_ =	shalt  }
0x54: {  	_ =	shalt  }
0x55: {  	_ =	shalt  }
0x56: {  	_ =	shalt  }
0x57: {  	_ =	shalt  }
0x58: {  	_ =	shalt  }
0x59: {  	_ =	shalt  }
0x5a: {  	_ =	shalt  }
0x5b: {  	_ =	shalt  }
0x5c: {  	_ =	shalt  }
0x5d: {  	_ =	shalt  }
0x5e: {  	_ =	shalt  }
0x5f: {  	_ =	shalt  }
0x60: {  	_ =	shalt  }
0x61: {  	_ =	shalt  }
0x62: {  	_ =	shalt  }
0x63: {  	_ =	shalt  }
0x64: {  	_ =	shalt  }
0x65: {  	_ =	shalt  }
0x66: {  	_ =	shalt  }
0x67: {  	_ =	shalt  }
0x68: {  	_ =	shalt  }
0x69: {  	_ =	shalt  }
0x6a: {  	_ =	shalt  }
0x6b: {  	_ =	shalt  }
0x6c: {  	_ =	shalt  }
0x6d: {  	_ =	shalt  }
0x6e: {  	_ =	shalt  }
0x6f: {  	_ =	shalt  }
0x70: {  	_ =	shalt  }
0x71: {  	_ =	shalt  }
0x72: {  	_ =	shalt  }
0x73: {  	_ =	shalt  }
0x74: {  	_ =	shalt  }
0x75: {  	_ =	shalt  }
0x76: {  	_ =	shalt  }
0x77: {  	_ =	shalt  }
0x78: {  	_ =	shalt  }
0x79: {  	_ =	shalt  }
0x7a: {  	_ =	shalt  }
0x7b: {  	_ =	shalt  }
0x7c: {  	_ =	shalt  }
0x7d: {  	_ =	shalt  }
0x7e: {  	_ =	shalt  }
0x7f: {  	_ =	shalt  }
0x80: {  	_ =	shalt  }
0x81: {  	_ =	shalt  }
0x82: {  	_ =	shalt  }
0x83: {  	_ =	shalt  }
0x84: {  	_ =	shalt  }
0x85: {  	_ =	shalt  }
0x86: {  	_ =	shalt  }
0x87: {  	_ =	shalt  }
.Lfunc_end0:
.L_simem_size_0:
called_computation.3_lowered:
.L_overlay_start_0:
0x88: {  	s2 =	sld [smem:$0x3FD9]  }
0x89: {  	s3 =	sld [smem:$0x3FFE];
	_ =	sdelay $0x1  }
0x8a: {  	s1 =	srdreg.scid  }
0x8b: {  	s0 =	sand.u32 $0x1, s1  }
0x8c: {  	s16 =	sshll.u32 s0, $0xA;
	s2 =	sadd.s32 s3, s2  }
0x8d: {  	s2 =	sadd.s32 s2, s16  }
0x8e: {  	[smem:$0x3FB7] =	sst s2  }
0x8f: {  	_ = 	snop  }
0x90: {  	(tm) =	ssettm $0x1  }
0x91: {  	s17 =	sld [smem:$0x3FFB];
	_ =	sdelay $0x3  }
0x92: {  	_ =	strace s17  }
0x93: {  	s2 =	sld [smem:$0x3FFC];
	_ =	sdelay $0x3  }
0x94: {  	_ =	strace s2  }
0x95: {  	s2 =	sld [smem:$0x3FFD];
	_ =	sdelay $0x3  }
0x96: {  	_ =	strace s2  }
0x97: {  	_ =	strace $0x8FFFFFFF  }
0x98: {  	s18 =	sld [smem:$0x3FDB];
	_ =	sdelay $0x1  }
0x99: {  	s19 =	simm.s32 $_scs_section_size  }
0x9a: {  	s4 =	simm.s32 $_size__tile_overlayer_lowered;
	s5 =	simm.s32 $_tile_overlayer_lowered  }
0x9b: {  	s22 =	simm.s32 $0x1BFF;
	s21 =	sshll.u32 s5, $0x1;
	s2 =	sadd.s32 s19, s18  }
0x9c: {  	s6 =	simm.s32 $0x0;
	s20 =	sshll.u32 s4, $0x1;
	s4 =	sadd.s32 s21, s2  }
0x9d: {  	[timem:s6], [sflag:s22] =	dma.local [hbm:s4], s20  }
0x9e: {  	_ =	swait.ge [sflag:s22], s20  }
0x9f: {  	s3 =	ssub.s32 $0x0, s20;
	[sflag:s22] =	ssyncset.done $0x0  }
0xa0: {  	[sflag:s22] =	ssyncadd.s32 s3;
	_ =	sdelay $0x1  }
0xa1: {  	s23 =	simm.s32 $0x1B8B  }
0xa2: {  	_ =	swait.ge [sflag:s23], $0x1  }
0xa3: {  	[sflag:s23] =	ssyncset.done $0x0  }
0xa4: {  	s25 =	simm.s32 $0x1B8E;
	s24 =	sld [smem:$0x3FFE];
	[sflag:s23] =	ssyncadd.s32 $0xFFFFFFFF  }
0xa5: {  	s26 =	simm.s32 $execute0_lowered;
	[smem:$0x3FD2] =	sst s25  }
0xa6: {  	s4 =	sshll.u32 s26, $0x1;
	_ =	strace $0x8000004F;
	[dreg:$0x1] =	wrdreg $0xFFFFFFFF  }
0xa7: {  	s28 =	simm.s32 $_size_execute0_lowered;
	s2 =	sadd.s32 s2, s4;
	[dreg:$0x0] =	wrdreg $0x0  }
0xa8: {  	s4 =	sshll.u32 s28, $0x1;
	[dreg:$0x2] =	wrdreg s2  }
0xa9: {  	[dreg:$0x3] =	wrdreg s4  }
0xaa: {  	[dreg:$0x4] =	wrdreg $0xC0  }
0xab: {  	_ =	task [dreg:s6], $0x5FFFF  }
0xac: {  	[dreg:$0x1] =	wrdreg $0xFFFFFFFF  }
0xad: {  	[dreg:$0x0] =	wrdreg $0x60  }
0xae: {  	[dreg:$0x2] =	wrdreg s24  }
0xaf: {  	[dreg:$0x3] =	wrdreg $0xA8000  }
0xb0: {  	[dreg:$0x4] =	wrdreg $0x9  }
0xb1: {  	_ =	task.clear_ibuf [dreg:s6], $0x5FFFF;
	_ =	strace $0x9000004F  }
0xb2: {  	s29 =	simm.s32 $0x9;
	_ =	strace $0x80000051  }
0xb3: {  	_ =	swait.ge [sflag:s29], $0x1  }
0xb4: {  	[sflag:s29] =	ssyncadd.s32 $0xFFFFFFFF  }
0xb5: {  	_ =	strace $0x90000051  }
0xb6: {  	_ =	sfence  }
0xb7: {  	s30 =	sld [smem:$0x0];
	_ =	sdelay $0x2  }
0xb8: {  	s31 =	sshll.u32 s1, $0xD;
	s1 =	sshrl.u32 s1, $0x2  }
0xb9: {  	s3 =	sand.u32 $0x4000, s31;
	s1 =	sadd.s32 s1, s30  }
0xba: {  	s0 =	sor.u32 s3, s0;
	s1 =	sshll.u32 s1, $0x11  }
0xbb: {  	s0 =	sor.u32 s1, s0  }
0xbc: {  	s0 =	sadd.s32 $0x8F2B, s0  }
0xbd: {  	[sflag:s0] =	ssyncadd.remote.s32 $0x1  }
0xbe: {  	_ =	sfence.sel $0xFFFF  }
0xbf: {  	[dreg:$0x0] =	wrdreg $0xFFFFFFFF;
	(pc) =	sbr.abs _section_cstart, $3  }
0xc0: {  	[dreg:$0x1] =	wrdreg $0xFFFFFFFF  }
0xc1: {  	_ =	task.clear_ibuf [dreg:s6], $0x2FFFF;
	_ =	strace $0x9FFFFFFF  }
0xc2: {  	(tm) =	ssettm $0x7FFFFFFF  }
0xc3: {  	_ =	shalt  }
tec
execute0_lowered:
.L_overlay_start_1:
0x0: {  	(tag) =	ssettag $0x1  }
0x1: {  	s5 =	rddreg [dreg:$0x0]  }
0x2: {  	s2 =	rddreg [dreg:$0x1]  }
0x3: {  	s0 =	rddreg [dreg:$0x2];
	s3 =	simm.s32 $0x0  }
0x4: {  	s1 =	stileid.u32;
	s4 =	srdreg.scid;
	s17 =	simm.s32 $0x2800  }
0x5: {  	s18 =	simm.s32 $0x6800;
	s19 =	simm.s32 $0x1;
	s20 =	simm.s32 $0x2  }
0x6: {  	s21 =	simm.s32 $0x1380;
	s22 =	simm.s32 $0x2700;
	s23 =	simm.s32 $0x2780  }
0x7: {  	s24 =	simm.s32 $0x0;
	[smem:$0x7FF] =	sst s3;
	s6 =	smul.u32 $0x13C00, s1  }
0x8: {  	s7 =	sand.u32 $0x1, s4;
	s9 =	sadd.s32 $0xE200, s5;
	s11 =	sadd.s32 $0x4200, s5  }
0x9: {  	s4 =	sadd.s32 $0x3FA00, s5;
	s12 =	smul.u32 $0x4F000, s1;
	s29 =	sshll.u32 s1, $0x6  }
0xa: {  	s10 =	smul.u32 $0x13C000, s7;
	s28 =	sshll.u32 s7, $0x4;
	s7 =	ssub.s32 $0x2, s7  }
0xb: {  	_ =	strace $0x80000050;
	s8 =	sshrl.u32 s6, $0x3;
	s13 =	sshrl.u32 s7, $0x1  }
0xc: {  	s12 =	sshrl.u32 s12, $0x2;
	s6 =	sadd.s32 s6, s10;
	s10 =	sor.u32 s1, s28  }
0xd: {  	s8 =	sadd.s32 s8, s5;
	s13 =	ssub.s32 s7, s13;
	s14 =	smul.u32 $0x2800, s10  }
0xe: {  	s16 =	sadd.s32 s12, s2;
	s6 =	sshrl.u32 s6, $0x3;
	s10 =	smul.u32 $0x500, s10  }
0xf: {  	s12 =	smax.u32 s13, $0x1;
	s13 =	sshrl.u32 s16, $0x3;
	s16 =	simm.s32 $0x80  }
0x10: {  	s15 =	sadd.s32 s6, s5;
	s5 =	sadd.s32 $0x18200, s8;
	s30 =	sshrl.u32 s14, $0x3  }
0x11: {  	s6 =	sor.u32 $0x1C03, s29;
	s7 =	sadd.s32 s9, s10;
	s31 =	sadd.s32 $0x280, s30  }
0x12: {  	s8 =	sadd.s32 s11, s10;
	s14 =	simm.s32 $0x3;
	s9 =	sadd.s32 s9, s31  }
0x13: {  	s10 =	sadd.s32 s11, s31;
	s11 =	sadd.s32 $0x66C00, s15;
	s15 =	simm.s32 $0x1400  }
.LBB2_1:
0x14: {  	[spmem:s13], [sflag:s6] =	dma.local [hbm:s5], $0x2780  }
0x15: {  	_ =	swait.ge [sflag:s14], $0x2780  }
0x16: {  	[sflag:s14] =	ssyncset.done $0x0  }
0x17: {  	[sflag:s14] =	ssyncadd.s32 $0xFFFFD880  }
0x18: {  	[bflag:$0x0] =	sbarrier.arrive $0xFFFF  }
0x19: {  	[tilespmem:s3], [sflag:$0x3] =	stream.linear.gather [hbm4b:s7+s3], $0x1400, $0x38;
	[tilespmem:$0x1E400] =	vst v63  }
0x1a: {  	_ =	swait.ge [sflag:s14], $0x1400  }
0x1b: {  	[sflag:s14] =	ssyncset.done $0x0  }
0x1c: {  	[sflag:s14] =	ssyncadd.s32 $0xFFFFEC00  }
0x1d: {  	[tilespmem:s15], [sflag:$0x3] =	stream.linear.gather [hbm4b:s8+s3], $0x1400, $0x38;
	[tilespmem:$0x1E400] =	vst v63  }
0x1e: {  	_ =	swait.ge [sflag:s14], $0x1400  }
0x1f: {  	[sflag:s14] =	ssyncset.done $0x0  }
0x20: {  	[sflag:s14] =	ssyncadd.s32 $0xFFFFEC00  }
0x21: {  	[tilespmem:s17], [sflag:$0x1] =	stream.indirect.gather [hbm4b:s4+s16], $0x80, s3, s16, $0xb8;
	[tilespmem:$0x1E400] =	vst v63  }
0x22: {  	s25 =	simm.s32 $0x80  }
0x23: {  	[tilespmem:s18], [sflag:$0x2] =	stream.indirect.gather [hbm4b:s4+s16], $0x80, s25, s16, $0xb8;
	[tilespmem:$0x1E400] =	vst v63  }
0x24: {  	_ =	swait.ge [sflag:s19], $0x4000  }
0x25: {  	[sflag:s19] =	ssyncset.done $0x0  }
0x26: {  	s29 =	simm.s32 $0x1400;
	[sflag:s19] =	ssyncadd.s32 $0xFFFFC000  }
0x27: {  	[spmem:s2] =	stream.indirect.scatter.add.f32 [tilespmem:s17], [sflag:$0x3], $0x80, s29, s16, $0xb8;
	[tilespmem:$0x1E400] =	vst v63  }
0x28: {  	_ =	swait.ge [sflag:s14], $0x4000  }
0x29: {  	[sflag:s14] =	ssyncset.done $0x0  }
0x2a: {  	s30 =	simm.s32 $0x100;
	[sflag:s14] =	ssyncadd.s32 $0xFFFFC000  }
0x2b: {  	[tilespmem:s17], [sflag:$0x1] =	stream.indirect.gather [hbm4b:s4+s16], $0x80, s30, s16, $0xb8;
	[tilespmem:$0x1E400] =	vst v63  }
0x2c: {  	_ =	swait.ge [sflag:s20], $0x4000  }
0x2d: {  	[sflag:s20] =	ssyncset.done $0x0  }
0x2e: {  	s31 =	simm.s32 $0x1480;
	[sflag:s20] =	ssyncadd.s32 $0xFFFFC000  }
0x2f: {  	[spmem:s2] =	stream.indirect.scatter.add.f32 [tilespmem:s18], [sflag:$0x3], $0x80, s31, s16, $0xb8;
	[tilespmem:$0x1E400] =	vst v63  }
0x30: {  	_ =	swait.ge [sflag:s14], $0x4000  }
0x31: {  	s26 =	simm.s32 $0x800;
	s25 =	simm.s32 $0x100;
	[sflag:s14] =	ssyncset.done $0x0  }
.LBB2_2:
0x32: {  	s28 =	sadd.s32 $0x80, s25  }
0x33: {  	[sflag:s14] =	ssyncadd.s32 $0xFFFFC000;
	s29 =	smov.u32 s26;
	s30 =	sadd.s32 $0x400, s26  }
0x34: {  	[tilespmem:s18], [sflag:$0x2] =	stream.indirect.gather [hbm4b:s4+s16], $0x80, s28, s16, $0xb8;
	[tilespmem:$0x1E400] =	vst v63  }
0x35: {  	p0 =	sne.s32 s26, $0x4800;
	_ =	swait.ge [sflag:s19], $0x4000  }
0x36: {  	[sflag:s19] =	ssyncset.done $0x0  }
0x37: {  	s26 =	sadd.s32 $0x1400, s25;
	[sflag:s19] =	ssyncadd.s32 $0xFFFFC000  }
0x38: {  	[spmem:s2] =	stream.indirect.scatter.add.f32 [tilespmem:s17], [sflag:$0x3], $0x80, s26, s16, $0xb8;
	[tilespmem:$0x1E400] =	vst v63  }
0x39: {  	_ =	swait.ge [sflag:s14], $0x4000  }
0x3a: {  	[sflag:s14] =	ssyncset.done $0x0  }
0x3b: {  	s26 =	sadd.s32 $0x100, s25;
	[sflag:s14] =	ssyncadd.s32 $0xFFFFC000  }
0x3c: {  	[tilespmem:s17], [sflag:$0x1] =	stream.indirect.gather [hbm4b:s4+s16], $0x80, s26, s16, $0xb8;
	[tilespmem:$0x1E400] =	vst v63  }
0x3d: {  	_ =	swait.ge [sflag:s20], $0x4000  }
.Ltmp0:
0x3e: {  	[sflag:s20] =	ssyncset.done $0x0;
	(pc) =	sbr.rel @p0 .LBB2_2-.Ltmp0, $4  }
0x3f: {  	s25 =	sadd.s32 $0x1480, s25;
	[sflag:s20] =	ssyncadd.s32 $0xFFFFC000  }
0x40: {  	[spmem:s2] =	stream.indirect.scatter.add.f32 [tilespmem:s18], [sflag:$0x3], $0x80, s25, s16, $0xb8;
	[tilespmem:$0x1E400] =	vst v63  }
0x41: {  	_ =	swait.ge [sflag:s14], $0x4000  }
0x42: {  	s26 =	smov.u32 s30;
	s25 =	sshra.s32 s29, $0x2;
	[sflag:s14] =	ssyncset.done $0x0  }
0x43: {  	s26 =	sadd.s32 $0x80, s25;
	[sflag:s14] =	ssyncadd.s32 $0xFFFFC000  }
0x44: {  	[tilespmem:s18], [sflag:$0x2] =	stream.indirect.gather [hbm4b:s4+s16], $0x80, s26, s16, $0xb8;
	[tilespmem:$0x1E400] =	vst v63  }
0x45: {  	_ =	swait.ge [sflag:s19], $0x4000  }
0x46: {  	[sflag:s19] =	ssyncset.done $0x0  }
0x47: {  	s29 =	sadd.s32 $0x1400, s25;
	[sflag:s19] =	ssyncadd.s32 $0xFFFFC000  }
0x48: {  	[spmem:s2] =	stream.indirect.scatter.add.f32 [tilespmem:s17], [sflag:$0x3], $0x80, s29, s16, $0xb8;
	[tilespmem:$0x1E400] =	vst v63  }
0x49: {  	_ =	swait.ge [sflag:s14], $0x4000  }
0x4a: {  	[sflag:s14] =	ssyncset.done $0x0  }
0x4b: {  	s30 =	sadd.s32 $0x100, s25;
	[sflag:s14] =	ssyncadd.s32 $0xFFFFC000  }
0x4c: {  	[tilespmem:s17], [sflag:$0x1] =	stream.indirect.gather [hbm4b:s4+s16], $0x80, s30, s16, $0xb8;
	[tilespmem:$0x1E400] =	vst v63  }
0x4d: {  	_ =	swait.ge [sflag:s20], $0x4000  }
0x4e: {  	[sflag:s20] =	ssyncset.done $0x0  }
0x4f: {  	s31 =	sadd.s32 $0x1480, s25;
	[sflag:s20] =	ssyncadd.s32 $0xFFFFC000  }
0x50: {  	[spmem:s2] =	stream.indirect.scatter.add.f32 [tilespmem:s18], [sflag:$0x3], $0x80, s31, s16, $0xb8;
	[tilespmem:$0x1E400] =	vst v63  }
0x51: {  	_ =	swait.ge [sflag:s14], $0x4000  }
0x52: {  	[sflag:s14] =	ssyncset.done $0x0  }
0x53: {  	[sflag:s14] =	ssyncadd.s32 $0xFFFFC000  }
0x54: {  	[tilespmem:s18], [sflag:$0x2] =	stream.indirect.gather [hbm4b:s4+s16], $0x80, s21, s16, $0xb8;
	[tilespmem:$0x1E400] =	vst v63  }
0x55: {  	_ =	swait.ge [sflag:s19], $0x4000  }
0x56: {  	[sflag:s19] =	ssyncset.done $0x0  }
0x57: {  	[sflag:s19] =	ssyncadd.s32 $0xFFFFC000  }
0x58: {  	[spmem:s2] =	stream.indirect.scatter.add.f32 [tilespmem:s17], [sflag:$0x3], $0x80, s22, s16, $0xb8;
	[tilespmem:$0x1E400] =	vst v63  }
0x59: {  	_ =	swait.ge [sflag:s14], $0x4000  }
0x5a: {  	[sflag:s14] =	ssyncset.done $0x0  }
0x5b: {  	s26 =	simm.s32 $0x0;
	[sflag:s14] =	ssyncadd.s32 $0xFFFFC000  }
0x5c: {  	[tilespmem:s17], [sflag:$0x1] =	stream.indirect.gather [hbm4b:s4+s16], $0x80, s26, s16, $0xb8;
	[tilespmem:$0x1E400] =	vst v63  }
0x5d: {  	_ =	swait.ge [sflag:s20], $0x4000  }
0x5e: {  	[sflag:s20] =	ssyncset.done $0x0  }
0x5f: {  	[sflag:s20] =	ssyncadd.s32 $0xFFFFC000  }
0x60: {  	[spmem:s2] =	stream.indirect.scatter.add.f32 [tilespmem:s18], [sflag:$0x3], $0x80, s23, s16, $0xb8;
	[tilespmem:$0x1E400] =	vst v63  }
0x61: {  	_ =	swait.ge [sflag:s14], $0x4000  }
0x62: {  	[sflag:s14] =	ssyncset.done $0x0  }
0x63: {  	[sflag:s14] =	ssyncadd.s32 $0xFFFFC000  }
0x64: {  	_ =	swait.ge [sflag:s19], $0x4000  }
0x65: {  	[sflag:s19] =	ssyncset.done $0x0  }
0x66: {  	[sflag:s19] =	ssyncadd.s32 $0xFFFFC000  }
0x67: {  	[tilespmem:s26], [sflag:$0x3] =	stream.linear.gather [hbm4b:s9+s26], $0x1400, $0x38;
	[tilespmem:$0x1E400] =	vst v63  }
0x68: {  	_ =	swait.ge [sflag:s14], $0x1400  }
0x69: {  	[sflag:s14] =	ssyncset.done $0x0  }
0x6a: {  	[sflag:s14] =	ssyncadd.s32 $0xFFFFEC00  }
0x6b: {  	[tilespmem:s15], [sflag:$0x3] =	stream.linear.gather [hbm4b:s10+s26], $0x1400, $0x38;
	[tilespmem:$0x1E400] =	vst v63  }
0x6c: {  	_ =	swait.ge [sflag:s14], $0x1400  }
0x6d: {  	[sflag:s14] =	ssyncset.done $0x0  }
0x6e: {  	[sflag:s14] =	ssyncadd.s32 $0xFFFFEC00  }
0x6f: {  	[tilespmem:s17], [sflag:$0x1] =	stream.indirect.gather [hbm4b:s4+s16], $0x80, s26, s16, $0xb8;
	[tilespmem:$0x1E400] =	vst v63  }
0x70: {  	s28 =	simm.s32 $0x80  }
0x71: {  	[tilespmem:s18], [sflag:$0x2] =	stream.indirect.gather [hbm4b:s4+s16], $0x80, s28, s16, $0xb8;
	[tilespmem:$0x1E400] =	vst v63  }
0x72: {  	_ =	swait.ge [sflag:s19], $0x4000  }
0x73: {  	[sflag:s19] =	ssyncset.done $0x0  }
0x74: {  	s29 =	simm.s32 $0x1400;
	[sflag:s19] =	ssyncadd.s32 $0xFFFFC000  }
0x75: {  	[spmem:s2] =	stream.indirect.scatter.add.f32 [tilespmem:s17], [sflag:$0x3], $0x80, s29, s16, $0xb8;
	[tilespmem:$0x1E400] =	vst v63  }
0x76: {  	_ =	swait.ge [sflag:s14], $0x4000  }
0x77: {  	[sflag:s14] =	ssyncset.done $0x0  }
0x78: {  	s30 =	simm.s32 $0x100;
	[sflag:s14] =	ssyncadd.s32 $0xFFFFC000  }
0x79: {  	[tilespmem:s17], [sflag:$0x1] =	stream.indirect.gather [hbm4b:s4+s16], $0x80, s30, s16, $0xb8;
	[tilespmem:$0x1E400] =	vst v63  }
0x7a: {  	_ =	swait.ge [sflag:s20], $0x4000  }
0x7b: {  	[sflag:s20] =	ssyncset.done $0x0  }
0x7c: {  	s31 =	simm.s32 $0x1480;
	[sflag:s20] =	ssyncadd.s32 $0xFFFFC000  }
0x7d: {  	[spmem:s2] =	stream.indirect.scatter.add.f32 [tilespmem:s18], [sflag:$0x3], $0x80, s31, s16, $0xb8;
	[tilespmem:$0x1E400] =	vst v63  }
0x7e: {  	_ =	swait.ge [sflag:s14], $0x4000  }
0x7f: {  	s25 =	simm.s32 $0x100;
	s26 =	simm.s32 $0x800;
	[sflag:s14] =	ssyncset.done $0x0  }
.LBB2_4:
0x80: {  	s28 =	sadd.s32 $0x80, s25  }
0x81: {  	[sflag:s14] =	ssyncadd.s32 $0xFFFFC000;
	s29 =	smov.u32 s26;
	s30 =	sadd.s32 $0x400, s26  }
0x82: {  	[tilespmem:s18], [sflag:$0x2] =	stream.indirect.gather [hbm4b:s4+s16], $0x80, s28, s16, $0xb8;
	[tilespmem:$0x1E400] =	vst v63  }
0x83: {  	p0 =	sne.s32 s26, $0x4800;
	_ =	swait.ge [sflag:s19], $0x4000  }
0x84: {  	[sflag:s19] =	ssyncset.done $0x0  }
0x85: {  	s26 =	sadd.s32 $0x1400, s25;
	[sflag:s19] =	ssyncadd.s32 $0xFFFFC000  }
0x86: {  	[spmem:s2] =	stream.indirect.scatter.add.f32 [tilespmem:s17], [sflag:$0x3], $0x80, s26, s16, $0xb8;
	[tilespmem:$0x1E400] =	vst v63  }
0x87: {  	_ =	swait.ge [sflag:s14], $0x4000  }
0x88: {  	[sflag:s14] =	ssyncset.done $0x0  }
0x89: {  	s26 =	sadd.s32 $0x100, s25;
	[sflag:s14] =	ssyncadd.s32 $0xFFFFC000  }
0x8a: {  	[tilespmem:s17], [sflag:$0x1] =	stream.indirect.gather [hbm4b:s4+s16], $0x80, s26, s16, $0xb8;
	[tilespmem:$0x1E400] =	vst v63  }
0x8b: {  	_ =	swait.ge [sflag:s20], $0x4000  }
.Ltmp1:
0x8c: {  	[sflag:s20] =	ssyncset.done $0x0;
	(pc) =	sbr.rel @p0 .LBB2_4-.Ltmp1, $4  }
0x8d: {  	s25 =	sadd.s32 $0x1480, s25;
	[sflag:s20] =	ssyncadd.s32 $0xFFFFC000  }
0x8e: {  	[spmem:s2] =	stream.indirect.scatter.add.f32 [tilespmem:s18], [sflag:$0x3], $0x80, s25, s16, $0xb8;
	[tilespmem:$0x1E400] =	vst v63  }
0x8f: {  	_ =	swait.ge [sflag:s14], $0x4000  }
0x90: {  	s26 =	smov.u32 s30;
	s25 =	sshra.s32 s29, $0x2;
	[sflag:s14] =	ssyncset.done $0x0  }
0x91: {  	s26 =	sadd.s32 $0x80, s25;
	[sflag:s14] =	ssyncadd.s32 $0xFFFFC000  }
0x92: {  	[tilespmem:s18], [sflag:$0x2] =	stream.indirect.gather [hbm4b:s4+s16], $0x80, s26, s16, $0xb8;
	[tilespmem:$0x1E400] =	vst v63  }
0x93: {  	_ =	swait.ge [sflag:s19], $0x4000  }
0x94: {  	[sflag:s19] =	ssyncset.done $0x0  }
0x95: {  	s29 =	sadd.s32 $0x1400, s25;
	[sflag:s19] =	ssyncadd.s32 $0xFFFFC000  }
0x96: {  	[spmem:s2] =	stream.indirect.scatter.add.f32 [tilespmem:s17], [sflag:$0x3], $0x80, s29, s16, $0xb8;
	[tilespmem:$0x1E400] =	vst v63  }
0x97: {  	_ =	swait.ge [sflag:s14], $0x4000  }
0x98: {  	[sflag:s14] =	ssyncset.done $0x0  }
0x99: {  	s30 =	sadd.s32 $0x100, s25;
	[sflag:s14] =	ssyncadd.s32 $0xFFFFC000  }
0x9a: {  	[tilespmem:s17], [sflag:$0x1] =	stream.indirect.gather [hbm4b:s4+s16], $0x80, s30, s16, $0xb8;
	[tilespmem:$0x1E400] =	vst v63  }
0x9b: {  	_ =	swait.ge [sflag:s20], $0x4000  }
0x9c: {  	[sflag:s20] =	ssyncset.done $0x0  }
0x9d: {  	s31 =	sadd.s32 $0x1480, s25;
	[sflag:s20] =	ssyncadd.s32 $0xFFFFC000  }
0x9e: {  	[spmem:s2] =	stream.indirect.scatter.add.f32 [tilespmem:s18], [sflag:$0x3], $0x80, s31, s16, $0xb8;
	[tilespmem:$0x1E400] =	vst v63  }
0x9f: {  	_ =	swait.ge [sflag:s14], $0x4000  }
0xa0: {  	[sflag:s14] =	ssyncset.done $0x0  }
0xa1: {  	[sflag:s14] =	ssyncadd.s32 $0xFFFFC000  }
0xa2: {  	[tilespmem:s18], [sflag:$0x2] =	stream.indirect.gather [hbm4b:s4+s16], $0x80, s21, s16, $0xb8;
	[tilespmem:$0x1E400] =	vst v63  }
0xa3: {  	_ =	swait.ge [sflag:s19], $0x4000  }
0xa4: {  	[sflag:s19] =	ssyncset.done $0x0  }
0xa5: {  	[sflag:s19] =	ssyncadd.s32 $0xFFFFC000  }
0xa6: {  	[spmem:s2] =	stream.indirect.scatter.add.f32 [tilespmem:s17], [sflag:$0x3], $0x80, s22, s16, $0xb8;
	[tilespmem:$0x1E400] =	vst v63  }
0xa7: {  	_ =	swait.ge [sflag:s14], $0x4000  }
0xa8: {  	[sflag:s14] =	ssyncset.done $0x0  }
0xa9: {  	[sflag:s14] =	ssyncadd.s32 $0xFFFFC000  }
0xaa: {  	[tilespmem:s17], [sflag:$0x1] =	stream.indirect.gather [hbm4b:s4+s16], $0x80, s3, s16, $0xb8;
	[tilespmem:$0x1E400] =	vst v63  }
0xab: {  	_ =	swait.ge [sflag:s20], $0x4000  }
0xac: {  	[sflag:s20] =	ssyncset.done $0x0  }
0xad: {  	[sflag:s20] =	ssyncadd.s32 $0xFFFFC000  }
0xae: {  	[spmem:s2] =	stream.indirect.scatter.add.f32 [tilespmem:s18], [sflag:$0x3], $0x80, s23, s16, $0xb8;
	[tilespmem:$0x1E400] =	vst v63  }
0xaf: {  	_ =	swait.ge [sflag:s14], $0x4000  }
0xb0: {  	[sflag:s14] =	ssyncset.done $0x0  }
0xb1: {  	[sflag:s14] =	ssyncadd.s32 $0xFFFFC000  }
0xb2: {  	_ =	swait.ge [sflag:s19], $0x4000  }
0xb3: {  	s24 =	sadd.s32 $0x1, s24;
	[sflag:s19] =	ssyncset.done $0x0  }
0xb4: {  	p0 =	sne.s32 s24, s12;
	[sflag:s19] =	ssyncadd.s32 $0xFFFFC000  }
.Ltmp2:
0xb5: {  	[bflag:$0x0] =	sbarrier.arrive $0xFFFF;
	(pc) =	sbr.rel @p0 .LBB2_1-.Ltmp2, $4  }
0xb6: {  	[hbm:s11], [sflag:s6] =	dma.local [spmem:s13], $0x2780  }
0xb7: {  	_ =	swait.ge [sflag:s14], $0x2780  }
0xb8: {  	[sflag:s14] =	ssyncset.done $0x0  }
0xb9: {  	[sflag:s14] =	ssyncadd.s32 $0xFFFFD880  }
0xba: {  	_ =	sfence.sel $0x180000  }
0xbb: {  	[bflag:$0x0] =	sbarrier.arrive $0xFFFF  }
0xbc: {  	p0 =	sne.s32 s1, $0x0;
	_ =	strace $0x90000050  }
0xbd: {  	s0 =	sadd.s32 @!p0 $0x100000, s0;
	[bflag:$0x2] =	sbarrier.arrive $0xFFFF  }
0xbe: {  	[sflag:s0] =	ssyncadd.tile.s32 @!p0 $0x1;
	_ =	shalt  }
.Lfunc_end2:
_tile_overlayer_lowered:
.L_overlay_start_2:
0xbf: {  	(tag) =	ssettag $0x2  }
0xc0: {  	s0 =	rddreg [dreg:$0x0];
	s2 =	stileid.u32  }
0xc1: {  	s1 =	rddreg [dreg:$0x1];
	p0 =	sne.s32 s2, $0x0  }
0xc2: {  	s3 =	rddreg [dreg:$0x2];
	[bflag:$0x3] =	sbarrier.arrive $0xFFFF;
	s2 =	simm.s32 @!p0 $0x1C03  }
0xc3: {  	[timem:s3], [sflag:s2] =	dma.local @!p0 [hbm:s0], s1  }
0xc4: {  	s0 =	simm.s32 @!p0 $0x3  }
0xc5: {  	_ =	swait.ge @!p0 [sflag:s0], s1  }
0xc6: {  	s1 =	ssub.s32 @!p0 $0x0, s1;
	[sflag:s0] =	ssyncset.done @!p0 $0x0  }
0xc7: {  	[sflag:s0] =	ssyncadd.s32 @!p0 s1  }
0xc8: {  	[bflag:$0x3] =	sbarrier.arrive $0xFFFF  }
0xc9: {  	_ =	shalt  }

</sc_bundles>
